<compile_context>
chip_gen: v7x
topology: tpu7x:2x2x1
jax: 0.10.2.dev20260603
libtpu: 0.0.44.dev20260713+nightly
codegen_flags: <defaults>
</compile_context>

<pallas_src>
import functools

import jax
import jax.numpy as jnp
from jax import lax
from jax.experimental import pallas as pl
from jax.experimental.pallas import tpu as pltpu
from jax.experimental.pallas import tpu_sc as plsc

NC, NS, LANES = 2, 16, 16
BS = 64


def _sc_mesh():
    return plsc.VectorSubcoreMesh(
        core_axis_name="c", subcore_axis_name="s",
        num_cores=NC, num_subcores=NS)


_SC_PARAMS = pltpu.CompilerParams(use_tc_tiling_on_sc=False)


def _row_split(n):
    per = -(-(n // NS) // 8) * 8
    last = n - per * (NS - 1)
    assert last > 0 and last % 8 == 0
    return per, last


def _tile_copy(src, dst, sid, per, last):
    @pl.when(sid < NS - 1)
    def _():
        off = pl.multiple_of(sid * per, 8)
        pltpu.sync_copy(src.at[pl.ds(off, per)], dst.at[pl.ds(off, per)])

    @pl.when(sid == NS - 1)
    def _():
        off = (NS - 1) * per
        pltpu.sync_copy(src.at[pl.ds(off, last)], dst.at[pl.ds(off, last)])


def _batch_split(e, bs=BS):
    nbt = e // bs
    assert nbt * bs == e
    q, rem = divmod(nbt, NC * NS)
    return nbt, q, rem


def _make_sc_deg(n, e):
    nbt, q, rem = _batch_split(e)
    per, last = _row_split(n)

    @functools.partial(
        pl.kernel,
        out_type=jax.ShapeDtypeStruct((NC, n, LANES), jnp.float32),
        mesh=_sc_mesh(),
        scratch_types=[
            pltpu.VMEM((q + 1, BS), jnp.int32),
            pltpu.VMEM((BS, LANES), jnp.float32),
            pltpu.SemaphoreType.DMA,
            pltpu.VMEM_SHARED((n, LANES), jnp.float32),
        ],
        compiler_params=_SC_PARAMS,
    )
    def deg_kernel(col2d_hbm, zeros_hbm, out_hbm, idx_all, ones_v, sem, acc):
        cid = lax.axis_index("c")
        sid = lax.axis_index("s")
        wid = cid * NS + sid
        extra = wid < rem
        r0 = wid * q + jnp.minimum(wid, rem)
        nb = q + extra.astype(jnp.int32)

        def fill(i, _):
            ones_v[i, :] = jnp.full((LANES,), 1.0, jnp.float32)
            return 0
        lax.fori_loop(0, BS, fill, 0)

        pltpu.sync_copy(col2d_hbm.at[pl.ds(r0, q)], idx_all.at[pl.ds(0, q)])

        @pl.when(extra)
        def _():
            pltpu.sync_copy(col2d_hbm.at[pl.ds(r0 + q, 1)],
                            idx_all.at[pl.ds(q, 1)])

        _tile_copy(zeros_hbm, acc, sid, per, last)
        plsc.subcore_barrier()

        def body(bi, _):
            pltpu.async_copy(ones_v, acc.at[idx_all.at[bi]], sem, add=True)
            return 0
        lax.fori_loop(0, nb, body, 0)

        def drain(bi, _):
            pltpu.make_async_copy(ones_v, acc.at[idx_all.at[0]], sem).wait()
            return 0
        lax.fori_loop(0, nb, drain, 0)

        plsc.subcore_barrier()
        _tile_copy(acc, out_hbm.at[cid], sid, per, last)

    return deg_kernel


def _make_sc_spmm(n, e, w, bs=BS, nbuf=4, nidx=8):
    nbt, q, rem = _batch_split(e, bs)
    per, last = _row_split(n)
    NBUF, NIDX = nbuf, nidx

    @functools.partial(
        pl.kernel,
        out_type=jax.ShapeDtypeStruct((NC, n, w), jnp.float32),
        mesh=_sc_mesh(),
        scratch_types=[
            pltpu.VMEM((NIDX, bs), jnp.int32),
            pltpu.VMEM((NIDX, bs), jnp.int32),
            pltpu.VMEM((NBUF, bs, w), jnp.float32),
            pltpu.SemaphoreType.DMA,
            pltpu.SemaphoreType.DMA,
            pltpu.SemaphoreType.DMA,
            pltpu.VMEM_SHARED((n, w), jnp.float32),
        ],
        compiler_params=_SC_PARAMS,
    )
    def spmm_kernel(row2d_hbm, col2d_hbm, tab_hbm, zeros_hbm, out_hbm,
                    idxr, idxc, bufs, semi, semg, sems, acc):
        cid = lax.axis_index("c")
        sid = lax.axis_index("s")
        wid = cid * NS + sid
        extra = wid < rem
        r0 = wid * q + jnp.minimum(wid, rem)
        nb = q + extra.astype(jnp.int32)

        def idx_start(bi):
            s = bi % NIDX
            pltpu.async_copy(row2d_hbm.at[pl.ds(r0 + bi, 1)],
                             idxr.at[pl.ds(s, 1)], semi)
            pltpu.async_copy(col2d_hbm.at[pl.ds(r0 + bi, 1)],
                             idxc.at[pl.ds(s, 1)], semi)

        def idx_wait():
            pltpu.make_async_copy(row2d_hbm.at[pl.ds(r0, 1)],
                                  idxr.at[pl.ds(0, 1)], semi).wait()
            pltpu.make_async_copy(col2d_hbm.at[pl.ds(r0, 1)],
                                  idxc.at[pl.ds(0, 1)], semi).wait()

        def g_start(bi):
            pltpu.async_copy(tab_hbm.at[idxr.at[bi % NIDX]],
                             bufs.at[bi % NBUF], semg)

        def g_wait():
            pltpu.make_async_copy(tab_hbm.at[idxr.at[0]],
                                  bufs.at[0], semg).wait()

        def s_start(bi):
            pltpu.async_copy(bufs.at[bi % NBUF],
                             acc.at[idxc.at[bi % NIDX]], sems,
                             add=True)

        def s_drain():
            pltpu.make_async_copy(bufs.at[0], acc.at[idxc.at[0]],
                                  sems).wait()

        _tile_copy(zeros_hbm, acc, sid, per, last)
        plsc.subcore_barrier()

        for bi in range(NBUF):
            idx_start(bi)
        for bi in range(NBUF - 1):
            idx_wait()
            g_start(bi)

        def body(b, _):
            @pl.when(b >= 1)
            def _():
                s_drain()

            @pl.when(b + NBUF < nb)
            def _():
                idx_start(b + NBUF)

            @pl.when(b + NBUF - 1 < nb)
            def _():
                idx_wait()
                g_start(b + NBUF - 1)
            g_wait()
            s_start(b)
            return 0
        lax.fori_loop(0, nb, body, 0)
        s_drain()

        plsc.subcore_barrier()
        _tile_copy(acc, out_hbm.at[cid], sid, per, last)

    return spmm_kernel


def _gelu(v):
    return 0.5 * v * (1.0 + lax.erf(v * (2.0 ** -0.5)))


def _tc0_body(x_ref, w_ref, z_ref):
    z_ref[...] = lax.dot_general(x_ref[...], w_ref[...],
                                 (((1,), (1,)), ((), ())),
                                 preferred_element_type=jnp.float32)


def _tc1_body(x_ref, w_ref, degp_ref, aug_ref):
    z3 = lax.dot_general(x_ref[...], w_ref[...], (((1,), (1,)), ((), ())),
                         preferred_element_type=jnp.float32)
    deg = degp_ref[0, :, 0] + degp_ref[1, :, 0]
    inv = 1.0 / deg
    aug_ref[...] = jnp.concatenate(
        [z3 * inv[:, None],
         jnp.broadcast_to(inv[:, None], (z3.shape[0], LANES))], axis=1)


def _tc2_body(h, z12_ref, b0_ref, aggp_ref, degp_ref, w_ref, b_ref,
              o1_ref, bs1_ref):
    agg = aggp_ref[0, :, :h] + aggp_ref[1, :, :h]
    c = aggp_ref[0, :, h] + aggp_ref[1, :, h]
    x1 = _gelu(z12_ref[:, :h] + b0_ref[...] - agg
               - c[:, None] * z12_ref[:, h:])
    z = lax.dot_general(x1, w_ref[...], (((1,), (1,)), ((), ())),
                        preferred_element_type=jnp.float32)
    deg = degp_ref[0, :, 0] + degp_ref[1, :, 0]
    inv = 1.0 / deg
    o1_ref[...] = 0.5 * (z[:, :h] + b_ref[...] - c[:, None] * z[:, h:2 * h])
    bs1_ref[...] = -(z[:, 2 * h:] * inv[:, None])


def _tc3_body(aggp_ref, out_ref):
    out_ref[...] = _gelu(aggp_ref[0] + aggp_ref[1])


def kernel(x, edge_index, W1, W2, b):
    n, h = x.shape
    e = edge_index.shape[1]
    row2d = edge_index[0].reshape(e // BS, BS)
    col2d = edge_index[1].reshape(e // BS, BS)

    wcat12 = jnp.concatenate([W1[0], W2[0][:, :h]], axis=0)
    wb0 = W2[0][:, h:]
    wcat1 = jnp.concatenate([W1[1], W2[1][:, :h], W2[1][:, h:]], axis=0)
    b0, b1 = b[0][None, :], b[1][None, :]

    z16 = jnp.zeros((n, LANES), jnp.float32)
    zaug = jnp.zeros((n, h + LANES), jnp.float32)

    degp = _make_sc_deg(n, e)(col2d, z16)

    r = 1000
    grid = (n // r,)
    f32 = jnp.float32

    z12 = pl.pallas_call(
        _tc0_body,
        grid=grid,
        in_specs=[
            pl.BlockSpec((r, h), lambda i: (i, 0)),
            pl.BlockSpec((2 * h, h), lambda i: (0, 0)),
        ],
        out_specs=pl.BlockSpec((r, 2 * h), lambda i: (i, 0)),
        out_shape=jax.ShapeDtypeStruct((n, 2 * h), f32),
    )(x, wcat12)

    aug = pl.pallas_call(
        _tc1_body,
        grid=grid,
        in_specs=[
            pl.BlockSpec((r, h), lambda i: (i, 0)),
            pl.BlockSpec((h, h), lambda i: (0, 0)),
            pl.BlockSpec((NC, r, LANES), lambda i: (0, i, 0)),
        ],
        out_specs=pl.BlockSpec((r, h + LANES), lambda i: (i, 0)),
        out_shape=jax.ShapeDtypeStruct((n, h + LANES), f32),
    )(x, wb0, degp)

    aggp0 = _make_sc_spmm(n, e, h + LANES)(row2d, col2d, aug, zaug)

    o1, bs1 = pl.pallas_call(
        functools.partial(_tc2_body, h),
        grid=grid,
        in_specs=[
            pl.BlockSpec((r, 2 * h), lambda i: (i, 0)),
            pl.BlockSpec((1, h), lambda i: (0, 0)),
            pl.BlockSpec((NC, r, h + LANES), lambda i: (0, i, 0)),
            pl.BlockSpec((NC, r, LANES), lambda i: (0, i, 0)),
            pl.BlockSpec((3 * h, h), lambda i: (0, 0)),
            pl.BlockSpec((1, h), lambda i: (0, 0)),
        ],
        out_specs=[
            pl.BlockSpec((r, h), lambda i: (i, 0)),
            pl.BlockSpec((r, h), lambda i: (i, 0)),
        ],
        out_shape=[
            jax.ShapeDtypeStruct((n, h), f32),
            jax.ShapeDtypeStruct((n, h), f32),
        ],
    )(z12, b0, aggp0, degp, wcat1, b1)

    row2dw = edge_index[0].reshape(e // 128, 128)
    col2dw = edge_index[1].reshape(e // 128, 128)
    aggp1 = _make_sc_spmm(n, e, h, bs=128, nbuf=3, nidx=4)(
        row2dw, col2dw, bs1, o1)

    out = pl.pallas_call(
        _tc3_body,
        grid=grid,
        in_specs=[
            pl.BlockSpec((NC, r, h), lambda i: (0, i, 0)),
        ],
        out_specs=pl.BlockSpec((r, h), lambda i: (i, 0)),
        out_shape=jax.ShapeDtypeStruct((n, h), f32),
    )(aggp1)

    return out

# --- scband reference (transcript-rebuilt; emitter-appended) ---
"""Pipeline reference for scband-graph-distillation-network-43559558316733 (READ-ONLY COPY).

The authoritative reference and input builder live on the scoring server;
editing this copy changes nothing except your own understanding.
"""

import jax, jax.numpy as jnp
import numpy as np

NUM_GDL = 2
HIDDEN = 128
N = 10000
E = 320000

def setup_inputs(seed: int = 0) -> dict:
    key = jax.random.key(seed)
    ks = jax.random.split(key, 6)
    x = jax.random.normal(ks[0], (N, HIDDEN), dtype=jnp.float32)
    edge_index = jax.random.randint(ks[1], (2, E), 0, N, dtype=jnp.int32)
    s1 = 1.0 / np.sqrt(HIDDEN)
    W1 = jax.random.uniform(ks[2], (NUM_GDL, HIDDEN, HIDDEN), minval=-s1, maxval=s1, dtype=jnp.float32)
    s2 = 1.0 / np.sqrt(2 * HIDDEN)
    W2 = jax.random.uniform(ks[3], (NUM_GDL, HIDDEN, 2 * HIDDEN), minval=-s2, maxval=s2, dtype=jnp.float32)
    b = jnp.zeros((NUM_GDL, HIDDEN), dtype=jnp.float32)
    return {"x": x, "edge_index": edge_index, "W1": W1, "W2": W2, "b": b}

def reference(x, edge_index, W1, W2, b):
    # GraphDistillationNetwork forward (eval mode: dropout = identity)
    row = edge_index[0]
    col = edge_index[1]
    n = x.shape[0]
    ones = jnp.ones((edge_index.shape[1],), dtype=x.dtype)
    # deg = in-degree of dst (col); constant across layers
    deg = jax.ops.segment_sum(ones, col, num_segments=n)
    norm = (1.0 / deg)[row]
    for k in range(NUM_GDL):
        # out = lin1(x)
        out = x @ W1[k].T
        # message: norm * lin2(cat([x_i, x_j])) where x_i = x[col] (target), x_j = x[row] (source)
        x_i = jnp.take(x, col, axis=0)
        x_j = jnp.take(x, row, axis=0)
        msg = norm[:, None] * (jnp.concatenate([x_i, x_j], axis=-1) @ W2[k].T)
        # aggr='add': scatter-add messages to target nodes (col)
        agg = jnp.zeros_like(out).at[col].add(msg)
        out = out - agg + b[k]
        x = jax.nn.gelu(out, approximate=False)
    return x

if __name__ == "__main__":
    import jax
    _d = setup_inputs()
    print(jax.jit(kernel)(*tuple(_d.values())))

</pallas_src>

<mosaic_0001>
#map = affine_map<(d0, d1) -> (0, 0)>
#map1 = affine_map<(d0, d1) -> (0, 0, 0)>
module attributes {stable_mosaic.version = 14 : i64} {
  func.func @deg_kernel(%arg0: i32, %arg1: i32, %arg2: memref<5000x64xi32, #tpu.memory_space<hbm>>, %arg3: memref<10000x16xf32, #tpu.memory_space<hbm>>, %arg4: memref<2x10000x16xf32, #tpu.memory_space<hbm>>, %arg5: memref<157x64xi32, #tpu.memory_space<vmem>>, %arg6: memref<64x16xf32, #tpu.memory_space<vmem>>, %arg7: memref<!tpu.dma_semaphore, #tpu.memory_space<semaphore_mem>>, %arg8: memref<10000x16xf32, #tpu.memory_space<vmem_shared>>) attributes {dimension_semantics = [#tpu.dimension_semantics<core_parallel>, #tpu.dimension_semantics<subcore_parallel>], iteration_bounds = array<i64: 2, 16>, scalar_prefetch = 0 : i64, scratch_operands = 4 : i64, tpu.core_type = #tpu.core_type<sc_vector_subcore>, window_params = [{transform_indices = #map}, {transform_indices = #map}, {transform_indices = #map1}]} {
    %mul3A = arith.constant 16 : i32
    %mul3A_0 = arith.muli %arg0, %mul3A : i32
    %add3A = arith.addi %mul3A_0, %arg1 : i32
    %lt3A = arith.constant 8 : i32
    %lt3A_1 = arith.cmpi slt, %add3A, %lt3A : i32
    %mul3A_2 = arith.constant 156 : i32
    %mul3A_3 = arith.muli %add3A, %mul3A_2 : i32
    %min3A = arith.constant 8 : i32
    %min3A_4 = arith.minsi %add3A, %min3A : i32
    %add3A_5 = arith.addi %mul3A_3, %min3A_4 : i32
    %convert_element_type3A = arith.extui %lt3A_1 : i1 to i32
    %add3A_6 = arith.constant 156 : i32
    %add3A_7 = arith.addi %add3A_6, %convert_element_type3A : i32
    %scan3A = arith.constant 0 : i32
    %scan3A_8 = arith.constant 0 : i32
    %scan3A_9 = arith.constant 64 : i32
    %scan3A_10 = arith.addi %scan3A_8, %scan3A_9 : i32
    %scan3A_11 = arith.constant 1 : i32
    %scan3A_12 = scf.for %scan3A_59 = %scan3A_8 to %scan3A_10 step %scan3A_11 iter_args(%scan3A_60 = %scan3A) -> (i32)  : i32 {
      %broadcast_in_dim3A = arith.constant 1.000000e+00 : f32
      %broadcast_in_dim3A_61 = vector.broadcast %broadcast_in_dim3A : f32 to vector<16xf32>
      %swap3A = arith.index_cast %scan3A_59 : i32 to index
      %swap3A_62 = arith.constant 0 : index
      %swap3A_63 = tpu.vector_load %arg6[%swap3A, %swap3A_62] {strides = array<i32>} : memref<64x16xf32, #tpu.memory_space<vmem>>, vector<1x16xf32>,
      %swap3A_64 = vector.shape_cast %swap3A_63 : vector<1x16xf32> to vector<16xf32>
      %swap3A_65 = vector.shape_cast %broadcast_in_dim3A_61 : vector<16xf32> to vector<1x16xf32>
      tpu.vector_store %arg6[%swap3A, %swap3A_62], %swap3A_65 {strides = array<i32>} : memref<64x16xf32, #tpu.memory_space<vmem>>, vector<1x16xf32>,
      %scan3A_66 = arith.constant 0 : i32
      scf.yield %scan3A_66 : i32
    }
    %scan3A_13 = arith.constant 64 : i32
    "tpu.region"() ({
      %run_scoped3A = tpu.sem_alloc : memref<!tpu.dma_semaphore, #tpu.memory_space<semaphore_mem>>
      %dma_start3A = arith.constant 0 : i32
      %dma_start3A_59 = arith.constant 0 : i32
      %dma_start3A_60 = tpu.memref_slice %arg5[%dma_start3A, %dma_start3A_59] : memref<157x64xi32, #tpu.memory_space<vmem>> -> memref<156x64xi32, #tpu.memory_space<vmem>>
      %dma_start3A_61 = arith.constant 0 : i32
      %dma_start3A_62 = tpu.memref_slice %arg2[%add3A_5, %dma_start3A_61] : memref<5000x64xi32, #tpu.memory_space<hbm>> -> memref<156x64xi32, #tpu.memory_space<hbm>>
      %dma_start3A_63 = arith.constant 0 : i32
      %dma_start3A_64 = arith.constant 0 : i32
      %dma_start3A_65 = tpu.memref_slice %arg5[%dma_start3A_63, %dma_start3A_64] : memref<157x64xi32, #tpu.memory_space<vmem>> -> memref<156x64xi32, #tpu.memory_space<vmem>>
      %dma_start3A_66 = arith.constant 0 : i32
      %dma_start3A_67 = tpu.memref_slice %arg2[%add3A_5, %dma_start3A_66] : memref<5000x64xi32, #tpu.memory_space<hbm>> -> memref<156x64xi32, #tpu.memory_space<hbm>>
      tpu.enqueue_dma source(%dma_start3A_67 : memref<156x64xi32, #tpu.memory_space<hbm>>) target(%dma_start3A_65 : memref<156x64xi32, #tpu.memory_space<vmem>>) target_semaphore(%run_scoped3A : memref<!tpu.dma_semaphore, #tpu.memory_space<semaphore_mem>>)
      %dma_wait3A = arith.constant 0 : i32
      %dma_wait3A_68 = arith.constant 0 : i32
      %dma_wait3A_69 = tpu.memref_slice %arg5[%dma_wait3A, %dma_wait3A_68] : memref<157x64xi32, #tpu.memory_space<vmem>> -> memref<156x64xi32, #tpu.memory_space<vmem>>
      %dma_wait3A_70 = arith.constant 0 : i32
      %dma_wait3A_71 = tpu.memref_slice %arg2[%add3A_5, %dma_wait3A_70] : memref<5000x64xi32, #tpu.memory_space<hbm>> -> memref<156x64xi32, #tpu.memory_space<hbm>>
      %dma_wait3A_72 = arith.constant 0 : i32
      %dma_wait3A_73 = arith.constant 0 : i32
      %dma_wait3A_74 = tpu.memref_slice %arg5[%dma_wait3A_72, %dma_wait3A_73] : memref<157x64xi32, #tpu.memory_space<vmem>> -> memref<156x64xi32, #tpu.memory_space<vmem>>
      %dma_wait3A_75 = arith.constant 0 : i32
      %dma_wait3A_76 = tpu.memref_slice %arg2[%add3A_5, %dma_wait3A_75] : memref<5000x64xi32, #tpu.memory_space<hbm>> -> memref<156x64xi32, #tpu.memory_space<hbm>>
      tpu.wait_dma2 semaphore(%run_scoped3A : memref<!tpu.dma_semaphore, #tpu.memory_space<semaphore_mem>>) src(%dma_wait3A_76 : memref<156x64xi32, #tpu.memory_space<hbm>>) dst(%dma_wait3A_74 : memref<156x64xi32, #tpu.memory_space<vmem>>)
      tpu.yield
    }) : () -> ()
    %convert_element_type3A_14 = arith.extui %lt3A_1 : i1 to i32
    %cond3A = arith.constant 0 : i32
    %cond3A_15 = arith.cmpi ne, %convert_element_type3A_14, %cond3A : i32
    scf.if %cond3A_15 {
      %add3A_59 = arith.constant 156 : i32
      %add3A_60 = arith.addi %add3A_5, %add3A_59 : i32
      "tpu.region"() ({
        %run_scoped3A = tpu.sem_alloc : memref<!tpu.dma_semaphore, #tpu.memory_space<semaphore_mem>>
        %dma_start3A = arith.constant 156 : i32
        %dma_start3A_61 = arith.constant 0 : i32
        %dma_start3A_62 = tpu.memref_slice %arg5[%dma_start3A, %dma_start3A_61] : memref<157x64xi32, #tpu.memory_space<vmem>> -> memref<1x64xi32, #tpu.memory_space<vmem>>
        %dma_start3A_63 = arith.constant 0 : i32
        %dma_start3A_64 = tpu.memref_slice %arg2[%add3A_60, %dma_start3A_63] : memref<5000x64xi32, #tpu.memory_space<hbm>> -> memref<1x64xi32, #tpu.memory_space<hbm>>
        %dma_start3A_65 = arith.constant 156 : i32
        %dma_start3A_66 = arith.constant 0 : i32
        %dma_start3A_67 = tpu.memref_slice %arg5[%dma_start3A_65, %dma_start3A_66] : memref<157x64xi32, #tpu.memory_space<vmem>> -> memref<1x64xi32, #tpu.memory_space<vmem>>
        %dma_start3A_68 = arith.constant 0 : i32
        %dma_start3A_69 = tpu.memref_slice %arg2[%add3A_60, %dma_start3A_68] : memref<5000x64xi32, #tpu.memory_space<hbm>> -> memref<1x64xi32, #tpu.memory_space<hbm>>
        tpu.enqueue_dma source(%dma_start3A_69 : memref<1x64xi32, #tpu.memory_space<hbm>>) target(%dma_start3A_67 : memref<1x64xi32, #tpu.memory_space<vmem>>) target_semaphore(%run_scoped3A : memref<!tpu.dma_semaphore, #tpu.memory_space<semaphore_mem>>)
        %dma_wait3A = arith.constant 156 : i32
        %dma_wait3A_70 = arith.constant 0 : i32
        %dma_wait3A_71 = tpu.memref_slice %arg5[%dma_wait3A, %dma_wait3A_70] : memref<157x64xi32, #tpu.memory_space<vmem>> -> memref<1x64xi32, #tpu.memory_space<vmem>>
        %dma_wait3A_72 = arith.constant 0 : i32
        %dma_wait3A_73 = tpu.memref_slice %arg2[%add3A_60, %dma_wait3A_72] : memref<5000x64xi32, #tpu.memory_space<hbm>> -> memref<1x64xi32, #tpu.memory_space<hbm>>
        %dma_wait3A_74 = arith.constant 156 : i32
        %dma_wait3A_75 = arith.constant 0 : i32
        %dma_wait3A_76 = tpu.memref_slice %arg5[%dma_wait3A_74, %dma_wait3A_75] : memref<157x64xi32, #tpu.memory_space<vmem>> -> memref<1x64xi32, #tpu.memory_space<vmem>>
        %dma_wait3A_77 = arith.constant 0 : i32
        %dma_wait3A_78 = tpu.memref_slice %arg2[%add3A_60, %dma_wait3A_77] : memref<5000x64xi32, #tpu.memory_space<hbm>> -> memref<1x64xi32, #tpu.memory_space<hbm>>
        tpu.wait_dma2 semaphore(%run_scoped3A : memref<!tpu.dma_semaphore, #tpu.memory_space<semaphore_mem>>) src(%dma_wait3A_78 : memref<1x64xi32, #tpu.memory_space<hbm>>) dst(%dma_wait3A_76 : memref<1x64xi32, #tpu.memory_space<vmem>>)
        tpu.yield
      }) : () -> ()
    } else {
    }
    %lt3A_16 = arith.constant 15 : i32
    %lt3A_17 = arith.cmpi slt, %arg1, %lt3A_16 : i32
    %convert_element_type3A_18 = arith.extui %lt3A_17 : i1 to i32
    %cond3A_19 = arith.constant 0 : i32
    %cond3A_20 = arith.cmpi ne, %convert_element_type3A_18, %cond3A_19 : i32
    scf.if %cond3A_20 {
      %mul3A_59 = arith.constant 632 : i32
      %mul3A_60 = arith.muli %arg1, %mul3A_59 : i32
      %multiple_of3A = tpu.assume_multiple %mul3A_60, 8 : i32
      "tpu.region"() ({
        %run_scoped3A = tpu.sem_alloc : memref<!tpu.dma_semaphore, #tpu.memory_space<semaphore_mem>>
        %dma_start3A = arith.constant 0 : i32
        %dma_start3A_61 = tpu.memref_slice %arg8[%multiple_of3A, %dma_start3A] : memref<10000x16xf32, #tpu.memory_space<vmem_shared>> -> memref<632x16xf32, #tpu.memory_space<vmem_shared>>
        %dma_start3A_62 = arith.constant 0 : i32
        %dma_start3A_63 = tpu.memref_slice %arg3[%multiple_of3A, %dma_start3A_62] : memref<10000x16xf32, #tpu.memory_space<hbm>> -> memref<632x16xf32, #tpu.memory_space<hbm>>
        tpu.enqueue_dma source(%dma_start3A_63 : memref<632x16xf32, #tpu.memory_space<hbm>>) target(%dma_start3A_61 : memref<632x16xf32, #tpu.memory_space<vmem_shared>>) target_semaphore(%run_scoped3A : memref<!tpu.dma_semaphore, #tpu.memory_space<semaphore_mem>>)
        %dma_wait3A = arith.constant 0 : i32
        %dma_wait3A_64 = tpu.memref_slice %arg8[%multiple_of3A, %dma_wait3A] : memref<10000x16xf32, #tpu.memory_space<vmem_shared>> -> memref<632x16xf32, #tpu.memory_space<vmem_shared>>
        %dma_wait3A_65 = arith.constant 0 : i32
        %dma_wait3A_66 = tpu.memref_slice %arg3[%multiple_of3A, %dma_wait3A_65] : memref<10000x16xf32, #tpu.memory_space<hbm>> -> memref<632x16xf32, #tpu.memory_space<hbm>>
        tpu.wait_dma2 semaphore(%run_scoped3A : memref<!tpu.dma_semaphore, #tpu.memory_space<semaphore_mem>>) src(%dma_wait3A_66 : memref<632x16xf32, #tpu.memory_space<hbm>>) dst(%dma_wait3A_64 : memref<632x16xf32, #tpu.memory_space<vmem_shared>>)
        tpu.yield
      }) : () -> ()
    } else {
    }
    %eq3A = arith.constant 15 : i32
    %eq3A_21 = arith.cmpi eq, %arg1, %eq3A : i32
    %convert_element_type3A_22 = arith.extui %eq3A_21 : i1 to i32
    %cond3A_23 = arith.constant 0 : i32
    %cond3A_24 = arith.cmpi ne, %convert_element_type3A_22, %cond3A_23 : i32
    scf.if %cond3A_24 {
      "tpu.region"() ({
        %run_scoped3A = tpu.sem_alloc : memref<!tpu.dma_semaphore, #tpu.memory_space<semaphore_mem>>
        %dma_start3A = arith.constant 9480 : i32
        %dma_start3A_59 = arith.constant 0 : i32
        %dma_start3A_60 = tpu.memref_slice %arg8[%dma_start3A, %dma_start3A_59] : memref<10000x16xf32, #tpu.memory_space<vmem_shared>> -> memref<520x16xf32, #tpu.memory_space<vmem_shared>>
        %dma_start3A_61 = arith.constant 9480 : i32
        %dma_start3A_62 = arith.constant 0 : i32
        %dma_start3A_63 = tpu.memref_slice %arg3[%dma_start3A_61, %dma_start3A_62] : memref<10000x16xf32, #tpu.memory_space<hbm>> -> memref<520x16xf32, #tpu.memory_space<hbm>>
        tpu.enqueue_dma source(%dma_start3A_63 : memref<520x16xf32, #tpu.memory_space<hbm>>) target(%dma_start3A_60 : memref<520x16xf32, #tpu.memory_space<vmem_shared>>) target_semaphore(%run_scoped3A : memref<!tpu.dma_semaphore, #tpu.memory_space<semaphore_mem>>)
        %dma_wait3A = arith.constant 9480 : i32
        %dma_wait3A_64 = arith.constant 0 : i32
        %dma_wait3A_65 = tpu.memref_slice %arg8[%dma_wait3A, %dma_wait3A_64] : memref<10000x16xf32, #tpu.memory_space<vmem_shared>> -> memref<520x16xf32, #tpu.memory_space<vmem_shared>>
        %dma_wait3A_66 = arith.constant 9480 : i32
        %dma_wait3A_67 = arith.constant 0 : i32
        %dma_wait3A_68 = tpu.memref_slice %arg3[%dma_wait3A_66, %dma_wait3A_67] : memref<10000x16xf32, #tpu.memory_space<hbm>> -> memref<520x16xf32, #tpu.memory_space<hbm>>
        tpu.wait_dma2 semaphore(%run_scoped3A : memref<!tpu.dma_semaphore, #tpu.memory_space<semaphore_mem>>) src(%dma_wait3A_68 : memref<520x16xf32, #tpu.memory_space<hbm>>) dst(%dma_wait3A_65 : memref<520x16xf32, #tpu.memory_space<vmem_shared>>)
        tpu.yield
      }) : () -> ()
    } else {
    }
    %barrier3A = arith.constant 0 : index
    tpu.barrier barrier_id(%barrier3A)
    %while3A = arith.constant 0 : i32
    %while3A_25 = arith.constant 0 : i32
    %while3A_26 = arith.subi %add3A_7, %while3A : i32
    %while3A_27 = arith.addi %while3A, %while3A_26 : i32
    %while3A_28 = arith.constant 1 : i32
    %while3A_29 = arith.divsi %while3A_26, %while3A_28 : i32
    %while3A_30 = arith.muli %while3A_29, %while3A_28 : i32
    %while3A_31 = arith.addi %while3A, %while3A_30 : i32
    %while3A_32 = arith.constant 1 : i32
    %while3A_33 = scf.for %while3A_59 = %while3A to %while3A_31 step %while3A_32 iter_args(%while3A_60 = %while3A_25) -> (i32)  : i32 {
      %dma_start3A = arith.constant 0 : i32
      %dma_start3A_61 = tpu.memref_slice %arg5[%while3A_59, %dma_start3A] : memref<157x64xi32, #tpu.memory_space<vmem>> -> memref<1x64xi32, #tpu.memory_space<vmem>>
      %dma_start3A_62 = tpu.memref_squeeze %dma_start3A_61 : memref<1x64xi32, #tpu.memory_space<vmem>> -> memref<64xi32, #tpu.memory_space<vmem>>
      %dma_start3A_63 = arith.constant 0 : i32
      %dma_start3A_64 = arith.constant 0 : i32
      %dma_start3A_65 = tpu.memref_slice %arg8[%dma_start3A_63, %dma_start3A_64] : memref<10000x16xf32, #tpu.memory_space<vmem_shared>> -> memref<10000x16xf32, #tpu.memory_space<vmem_shared>>
      tpu.enqueue_indirect_dma source(%arg6 : memref<64x16xf32, #tpu.memory_space<vmem>>) target(%dma_start3A_65 : memref<10000x16xf32, #tpu.memory_space<vmem_shared>>) offsets(%dma_start3A_62 : memref<64xi32, #tpu.memory_space<vmem>>) semaphore(%arg7 : memref<!tpu.dma_semaphore, #tpu.memory_space<semaphore_mem>>) {add = true}
      %while3A_66 = arith.constant 0 : i32
      scf.yield %while3A_66 : i32
    }
    %while3A_34 = arith.constant 1 : i32
    %while3A_35 = scf.for %while3A_59 = %while3A_31 to %while3A_27 step %while3A_34 iter_args(%while3A_60 = %while3A_33) -> (i32)  : i32 {
      %dma_start3A = arith.constant 0 : i32
      %dma_start3A_61 = tpu.memref_slice %arg5[%while3A_59, %dma_start3A] : memref<157x64xi32, #tpu.memory_space<vmem>> -> memref<1x64xi32, #tpu.memory_space<vmem>>
      %dma_start3A_62 = tpu.memref_squeeze %dma_start3A_61 : memref<1x64xi32, #tpu.memory_space<vmem>> -> memref<64xi32, #tpu.memory_space<vmem>>
      %dma_start3A_63 = arith.constant 0 : i32
      %dma_start3A_64 = arith.constant 0 : i32
      %dma_start3A_65 = tpu.memref_slice %arg8[%dma_start3A_63, %dma_start3A_64] : memref<10000x16xf32, #tpu.memory_space<vmem_shared>> -> memref<10000x16xf32, #tpu.memory_space<vmem_shared>>
      tpu.enqueue_indirect_dma source(%arg6 : memref<64x16xf32, #tpu.memory_space<vmem>>) target(%dma_start3A_65 : memref<10000x16xf32, #tpu.memory_space<vmem_shared>>) offsets(%dma_start3A_62 : memref<64xi32, #tpu.memory_space<vmem>>) semaphore(%arg7 : memref<!tpu.dma_semaphore, #tpu.memory_space<semaphore_mem>>) {add = true}
      %while3A_66 = arith.constant 0 : i32
      scf.yield %while3A_66 : i32
    }
    %while3A_36 = arith.constant 0 : i32
    %while3A_37 = arith.constant 0 : i32
    %while3A_38 = arith.subi %add3A_7, %while3A_36 : i32
    %while3A_39 = arith.addi %while3A_36, %while3A_38 : i32
    %while3A_40 = arith.constant 1 : i32
    %while3A_41 = arith.divsi %while3A_38, %while3A_40 : i32
    %while3A_42 = arith.muli %while3A_41, %while3A_40 : i32
    %while3A_43 = arith.addi %while3A_36, %while3A_42 : i32
    %while3A_44 = arith.constant 1 : i32
    %while3A_45 = scf.for %while3A_59 = %while3A_36 to %while3A_43 step %while3A_44 iter_args(%while3A_60 = %while3A_37) -> (i32)  : i32 {
      %dma_wait3A = arith.constant 0 : i32
      %dma_wait3A_61 = arith.constant 0 : i32
      %dma_wait3A_62 = tpu.memref_slice %arg5[%dma_wait3A, %dma_wait3A_61] : memref<157x64xi32, #tpu.memory_space<vmem>> -> memref<1x64xi32, #tpu.memory_space<vmem>>
      %dma_wait3A_63 = tpu.memref_squeeze %dma_wait3A_62 : memref<1x64xi32, #tpu.memory_space<vmem>> -> memref<64xi32, #tpu.memory_space<vmem>>
      %dma_wait3A_64 = arith.constant 0 : i32
      %dma_wait3A_65 = arith.constant 0 : i32
      %dma_wait3A_66 = tpu.memref_slice %arg8[%dma_wait3A_64, %dma_wait3A_65] : memref<10000x16xf32, #tpu.memory_space<vmem_shared>> -> memref<10000x16xf32, #tpu.memory_space<vmem_shared>>
      tpu.wait_indirect_dma semaphore(%arg7 : memref<!tpu.dma_semaphore, #tpu.memory_space<semaphore_mem>>) src(%arg6 : memref<64x16xf32, #tpu.memory_space<vmem>>) dst(%dma_wait3A_66 : memref<10000x16xf32, #tpu.memory_space<vmem_shared>>)
      %while3A_67 = arith.constant 0 : i32
      scf.yield %while3A_67 : i32
    }
    %while3A_46 = arith.constant 1 : i32
    %while3A_47 = scf.for %while3A_59 = %while3A_43 to %while3A_39 step %while3A_46 iter_args(%while3A_60 = %while3A_45) -> (i32)  : i32 {
      %dma_wait3A = arith.constant 0 : i32
      %dma_wait3A_61 = arith.constant 0 : i32
      %dma_wait3A_62 = tpu.memref_slice %arg5[%dma_wait3A, %dma_wait3A_61] : memref<157x64xi32, #tpu.memory_space<vmem>> -> memref<1x64xi32, #tpu.memory_space<vmem>>
      %dma_wait3A_63 = tpu.memref_squeeze %dma_wait3A_62 : memref<1x64xi32, #tpu.memory_space<vmem>> -> memref<64xi32, #tpu.memory_space<vmem>>
      %dma_wait3A_64 = arith.constant 0 : i32
      %dma_wait3A_65 = arith.constant 0 : i32
      %dma_wait3A_66 = tpu.memref_slice %arg8[%dma_wait3A_64, %dma_wait3A_65] : memref<10000x16xf32, #tpu.memory_space<vmem_shared>> -> memref<10000x16xf32, #tpu.memory_space<vmem_shared>>
      tpu.wait_indirect_dma semaphore(%arg7 : memref<!tpu.dma_semaphore, #tpu.memory_space<semaphore_mem>>) src(%arg6 : memref<64x16xf32, #tpu.memory_space<vmem>>) dst(%dma_wait3A_66 : memref<10000x16xf32, #tpu.memory_space<vmem_shared>>)
      %while3A_67 = arith.constant 0 : i32
      scf.yield %while3A_67 : i32
    }
    %barrier3A_48 = arith.constant 0 : index
    tpu.barrier barrier_id(%barrier3A_48)
    %lt3A_49 = arith.constant 15 : i32
    %lt3A_50 = arith.cmpi slt, %arg1, %lt3A_49 : i32
    %convert_element_type3A_51 = arith.extui %lt3A_50 : i1 to i32
    %cond3A_52 = arith.constant 0 : i32
    %cond3A_53 = arith.cmpi ne, %convert_element_type3A_51, %cond3A_52 : i32
    scf.if %cond3A_53 {
      %mul3A_59 = arith.constant 632 : i32
      %mul3A_60 = arith.muli %arg1, %mul3A_59 : i32
      %multiple_of3A = tpu.assume_multiple %mul3A_60, 8 : i32
      "tpu.region"() ({
        %run_scoped3A = tpu.sem_alloc : memref<!tpu.dma_semaphore, #tpu.memory_space<semaphore_mem>>
        %dma_start3A = arith.constant 0 : i32
        %dma_start3A_61 = arith.constant 0 : i32
        %dma_start3A_62 = tpu.memref_slice %arg4[%arg0, %dma_start3A, %dma_start3A_61] : memref<2x10000x16xf32, #tpu.memory_space<hbm>> -> memref<1x10000x16xf32, #tpu.memory_space<hbm>>
        %dma_start3A_63 = tpu.memref_squeeze %dma_start3A_62 : memref<1x10000x16xf32, #tpu.memory_space<hbm>> -> memref<10000x16xf32, #tpu.memory_space<hbm>>
        %dma_start3A_64 = arith.constant 0 : i32
        %dma_start3A_65 = tpu.memref_slice %dma_start3A_63[%multiple_of3A, %dma_start3A_64] : memref<10000x16xf32, #tpu.memory_space<hbm>> -> memref<632x16xf32, #tpu.memory_space<hbm>>
        %dma_start3A_66 = arith.constant 0 : i32
        %dma_start3A_67 = tpu.memref_slice %arg8[%multiple_of3A, %dma_start3A_66] : memref<10000x16xf32, #tpu.memory_space<vmem_shared>> -> memref<632x16xf32, #tpu.memory_space<vmem_shared>>
        tpu.enqueue_dma source(%dma_start3A_67 : memref<632x16xf32, #tpu.memory_space<vmem_shared>>) target(%dma_start3A_65 : memref<632x16xf32, #tpu.memory_space<hbm>>) target_semaphore(%run_scoped3A : memref<!tpu.dma_semaphore, #tpu.memory_space<semaphore_mem>>)
        %dma_wait3A = arith.constant 0 : i32
        %dma_wait3A_68 = arith.constant 0 : i32
        %dma_wait3A_69 = tpu.memref_slice %arg4[%arg0, %dma_wait3A, %dma_wait3A_68] : memref<2x10000x16xf32, #tpu.memory_space<hbm>> -> memref<1x10000x16xf32, #tpu.memory_space<hbm>>
        %dma_wait3A_70 = tpu.memref_squeeze %dma_wait3A_69 : memref<1x10000x16xf32, #tpu.memory_space<hbm>> -> memref<10000x16xf32, #tpu.memory_space<hbm>>
        %dma_wait3A_71 = arith.constant 0 : i32
        %dma_wait3A_72 = tpu.memref_slice %dma_wait3A_70[%multiple_of3A, %dma_wait3A_71] : memref<10000x16xf32, #tpu.memory_space<hbm>> -> memref<632x16xf32, #tpu.memory_space<hbm>>
        %dma_wait3A_73 = arith.constant 0 : i32
        %dma_wait3A_74 = tpu.memref_slice %arg8[%multiple_of3A, %dma_wait3A_73] : memref<10000x16xf32, #tpu.memory_space<vmem_shared>> -> memref<632x16xf32, #tpu.memory_space<vmem_shared>>
        tpu.wait_dma2 semaphore(%run_scoped3A : memref<!tpu.dma_semaphore, #tpu.memory_space<semaphore_mem>>) src(%dma_wait3A_74 : memref<632x16xf32, #tpu.memory_space<vmem_shared>>) dst(%dma_wait3A_72 : memref<632x16xf32, #tpu.memory_space<hbm>>)
        tpu.yield
      }) : () -> ()
    } else {
    }
    %eq3A_54 = arith.constant 15 : i32
    %eq3A_55 = arith.cmpi eq, %arg1, %eq3A_54 : i32
    %convert_element_type3A_56 = arith.extui %eq3A_55 : i1 to i32
    %cond3A_57 = arith.constant 0 : i32
    %cond3A_58 = arith.cmpi ne, %convert_element_type3A_56, %cond3A_57 : i32
    scf.if %cond3A_58 {
      "tpu.region"() ({
        %run_scoped3A = tpu.sem_alloc : memref<!tpu.dma_semaphore, #tpu.memory_space<semaphore_mem>>
        %dma_start3A = arith.constant 0 : i32
        %dma_start3A_59 = arith.constant 0 : i32
        %dma_start3A_60 = tpu.memref_slice %arg4[%arg0, %dma_start3A, %dma_start3A_59] : memref<2x10000x16xf32, #tpu.memory_space<hbm>> -> memref<1x10000x16xf32, #tpu.memory_space<hbm>>
        %dma_start3A_61 = tpu.memref_squeeze %dma_start3A_60 : memref<1x10000x16xf32, #tpu.memory_space<hbm>> -> memref<10000x16xf32, #tpu.memory_space<hbm>>
        %dma_start3A_62 = arith.constant 9480 : i32
        %dma_start3A_63 = arith.constant 0 : i32
        %dma_start3A_64 = tpu.memref_slice %dma_start3A_61[%dma_start3A_62, %dma_start3A_63] : memref<10000x16xf32, #tpu.memory_space<hbm>> -> memref<520x16xf32, #tpu.memory_space<hbm>>
        %dma_start3A_65 = arith.constant 9480 : i32
        %dma_start3A_66 = arith.constant 0 : i32
        %dma_start3A_67 = tpu.memref_slice %arg8[%dma_start3A_65, %dma_start3A_66] : memref<10000x16xf32, #tpu.memory_space<vmem_shared>> -> memref<520x16xf32, #tpu.memory_space<vmem_shared>>
        tpu.enqueue_dma source(%dma_start3A_67 : memref<520x16xf32, #tpu.memory_space<vmem_shared>>) target(%dma_start3A_64 : memref<520x16xf32, #tpu.memory_space<hbm>>) target_semaphore(%run_scoped3A : memref<!tpu.dma_semaphore, #tpu.memory_space<semaphore_mem>>)
        %dma_wait3A = arith.constant 0 : i32
        %dma_wait3A_68 = arith.constant 0 : i32
        %dma_wait3A_69 = tpu.memref_slice %arg4[%arg0, %dma_wait3A, %dma_wait3A_68] : memref<2x10000x16xf32, #tpu.memory_space<hbm>> -> memref<1x10000x16xf32, #tpu.memory_space<hbm>>
        %dma_wait3A_70 = tpu.memref_squeeze %dma_wait3A_69 : memref<1x10000x16xf32, #tpu.memory_space<hbm>> -> memref<10000x16xf32, #tpu.memory_space<hbm>>
        %dma_wait3A_71 = arith.constant 9480 : i32
        %dma_wait3A_72 = arith.constant 0 : i32
        %dma_wait3A_73 = tpu.memref_slice %dma_wait3A_70[%dma_wait3A_71, %dma_wait3A_72] : memref<10000x16xf32, #tpu.memory_space<hbm>> -> memref<520x16xf32, #tpu.memory_space<hbm>>
        %dma_wait3A_74 = arith.constant 9480 : i32
        %dma_wait3A_75 = arith.constant 0 : i32
        %dma_wait3A_76 = tpu.memref_slice %arg8[%dma_wait3A_74, %dma_wait3A_75] : memref<10000x16xf32, #tpu.memory_space<vmem_shared>> -> memref<520x16xf32, #tpu.memory_space<vmem_shared>>
        tpu.wait_dma2 semaphore(%run_scoped3A : memref<!tpu.dma_semaphore, #tpu.memory_space<semaphore_mem>>) src(%dma_wait3A_76 : memref<520x16xf32, #tpu.memory_space<vmem_shared>>) dst(%dma_wait3A_73 : memref<520x16xf32, #tpu.memory_space<hbm>>)
        tpu.yield
      }) : () -> ()
    } else {
    }
    return
  }
}

#map = affine_map<(d0, d1) -> (0, 0)>
#map1 = affine_map<(d0, d1) -> (0, 0, 0)>
module attributes {stable_mosaic.version = 14 : i64} {
  func.func @spmm_kernel(%arg0: i32, %arg1: i32, %arg2: memref<5000x64xi32, #tpu.memory_space<hbm>>, %arg3: memref<5000x64xi32, #tpu.memory_space<hbm>>, %arg4: memref<10000x144xf32, #tpu.memory_space<hbm>>, %arg5: memref<10000x144xf32, #tpu.memory_space<hbm>>, %arg6: memref<2x10000x144xf32, #tpu.memory_space<hbm>>, %arg7: memref<8x64xi32, #tpu.memory_space<vmem>>, %arg8: memref<8x64xi32, #tpu.memory_space<vmem>>, %arg9: memref<4x64x144xf32, #tpu.memory_space<vmem>>, %arg10: memref<!tpu.dma_semaphore, #tpu.memory_space<semaphore_mem>>, %arg11: memref<!tpu.dma_semaphore, #tpu.memory_space<semaphore_mem>>, %arg12: memref<!tpu.dma_semaphore, #tpu.memory_space<semaphore_mem>>, %arg13: memref<10000x144xf32, #tpu.memory_space<vmem_shared>>) attributes {dimension_semantics = [#tpu.dimension_semantics<core_parallel>, #tpu.dimension_semantics<subcore_parallel>], iteration_bounds = array<i64: 2, 16>, scalar_prefetch = 0 : i64, scratch_operands = 7 : i64, tpu.core_type = #tpu.core_type<sc_vector_subcore>, window_params = [{transform_indices = #map}, {transform_indices = #map}, {transform_indices = #map}, {transform_indices = #map}, {transform_indices = #map1}]} {
    %mul3A = arith.constant 16 : i32
    %mul3A_0 = arith.muli %arg0, %mul3A : i32
    %add3A = arith.addi %mul3A_0, %arg1 : i32
    %lt3A = arith.constant 8 : i32
    %lt3A_1 = arith.cmpi slt, %add3A, %lt3A : i32
    %mul3A_2 = arith.constant 156 : i32
    %mul3A_3 = arith.muli %add3A, %mul3A_2 : i32
    %min3A = arith.constant 8 : i32
    %min3A_4 = arith.minsi %add3A, %min3A : i32
    %add3A_5 = arith.addi %mul3A_3, %min3A_4 : i32
    %convert_element_type3A = arith.extui %lt3A_1 : i1 to i32
    %add3A_6 = arith.constant 156 : i32
    %add3A_7 = arith.addi %add3A_6, %convert_element_type3A : i32
    %lt3A_8 = arith.constant 15 : i32
    %lt3A_9 = arith.cmpi slt, %arg1, %lt3A_8 : i32
    %convert_element_type3A_10 = arith.extui %lt3A_9 : i1 to i32
    %cond3A = arith.constant 0 : i32
    %cond3A_11 = arith.cmpi ne, %convert_element_type3A_10, %cond3A : i32
    scf.if %cond3A_11 {
      %mul3A_240 = arith.constant 632 : i32
      %mul3A_241 = arith.muli %arg1, %mul3A_240 : i32
      %multiple_of3A = tpu.assume_multiple %mul3A_241, 8 : i32
      "tpu.region"() ({
        %run_scoped3A = tpu.sem_alloc : memref<!tpu.dma_semaphore, #tpu.memory_space<semaphore_mem>>
        %dma_start3A_242 = arith.constant 0 : i32
        %dma_start3A_243 = tpu.memref_slice %arg13[%multiple_of3A, %dma_start3A_242] : memref<10000x144xf32, #tpu.memory_space<vmem_shared>> -> memref<632x144xf32, #tpu.memory_space<vmem_shared>>
        %dma_start3A_244 = arith.constant 0 : i32
        %dma_start3A_245 = tpu.memref_slice %arg5[%multiple_of3A, %dma_start3A_244] : memref<10000x144xf32, #tpu.memory_space<hbm>> -> memref<632x144xf32, #tpu.memory_space<hbm>>
        tpu.enqueue_dma source(%dma_start3A_245 : memref<632x144xf32, #tpu.memory_space<hbm>>) target(%dma_start3A_243 : memref<632x144xf32, #tpu.memory_space<vmem_shared>>) target_semaphore(%run_scoped3A : memref<!tpu.dma_semaphore, #tpu.memory_space<semaphore_mem>>)
        %dma_wait3A_246 = arith.constant 0 : i32
        %dma_wait3A_247 = tpu.memref_slice %arg13[%multiple_of3A, %dma_wait3A_246] : memref<10000x144xf32, #tpu.memory_space<vmem_shared>> -> memref<632x144xf32, #tpu.memory_space<vmem_shared>>
        %dma_wait3A_248 = arith.constant 0 : i32
        %dma_wait3A_249 = tpu.memref_slice %arg5[%multiple_of3A, %dma_wait3A_248] : memref<10000x144xf32, #tpu.memory_space<hbm>> -> memref<632x144xf32, #tpu.memory_space<hbm>>
        tpu.wait_dma2 semaphore(%run_scoped3A : memref<!tpu.dma_semaphore, #tpu.memory_space<semaphore_mem>>) src(%dma_wait3A_249 : memref<632x144xf32, #tpu.memory_space<hbm>>) dst(%dma_wait3A_247 : memref<632x144xf32, #tpu.memory_space<vmem_shared>>)
        tpu.yield
      }) : () -> ()
    } else {
    }
    %eq3A = arith.constant 15 : i32
    %eq3A_12 = arith.cmpi eq, %arg1, %eq3A : i32
    %convert_element_type3A_13 = arith.extui %eq3A_12 : i1 to i32
    %cond3A_14 = arith.constant 0 : i32
    %cond3A_15 = arith.cmpi ne, %convert_element_type3A_13, %cond3A_14 : i32
    scf.if %cond3A_15 {
      "tpu.region"() ({
        %run_scoped3A = tpu.sem_alloc : memref<!tpu.dma_semaphore, #tpu.memory_space<semaphore_mem>>
        %dma_start3A_240 = arith.constant 9480 : i32
        %dma_start3A_241 = arith.constant 0 : i32
        %dma_start3A_242 = tpu.memref_slice %arg13[%dma_start3A_240, %dma_start3A_241] : memref<10000x144xf32, #tpu.memory_space<vmem_shared>> -> memref<520x144xf32, #tpu.memory_space<vmem_shared>>
        %dma_start3A_243 = arith.constant 9480 : i32
        %dma_start3A_244 = arith.constant 0 : i32
        %dma_start3A_245 = tpu.memref_slice %arg5[%dma_start3A_243, %dma_start3A_244] : memref<10000x144xf32, #tpu.memory_space<hbm>> -> memref<520x144xf32, #tpu.memory_space<hbm>>
        tpu.enqueue_dma source(%dma_start3A_245 : memref<520x144xf32, #tpu.memory_space<hbm>>) target(%dma_start3A_242 : memref<520x144xf32, #tpu.memory_space<vmem_shared>>) target_semaphore(%run_scoped3A : memref<!tpu.dma_semaphore, #tpu.memory_space<semaphore_mem>>)
        %dma_wait3A_246 = arith.constant 9480 : i32
        %dma_wait3A_247 = arith.constant 0 : i32
        %dma_wait3A_248 = tpu.memref_slice %arg13[%dma_wait3A_246, %dma_wait3A_247] : memref<10000x144xf32, #tpu.memory_space<vmem_shared>> -> memref<520x144xf32, #tpu.memory_space<vmem_shared>>
        %dma_wait3A_249 = arith.constant 9480 : i32
        %dma_wait3A_250 = arith.constant 0 : i32
        %dma_wait3A_251 = tpu.memref_slice %arg5[%dma_wait3A_249, %dma_wait3A_250] : memref<10000x144xf32, #tpu.memory_space<hbm>> -> memref<520x144xf32, #tpu.memory_space<hbm>>
        tpu.wait_dma2 semaphore(%run_scoped3A : memref<!tpu.dma_semaphore, #tpu.memory_space<semaphore_mem>>) src(%dma_wait3A_251 : memref<520x144xf32, #tpu.memory_space<hbm>>) dst(%dma_wait3A_248 : memref<520x144xf32, #tpu.memory_space<vmem_shared>>)
        tpu.yield
      }) : () -> ()
    } else {
    }
    %barrier3A = arith.constant 0 : index
    tpu.barrier barrier_id(%barrier3A)
    %add3A_16 = arith.constant 0 : i32
    %add3A_17 = arith.addi %add3A_5, %add3A_16 : i32
    %dma_start3A = arith.constant 0 : i32
    %dma_start3A_18 = arith.constant 0 : i32
    %dma_start3A_19 = tpu.memref_slice %arg7[%dma_start3A, %dma_start3A_18] : memref<8x64xi32, #tpu.memory_space<vmem>> -> memref<1x64xi32, #tpu.memory_space<vmem>>
    %dma_start3A_20 = arith.constant 0 : i32
    %dma_start3A_21 = tpu.memref_slice %arg2[%add3A_17, %dma_start3A_20] : memref<5000x64xi32, #tpu.memory_space<hbm>> -> memref<1x64xi32, #tpu.memory_space<hbm>>
    %dma_start3A_22 = arith.constant 0 : i32
    %dma_start3A_23 = arith.constant 0 : i32
    %dma_start3A_24 = tpu.memref_slice %arg7[%dma_start3A_22, %dma_start3A_23] : memref<8x64xi32, #tpu.memory_space<vmem>> -> memref<1x64xi32, #tpu.memory_space<vmem>>
    %dma_start3A_25 = arith.constant 0 : i32
    %dma_start3A_26 = tpu.memref_slice %arg2[%add3A_17, %dma_start3A_25] : memref<5000x64xi32, #tpu.memory_space<hbm>> -> memref<1x64xi32, #tpu.memory_space<hbm>>
    tpu.enqueue_dma source(%dma_start3A_26 : memref<1x64xi32, #tpu.memory_space<hbm>>) target(%dma_start3A_24 : memref<1x64xi32, #tpu.memory_space<vmem>>) target_semaphore(%arg10 : memref<!tpu.dma_semaphore, #tpu.memory_space<semaphore_mem>>)
    %add3A_27 = arith.constant 0 : i32
    %add3A_28 = arith.addi %add3A_5, %add3A_27 : i32
    %dma_start3A_29 = arith.constant 0 : i32
    %dma_start3A_30 = arith.constant 0 : i32
    %dma_start3A_31 = tpu.memref_slice %arg8[%dma_start3A_29, %dma_start3A_30] : memref<8x64xi32, #tpu.memory_space<vmem>> -> memref<1x64xi32, #tpu.memory_space<vmem>>
    %dma_start3A_32 = arith.constant 0 : i32
    %dma_start3A_33 = tpu.memref_slice %arg3[%add3A_28, %dma_start3A_32] : memref<5000x64xi32, #tpu.memory_space<hbm>> -> memref<1x64xi32, #tpu.memory_space<hbm>>
    %dma_start3A_34 = arith.constant 0 : i32
    %dma_start3A_35 = arith.constant 0 : i32
    %dma_start3A_36 = tpu.memref_slice %arg8[%dma_start3A_34, %dma_start3A_35] : memref<8x64xi32, #tpu.memory_space<vmem>> -> memref<1x64xi32, #tpu.memory_space<vmem>>
    %dma_start3A_37 = arith.constant 0 : i32
    %dma_start3A_38 = tpu.memref_slice %arg3[%add3A_28, %dma_start3A_37] : memref<5000x64xi32, #tpu.memory_space<hbm>> -> memref<1x64xi32, #tpu.memory_space<hbm>>
    tpu.enqueue_dma source(%dma_start3A_38 : memref<1x64xi32, #tpu.memory_space<hbm>>) target(%dma_start3A_36 : memref<1x64xi32, #tpu.memory_space<vmem>>) target_semaphore(%arg10 : memref<!tpu.dma_semaphore, #tpu.memory_space<semaphore_mem>>)
    %add3A_39 = arith.constant 1 : i32
    %add3A_40 = arith.addi %add3A_5, %add3A_39 : i32
    %dma_start3A_41 = arith.constant 1 : i32
    %dma_start3A_42 = arith.constant 0 : i32
    %dma_start3A_43 = tpu.memref_slice %arg7[%dma_start3A_41, %dma_start3A_42] : memref<8x64xi32, #tpu.memory_space<vmem>> -> memref<1x64xi32, #tpu.memory_space<vmem>>
    %dma_start3A_44 = arith.constant 0 : i32
    %dma_start3A_45 = tpu.memref_slice %arg2[%add3A_40, %dma_start3A_44] : memref<5000x64xi32, #tpu.memory_space<hbm>> -> memref<1x64xi32, #tpu.memory_space<hbm>>
    %dma_start3A_46 = arith.constant 1 : i32
    %dma_start3A_47 = arith.constant 0 : i32
    %dma_start3A_48 = tpu.memref_slice %arg7[%dma_start3A_46, %dma_start3A_47] : memref<8x64xi32, #tpu.memory_space<vmem>> -> memref<1x64xi32, #tpu.memory_space<vmem>>
    %dma_start3A_49 = arith.constant 0 : i32
    %dma_start3A_50 = tpu.memref_slice %arg2[%add3A_40, %dma_start3A_49] : memref<5000x64xi32, #tpu.memory_space<hbm>> -> memref<1x64xi32, #tpu.memory_space<hbm>>
    tpu.enqueue_dma source(%dma_start3A_50 : memref<1x64xi32, #tpu.memory_space<hbm>>) target(%dma_start3A_48 : memref<1x64xi32, #tpu.memory_space<vmem>>) target_semaphore(%arg10 : memref<!tpu.dma_semaphore, #tpu.memory_space<semaphore_mem>>)
    %add3A_51 = arith.constant 1 : i32
    %add3A_52 = arith.addi %add3A_5, %add3A_51 : i32
    %dma_start3A_53 = arith.constant 1 : i32
    %dma_start3A_54 = arith.constant 0 : i32
    %dma_start3A_55 = tpu.memref_slice %arg8[%dma_start3A_53, %dma_start3A_54] : memref<8x64xi32, #tpu.memory_space<vmem>> -> memref<1x64xi32, #tpu.memory_space<vmem>>
    %dma_start3A_56 = arith.constant 0 : i32
    %dma_start3A_57 = tpu.memref_slice %arg3[%add3A_52, %dma_start3A_56] : memref<5000x64xi32, #tpu.memory_space<hbm>> -> memref<1x64xi32, #tpu.memory_space<hbm>>
    %dma_start3A_58 = arith.constant 1 : i32
    %dma_start3A_59 = arith.constant 0 : i32
    %dma_start3A_60 = tpu.memref_slice %arg8[%dma_start3A_58, %dma_start3A_59] : memref<8x64xi32, #tpu.memory_space<vmem>> -> memref<1x64xi32, #tpu.memory_space<vmem>>
    %dma_start3A_61 = arith.constant 0 : i32
    %dma_start3A_62 = tpu.memref_slice %arg3[%add3A_52, %dma_start3A_61] : memref<5000x64xi32, #tpu.memory_space<hbm>> -> memref<1x64xi32, #tpu.memory_space<hbm>>
    tpu.enqueue_dma source(%dma_start3A_62 : memref<1x64xi32, #tpu.memory_space<hbm>>) target(%dma_start3A_60 : memref<1x64xi32, #tpu.memory_space<vmem>>) target_semaphore(%arg10 : memref<!tpu.dma_semaphore, #tpu.memory_space<semaphore_mem>>)
    %add3A_63 = arith.constant 2 : i32
    %add3A_64 = arith.addi %add3A_5, %add3A_63 : i32
    %dma_start3A_65 = arith.constant 2 : i32
    %dma_start3A_66 = arith.constant 0 : i32
    %dma_start3A_67 = tpu.memref_slice %arg7[%dma_start3A_65, %dma_start3A_66] : memref<8x64xi32, #tpu.memory_space<vmem>> -> memref<1x64xi32, #tpu.memory_space<vmem>>
    %dma_start3A_68 = arith.constant 0 : i32
    %dma_start3A_69 = tpu.memref_slice %arg2[%add3A_64, %dma_start3A_68] : memref<5000x64xi32, #tpu.memory_space<hbm>> -> memref<1x64xi32, #tpu.memory_space<hbm>>
    %dma_start3A_70 = arith.constant 2 : i32
    %dma_start3A_71 = arith.constant 0 : i32
    %dma_start3A_72 = tpu.memref_slice %arg7[%dma_start3A_70, %dma_start3A_71] : memref<8x64xi32, #tpu.memory_space<vmem>> -> memref<1x64xi32, #tpu.memory_space<vmem>>
    %dma_start3A_73 = arith.constant 0 : i32
    %dma_start3A_74 = tpu.memref_slice %arg2[%add3A_64, %dma_start3A_73] : memref<5000x64xi32, #tpu.memory_space<hbm>> -> memref<1x64xi32, #tpu.memory_space<hbm>>
    tpu.enqueue_dma source(%dma_start3A_74 : memref<1x64xi32, #tpu.memory_space<hbm>>) target(%dma_start3A_72 : memref<1x64xi32, #tpu.memory_space<vmem>>) target_semaphore(%arg10 : memref<!tpu.dma_semaphore, #tpu.memory_space<semaphore_mem>>)
    %add3A_75 = arith.constant 2 : i32
    %add3A_76 = arith.addi %add3A_5, %add3A_75 : i32
    %dma_start3A_77 = arith.constant 2 : i32
    %dma_start3A_78 = arith.constant 0 : i32
    %dma_start3A_79 = tpu.memref_slice %arg8[%dma_start3A_77, %dma_start3A_78] : memref<8x64xi32, #tpu.memory_space<vmem>> -> memref<1x64xi32, #tpu.memory_space<vmem>>
    %dma_start3A_80 = arith.constant 0 : i32
    %dma_start3A_81 = tpu.memref_slice %arg3[%add3A_76, %dma_start3A_80] : memref<5000x64xi32, #tpu.memory_space<hbm>> -> memref<1x64xi32, #tpu.memory_space<hbm>>
    %dma_start3A_82 = arith.constant 2 : i32
    %dma_start3A_83 = arith.constant 0 : i32
    %dma_start3A_84 = tpu.memref_slice %arg8[%dma_start3A_82, %dma_start3A_83] : memref<8x64xi32, #tpu.memory_space<vmem>> -> memref<1x64xi32, #tpu.memory_space<vmem>>
    %dma_start3A_85 = arith.constant 0 : i32
    %dma_start3A_86 = tpu.memref_slice %arg3[%add3A_76, %dma_start3A_85] : memref<5000x64xi32, #tpu.memory_space<hbm>> -> memref<1x64xi32, #tpu.memory_space<hbm>>
    tpu.enqueue_dma source(%dma_start3A_86 : memref<1x64xi32, #tpu.memory_space<hbm>>) target(%dma_start3A_84 : memref<1x64xi32, #tpu.memory_space<vmem>>) target_semaphore(%arg10 : memref<!tpu.dma_semaphore, #tpu.memory_space<semaphore_mem>>)
    %add3A_87 = arith.constant 3 : i32
    %add3A_88 = arith.addi %add3A_5, %add3A_87 : i32
    %dma_start3A_89 = arith.constant 3 : i32
    %dma_start3A_90 = arith.constant 0 : i32
    %dma_start3A_91 = tpu.memref_slice %arg7[%dma_start3A_89, %dma_start3A_90] : memref<8x64xi32, #tpu.memory_space<vmem>> -> memref<1x64xi32, #tpu.memory_space<vmem>>
    %dma_start3A_92 = arith.constant 0 : i32
    %dma_start3A_93 = tpu.memref_slice %arg2[%add3A_88, %dma_start3A_92] : memref<5000x64xi32, #tpu.memory_space<hbm>> -> memref<1x64xi32, #tpu.memory_space<hbm>>
    %dma_start3A_94 = arith.constant 3 : i32
    %dma_start3A_95 = arith.constant 0 : i32
    %dma_start3A_96 = tpu.memref_slice %arg7[%dma_start3A_94, %dma_start3A_95] : memref<8x64xi32, #tpu.memory_space<vmem>> -> memref<1x64xi32, #tpu.memory_space<vmem>>
    %dma_start3A_97 = arith.constant 0 : i32
    %dma_start3A_98 = tpu.memref_slice %arg2[%add3A_88, %dma_start3A_97] : memref<5000x64xi32, #tpu.memory_space<hbm>> -> memref<1x64xi32, #tpu.memory_space<hbm>>
    tpu.enqueue_dma source(%dma_start3A_98 : memref<1x64xi32, #tpu.memory_space<hbm>>) target(%dma_start3A_96 : memref<1x64xi32, #tpu.memory_space<vmem>>) target_semaphore(%arg10 : memref<!tpu.dma_semaphore, #tpu.memory_space<semaphore_mem>>)
    %add3A_99 = arith.constant 3 : i32
    %add3A_100 = arith.addi %add3A_5, %add3A_99 : i32
    %dma_start3A_101 = arith.constant 3 : i32
    %dma_start3A_102 = arith.constant 0 : i32
    %dma_start3A_103 = tpu.memref_slice %arg8[%dma_start3A_101, %dma_start3A_102] : memref<8x64xi32, #tpu.memory_space<vmem>> -> memref<1x64xi32, #tpu.memory_space<vmem>>
    %dma_start3A_104 = arith.constant 0 : i32
    %dma_start3A_105 = tpu.memref_slice %arg3[%add3A_100, %dma_start3A_104] : memref<5000x64xi32, #tpu.memory_space<hbm>> -> memref<1x64xi32, #tpu.memory_space<hbm>>
    %dma_start3A_106 = arith.constant 3 : i32
    %dma_start3A_107 = arith.constant 0 : i32
    %dma_start3A_108 = tpu.memref_slice %arg8[%dma_start3A_106, %dma_start3A_107] : memref<8x64xi32, #tpu.memory_space<vmem>> -> memref<1x64xi32, #tpu.memory_space<vmem>>
    %dma_start3A_109 = arith.constant 0 : i32
    %dma_start3A_110 = tpu.memref_slice %arg3[%add3A_100, %dma_start3A_109] : memref<5000x64xi32, #tpu.memory_space<hbm>> -> memref<1x64xi32, #tpu.memory_space<hbm>>
    tpu.enqueue_dma source(%dma_start3A_110 : memref<1x64xi32, #tpu.memory_space<hbm>>) target(%dma_start3A_108 : memref<1x64xi32, #tpu.memory_space<vmem>>) target_semaphore(%arg10 : memref<!tpu.dma_semaphore, #tpu.memory_space<semaphore_mem>>)
    %dma_wait3A = arith.constant 0 : i32
    %dma_wait3A_111 = arith.constant 0 : i32
    %dma_wait3A_112 = tpu.memref_slice %arg7[%dma_wait3A, %dma_wait3A_111] : memref<8x64xi32, #tpu.memory_space<vmem>> -> memref<1x64xi32, #tpu.memory_space<vmem>>
    %dma_wait3A_113 = arith.constant 0 : i32
    %dma_wait3A_114 = tpu.memref_slice %arg2[%add3A_5, %dma_wait3A_113] : memref<5000x64xi32, #tpu.memory_space<hbm>> -> memref<1x64xi32, #tpu.memory_space<hbm>>
    %dma_wait3A_115 = arith.constant 0 : i32
    %dma_wait3A_116 = arith.constant 0 : i32
    %dma_wait3A_117 = tpu.memref_slice %arg7[%dma_wait3A_115, %dma_wait3A_116] : memref<8x64xi32, #tpu.memory_space<vmem>> -> memref<1x64xi32, #tpu.memory_space<vmem>>
    %dma_wait3A_118 = arith.constant 0 : i32
    %dma_wait3A_119 = tpu.memref_slice %arg2[%add3A_5, %dma_wait3A_118] : memref<5000x64xi32, #tpu.memory_space<hbm>> -> memref<1x64xi32, #tpu.memory_space<hbm>>
    tpu.wait_dma2 semaphore(%arg10 : memref<!tpu.dma_semaphore, #tpu.memory_space<semaphore_mem>>) src(%dma_wait3A_119 : memref<1x64xi32, #tpu.memory_space<hbm>>) dst(%dma_wait3A_117 : memref<1x64xi32, #tpu.memory_space<vmem>>)
    %dma_wait3A_120 = arith.constant 0 : i32
    %dma_wait3A_121 = arith.constant 0 : i32
    %dma_wait3A_122 = tpu.memref_slice %arg8[%dma_wait3A_120, %dma_wait3A_121] : memref<8x64xi32, #tpu.memory_space<vmem>> -> memref<1x64xi32, #tpu.memory_space<vmem>>
    %dma_wait3A_123 = arith.constant 0 : i32
    %dma_wait3A_124 = tpu.memref_slice %arg3[%add3A_5, %dma_wait3A_123] : memref<5000x64xi32, #tpu.memory_space<hbm>> -> memref<1x64xi32, #tpu.memory_space<hbm>>
    %dma_wait3A_125 = arith.constant 0 : i32
    %dma_wait3A_126 = arith.constant 0 : i32
    %dma_wait3A_127 = tpu.memref_slice %arg8[%dma_wait3A_125, %dma_wait3A_126] : memref<8x64xi32, #tpu.memory_space<vmem>> -> memref<1x64xi32, #tpu.memory_space<vmem>>
    %dma_wait3A_128 = arith.constant 0 : i32
    %dma_wait3A_129 = tpu.memref_slice %arg3[%add3A_5, %dma_wait3A_128] : memref<5000x64xi32, #tpu.memory_space<hbm>> -> memref<1x64xi32, #tpu.memory_space<hbm>>
    tpu.wait_dma2 semaphore(%arg10 : memref<!tpu.dma_semaphore, #tpu.memory_space<semaphore_mem>>) src(%dma_wait3A_129 : memref<1x64xi32, #tpu.memory_space<hbm>>) dst(%dma_wait3A_127 : memref<1x64xi32, #tpu.memory_space<vmem>>)
    %dma_start3A_130 = arith.constant 0 : i32
    %dma_start3A_131 = arith.constant 0 : i32
    %dma_start3A_132 = arith.constant 0 : i32
    %dma_start3A_133 = arith.constant 0 : i32
    %dma_start3A_134 = tpu.memref_slice %arg9[%dma_start3A_131, %dma_start3A_132, %dma_start3A_133] : memref<4x64x144xf32, #tpu.memory_space<vmem>> -> memref<1x64x144xf32, #tpu.memory_space<vmem>>
    %dma_start3A_135 = tpu.memref_squeeze %dma_start3A_134 : memref<1x64x144xf32, #tpu.memory_space<vmem>> -> memref<64x144xf32, #tpu.memory_space<vmem>>
    %dma_start3A_136 = arith.constant 0 : i32
    %dma_start3A_137 = tpu.memref_slice %arg7[%dma_start3A_130, %dma_start3A_136] : memref<8x64xi32, #tpu.memory_space<vmem>> -> memref<1x64xi32, #tpu.memory_space<vmem>>
    %dma_start3A_138 = tpu.memref_squeeze %dma_start3A_137 : memref<1x64xi32, #tpu.memory_space<vmem>> -> memref<64xi32, #tpu.memory_space<vmem>>
    %dma_start3A_139 = arith.constant 0 : i32
    %dma_start3A_140 = arith.constant 0 : i32
    %dma_start3A_141 = tpu.memref_slice %arg4[%dma_start3A_139, %dma_start3A_140] : memref<10000x144xf32, #tpu.memory_space<hbm>> -> memref<10000x144xf32, #tpu.memory_space<hbm>>
    tpu.enqueue_indirect_dma source(%dma_start3A_141 : memref<10000x144xf32, #tpu.memory_space<hbm>>) target(%dma_start3A_135 : memref<64x144xf32, #tpu.memory_space<vmem>>) offsets(%dma_start3A_138 : memref<64xi32, #tpu.memory_space<vmem>>) semaphore(%arg11 : memref<!tpu.dma_semaphore, #tpu.memory_space<semaphore_mem>>)
    %dma_wait3A_142 = arith.constant 0 : i32
    %dma_wait3A_143 = arith.constant 0 : i32
    %dma_wait3A_144 = tpu.memref_slice %arg7[%dma_wait3A_142, %dma_wait3A_143] : memref<8x64xi32, #tpu.memory_space<vmem>> -> memref<1x64xi32, #tpu.memory_space<vmem>>
    %dma_wait3A_145 = arith.constant 0 : i32
    %dma_wait3A_146 = tpu.memref_slice %arg2[%add3A_5, %dma_wait3A_145] : memref<5000x64xi32, #tpu.memory_space<hbm>> -> memref<1x64xi32, #tpu.memory_space<hbm>>
    %dma_wait3A_147 = arith.constant 0 : i32
    %dma_wait3A_148 = arith.constant 0 : i32
    %dma_wait3A_149 = tpu.memref_slice %arg7[%dma_wait3A_147, %dma_wait3A_148] : memref<8x64xi32, #tpu.memory_space<vmem>> -> memref<1x64xi32, #tpu.memory_space<vmem>>
    %dma_wait3A_150 = arith.constant 0 : i32
    %dma_wait3A_151 = tpu.memref_slice %arg2[%add3A_5, %dma_wait3A_150] : memref<5000x64xi32, #tpu.memory_space<hbm>> -> memref<1x64xi32, #tpu.memory_space<hbm>>
    tpu.wait_dma2 semaphore(%arg10 : memref<!tpu.dma_semaphore, #tpu.memory_space<semaphore_mem>>) src(%dma_wait3A_151 : memref<1x64xi32, #tpu.memory_space<hbm>>) dst(%dma_wait3A_149 : memref<1x64xi32, #tpu.memory_space<vmem>>)
    %dma_wait3A_152 = arith.constant 0 : i32
    %dma_wait3A_153 = arith.constant 0 : i32
    %dma_wait3A_154 = tpu.memref_slice %arg8[%dma_wait3A_152, %dma_wait3A_153] : memref<8x64xi32, #tpu.memory_space<vmem>> -> memref<1x64xi32, #tpu.memory_space<vmem>>
    %dma_wait3A_155 = arith.constant 0 : i32
    %dma_wait3A_156 = tpu.memref_slice %arg3[%add3A_5, %dma_wait3A_155] : memref<5000x64xi32, #tpu.memory_space<hbm>> -> memref<1x64xi32, #tpu.memory_space<hbm>>
    %dma_wait3A_157 = arith.constant 0 : i32
    %dma_wait3A_158 = arith.constant 0 : i32
    %dma_wait3A_159 = tpu.memref_slice %arg8[%dma_wait3A_157, %dma_wait3A_158] : memref<8x64xi32, #tpu.memory_space<vmem>> -> memref<1x64xi32, #tpu.memory_space<vmem>>
    %dma_wait3A_160 = arith.constant 0 : i32
    %dma_wait3A_161 = tpu.memref_slice %arg3[%add3A_5, %dma_wait3A_160] : memref<5000x64xi32, #tpu.memory_space<hbm>> -> memref<1x64xi32, #tpu.memory_space<hbm>>
    tpu.wait_dma2 semaphore(%arg10 : memref<!tpu.dma_semaphore, #tpu.memory_space<semaphore_mem>>) src(%dma_wait3A_161 : memref<1x64xi32, #tpu.memory_space<hbm>>) dst(%dma_wait3A_159 : memref<1x64xi32, #tpu.memory_space<vmem>>)
    %dma_start3A_162 = arith.constant 1 : i32
    %dma_start3A_163 = arith.constant 1 : i32
    %dma_start3A_164 = arith.constant 0 : i32
    %dma_start3A_165 = arith.constant 0 : i32
    %dma_start3A_166 = tpu.memref_slice %arg9[%dma_start3A_163, %dma_start3A_164, %dma_start3A_165] : memref<4x64x144xf32, #tpu.memory_space<vmem>> -> memref<1x64x144xf32, #tpu.memory_space<vmem>>
    %dma_start3A_167 = tpu.memref_squeeze %dma_start3A_166 : memref<1x64x144xf32, #tpu.memory_space<vmem>> -> memref<64x144xf32, #tpu.memory_space<vmem>>
    %dma_start3A_168 = arith.constant 0 : i32
    %dma_start3A_169 = tpu.memref_slice %arg7[%dma_start3A_162, %dma_start3A_168] : memref<8x64xi32, #tpu.memory_space<vmem>> -> memref<1x64xi32, #tpu.memory_space<vmem>>
    %dma_start3A_170 = tpu.memref_squeeze %dma_start3A_169 : memref<1x64xi32, #tpu.memory_space<vmem>> -> memref<64xi32, #tpu.memory_space<vmem>>
    %dma_start3A_171 = arith.constant 0 : i32
    %dma_start3A_172 = arith.constant 0 : i32
    %dma_start3A_173 = tpu.memref_slice %arg4[%dma_start3A_171, %dma_start3A_172] : memref<10000x144xf32, #tpu.memory_space<hbm>> -> memref<10000x144xf32, #tpu.memory_space<hbm>>
    tpu.enqueue_indirect_dma source(%dma_start3A_173 : memref<10000x144xf32, #tpu.memory_space<hbm>>) target(%dma_start3A_167 : memref<64x144xf32, #tpu.memory_space<vmem>>) offsets(%dma_start3A_170 : memref<64xi32, #tpu.memory_space<vmem>>) semaphore(%arg11 : memref<!tpu.dma_semaphore, #tpu.memory_space<semaphore_mem>>)
    %dma_wait3A_174 = arith.constant 0 : i32
    %dma_wait3A_175 = arith.constant 0 : i32
    %dma_wait3A_176 = tpu.memref_slice %arg7[%dma_wait3A_174, %dma_wait3A_175] : memref<8x64xi32, #tpu.memory_space<vmem>> -> memref<1x64xi32, #tpu.memory_space<vmem>>
    %dma_wait3A_177 = arith.constant 0 : i32
    %dma_wait3A_178 = tpu.memref_slice %arg2[%add3A_5, %dma_wait3A_177] : memref<5000x64xi32, #tpu.memory_space<hbm>> -> memref<1x64xi32, #tpu.memory_space<hbm>>
    %dma_wait3A_179 = arith.constant 0 : i32
    %dma_wait3A_180 = arith.constant 0 : i32
    %dma_wait3A_181 = tpu.memref_slice %arg7[%dma_wait3A_179, %dma_wait3A_180] : memref<8x64xi32, #tpu.memory_space<vmem>> -> memref<1x64xi32, #tpu.memory_space<vmem>>
    %dma_wait3A_182 = arith.constant 0 : i32
    %dma_wait3A_183 = tpu.memref_slice %arg2[%add3A_5, %dma_wait3A_182] : memref<5000x64xi32, #tpu.memory_space<hbm>> -> memref<1x64xi32, #tpu.memory_space<hbm>>
    tpu.wait_dma2 semaphore(%arg10 : memref<!tpu.dma_semaphore, #tpu.memory_space<semaphore_mem>>) src(%dma_wait3A_183 : memref<1x64xi32, #tpu.memory_space<hbm>>) dst(%dma_wait3A_181 : memref<1x64xi32, #tpu.memory_space<vmem>>)
    %dma_wait3A_184 = arith.constant 0 : i32
    %dma_wait3A_185 = arith.constant 0 : i32
    %dma_wait3A_186 = tpu.memref_slice %arg8[%dma_wait3A_184, %dma_wait3A_185] : memref<8x64xi32, #tpu.memory_space<vmem>> -> memref<1x64xi32, #tpu.memory_space<vmem>>
    %dma_wait3A_187 = arith.constant 0 : i32
    %dma_wait3A_188 = tpu.memref_slice %arg3[%add3A_5, %dma_wait3A_187] : memref<5000x64xi32, #tpu.memory_space<hbm>> -> memref<1x64xi32, #tpu.memory_space<hbm>>
    %dma_wait3A_189 = arith.constant 0 : i32
    %dma_wait3A_190 = arith.constant 0 : i32
    %dma_wait3A_191 = tpu.memref_slice %arg8[%dma_wait3A_189, %dma_wait3A_190] : memref<8x64xi32, #tpu.memory_space<vmem>> -> memref<1x64xi32, #tpu.memory_space<vmem>>
    %dma_wait3A_192 = arith.constant 0 : i32
    %dma_wait3A_193 = tpu.memref_slice %arg3[%add3A_5, %dma_wait3A_192] : memref<5000x64xi32, #tpu.memory_space<hbm>> -> memref<1x64xi32, #tpu.memory_space<hbm>>
    tpu.wait_dma2 semaphore(%arg10 : memref<!tpu.dma_semaphore, #tpu.memory_space<semaphore_mem>>) src(%dma_wait3A_193 : memref<1x64xi32, #tpu.memory_space<hbm>>) dst(%dma_wait3A_191 : memref<1x64xi32, #tpu.memory_space<vmem>>)
    %dma_start3A_194 = arith.constant 2 : i32
    %dma_start3A_195 = arith.constant 2 : i32
    %dma_start3A_196 = arith.constant 0 : i32
    %dma_start3A_197 = arith.constant 0 : i32
    %dma_start3A_198 = tpu.memref_slice %arg9[%dma_start3A_195, %dma_start3A_196, %dma_start3A_197] : memref<4x64x144xf32, #tpu.memory_space<vmem>> -> memref<1x64x144xf32, #tpu.memory_space<vmem>>
    %dma_start3A_199 = tpu.memref_squeeze %dma_start3A_198 : memref<1x64x144xf32, #tpu.memory_space<vmem>> -> memref<64x144xf32, #tpu.memory_space<vmem>>
    %dma_start3A_200 = arith.constant 0 : i32
    %dma_start3A_201 = tpu.memref_slice %arg7[%dma_start3A_194, %dma_start3A_200] : memref<8x64xi32, #tpu.memory_space<vmem>> -> memref<1x64xi32, #tpu.memory_space<vmem>>
    %dma_start3A_202 = tpu.memref_squeeze %dma_start3A_201 : memref<1x64xi32, #tpu.memory_space<vmem>> -> memref<64xi32, #tpu.memory_space<vmem>>
    %dma_start3A_203 = arith.constant 0 : i32
    %dma_start3A_204 = arith.constant 0 : i32
    %dma_start3A_205 = tpu.memref_slice %arg4[%dma_start3A_203, %dma_start3A_204] : memref<10000x144xf32, #tpu.memory_space<hbm>> -> memref<10000x144xf32, #tpu.memory_space<hbm>>
    tpu.enqueue_indirect_dma source(%dma_start3A_205 : memref<10000x144xf32, #tpu.memory_space<hbm>>) target(%dma_start3A_199 : memref<64x144xf32, #tpu.memory_space<vmem>>) offsets(%dma_start3A_202 : memref<64xi32, #tpu.memory_space<vmem>>) semaphore(%arg11 : memref<!tpu.dma_semaphore, #tpu.memory_space<semaphore_mem>>)
    %while3A = arith.constant 0 : i32
    %while3A_206 = arith.constant 0 : i32
    %while3A_207 = arith.subi %add3A_7, %while3A : i32
    %while3A_208 = arith.addi %while3A, %while3A_207 : i32
    %while3A_209 = arith.constant 1 : i32
    %while3A_210 = arith.divsi %while3A_207, %while3A_209 : i32
    %while3A_211 = arith.muli %while3A_210, %while3A_209 : i32
    %while3A_212 = arith.addi %while3A, %while3A_211 : i32
    %while3A_213 = arith.constant 1 : i32
    %while3A_214 = scf.for %while3A_240 = %while3A to %while3A_212 step %while3A_213 iter_args(%while3A_241 = %while3A_206) -> (i32)  : i32 {
      %ge3A = arith.constant 1 : i32
      %ge3A_242 = arith.cmpi sge, %while3A_240, %ge3A : i32
      %convert_element_type3A_243 = arith.extui %ge3A_242 : i1 to i32
      %cond3A_244 = arith.constant 0 : i32
      %cond3A_245 = arith.cmpi ne, %convert_element_type3A_243, %cond3A_244 : i32
      scf.if %cond3A_245 {
        %dma_wait3A_309 = arith.constant 0 : i32
        %dma_wait3A_310 = arith.constant 0 : i32
        %dma_wait3A_311 = arith.constant 0 : i32
        %dma_wait3A_312 = arith.constant 0 : i32
        %dma_wait3A_313 = tpu.memref_slice %arg9[%dma_wait3A_309, %dma_wait3A_311, %dma_wait3A_312] : memref<4x64x144xf32, #tpu.memory_space<vmem>> -> memref<1x64x144xf32, #tpu.memory_space<vmem>>
        %dma_wait3A_314 = tpu.memref_squeeze %dma_wait3A_313 : memref<1x64x144xf32, #tpu.memory_space<vmem>> -> memref<64x144xf32, #tpu.memory_space<vmem>>
        %dma_wait3A_315 = arith.constant 0 : i32
        %dma_wait3A_316 = tpu.memref_slice %arg8[%dma_wait3A_310, %dma_wait3A_315] : memref<8x64xi32, #tpu.memory_space<vmem>> -> memref<1x64xi32, #tpu.memory_space<vmem>>
        %dma_wait3A_317 = tpu.memref_squeeze %dma_wait3A_316 : memref<1x64xi32, #tpu.memory_space<vmem>> -> memref<64xi32, #tpu.memory_space<vmem>>
        %dma_wait3A_318 = arith.constant 0 : i32
        %dma_wait3A_319 = arith.constant 0 : i32
        %dma_wait3A_320 = tpu.memref_slice %arg13[%dma_wait3A_318, %dma_wait3A_319] : memref<10000x144xf32, #tpu.memory_space<vmem_shared>> -> memref<10000x144xf32, #tpu.memory_space<vmem_shared>>
        tpu.wait_indirect_dma semaphore(%arg12 : memref<!tpu.dma_semaphore, #tpu.memory_space<semaphore_mem>>) src(%dma_wait3A_314 : memref<64x144xf32, #tpu.memory_space<vmem>>) dst(%dma_wait3A_320 : memref<10000x144xf32, #tpu.memory_space<vmem_shared>>)
      } else {
      }
      %add3A_246 = arith.constant 4 : i32
      %add3A_247 = arith.addi %while3A_240, %add3A_246 : i32
      %lt3A_248 = arith.cmpi slt, %add3A_247, %add3A_7 : i32
      %convert_element_type3A_249 = arith.extui %lt3A_248 : i1 to i32
      %cond3A_250 = arith.constant 0 : i32
      %cond3A_251 = arith.cmpi ne, %convert_element_type3A_249, %cond3A_250 : i32
      scf.if %cond3A_251 {
        %add3A_309 = arith.constant 4 : i32
        %add3A_310 = arith.addi %while3A_240, %add3A_309 : i32
        %jit3A_311 = arith.constant 8 : i32
        %eq3A_312 = arith.constant 0 : i32
        %eq3A_313 = arith.cmpi eq, %jit3A_311, %eq3A_312 : i32
        %jit3A_314 = arith.constant 1 : i32
        %select_n3A_315 = arith.select %eq3A_313, %jit3A_314, %jit3A_311 : i32
        %rem3A_316 = arith.remsi %add3A_310, %select_n3A_315 : i32
        %ne3A_317 = arith.constant 0 : i32
        %ne3A_318 = arith.cmpi ne, %rem3A_316, %ne3A_317 : i32
        %lt3A_319 = arith.constant 0 : i32
        %lt3A_320 = arith.cmpi slt, %rem3A_316, %lt3A_319 : i32
        %lt3A_321 = arith.constant 0 : i32
        %lt3A_322 = arith.cmpi slt, %select_n3A_315, %lt3A_321 : i32
        %ne3A_323 = arith.xori %lt3A_320, %lt3A_322 : i1
        %and3A_324 = arith.andi %ne3A_323, %ne3A_318 : i1
        %add3A_325 = arith.addi %rem3A_316, %select_n3A_315 : i32
        %select_n3A_326 = arith.select %and3A_324, %add3A_325, %rem3A_316 : i32
        %add3A_327 = arith.addi %add3A_5, %add3A_310 : i32
        %dma_start3A_328 = arith.constant 0 : i32
        %dma_start3A_329 = tpu.memref_slice %arg7[%select_n3A_326, %dma_start3A_328] : memref<8x64xi32, #tpu.memory_space<vmem>> -> memref<1x64xi32, #tpu.memory_space<vmem>>
        %dma_start3A_330 = arith.constant 0 : i32
        %dma_start3A_331 = tpu.memref_slice %arg2[%add3A_327, %dma_start3A_330] : memref<5000x64xi32, #tpu.memory_space<hbm>> -> memref<1x64xi32, #tpu.memory_space<hbm>>
        %dma_start3A_332 = arith.constant 0 : i32
        %dma_start3A_333 = tpu.memref_slice %arg7[%select_n3A_326, %dma_start3A_332] : memref<8x64xi32, #tpu.memory_space<vmem>> -> memref<1x64xi32, #tpu.memory_space<vmem>>
        %dma_start3A_334 = arith.constant 0 : i32
        %dma_start3A_335 = tpu.memref_slice %arg2[%add3A_327, %dma_start3A_334] : memref<5000x64xi32, #tpu.memory_space<hbm>> -> memref<1x64xi32, #tpu.memory_space<hbm>>
        tpu.enqueue_dma source(%dma_start3A_335 : memref<1x64xi32, #tpu.memory_space<hbm>>) target(%dma_start3A_333 : memref<1x64xi32, #tpu.memory_space<vmem>>) target_semaphore(%arg10 : memref<!tpu.dma_semaphore, #tpu.memory_space<semaphore_mem>>)
        %add3A_336 = arith.addi %add3A_5, %add3A_310 : i32
        %dma_start3A_337 = arith.constant 0 : i32
        %dma_start3A_338 = tpu.memref_slice %arg8[%select_n3A_326, %dma_start3A_337] : memref<8x64xi32, #tpu.memory_space<vmem>> -> memref<1x64xi32, #tpu.memory_space<vmem>>
        %dma_start3A_339 = arith.constant 0 : i32
        %dma_start3A_340 = tpu.memref_slice %arg3[%add3A_336, %dma_start3A_339] : memref<5000x64xi32, #tpu.memory_space<hbm>> -> memref<1x64xi32, #tpu.memory_space<hbm>>
        %dma_start3A_341 = arith.constant 0 : i32
        %dma_start3A_342 = tpu.memref_slice %arg8[%select_n3A_326, %dma_start3A_341] : memref<8x64xi32, #tpu.memory_space<vmem>> -> memref<1x64xi32, #tpu.memory_space<vmem>>
        %dma_start3A_343 = arith.constant 0 : i32
        %dma_start3A_344 = tpu.memref_slice %arg3[%add3A_336, %dma_start3A_343] : memref<5000x64xi32, #tpu.memory_space<hbm>> -> memref<1x64xi32, #tpu.memory_space<hbm>>
        tpu.enqueue_dma source(%dma_start3A_344 : memref<1x64xi32, #tpu.memory_space<hbm>>) target(%dma_start3A_342 : memref<1x64xi32, #tpu.memory_space<vmem>>) target_semaphore(%arg10 : memref<!tpu.dma_semaphore, #tpu.memory_space<semaphore_mem>>)
      } else {
      }
      %add3A_252 = arith.constant 4 : i32
      %add3A_253 = arith.addi %while3A_240, %add3A_252 : i32
      %sub3A = arith.constant 1 : i32
      %sub3A_254 = arith.subi %add3A_253, %sub3A : i32
      %lt3A_255 = arith.cmpi slt, %sub3A_254, %add3A_7 : i32
      %convert_element_type3A_256 = arith.extui %lt3A_255 : i1 to i32
      %cond3A_257 = arith.constant 0 : i32
      %cond3A_258 = arith.cmpi ne, %convert_element_type3A_256, %cond3A_257 : i32
      scf.if %cond3A_258 {
        %dma_wait3A_309 = arith.constant 0 : i32
        %dma_wait3A_310 = arith.constant 0 : i32
        %dma_wait3A_311 = tpu.memref_slice %arg7[%dma_wait3A_309, %dma_wait3A_310] : memref<8x64xi32, #tpu.memory_space<vmem>> -> memref<1x64xi32, #tpu.memory_space<vmem>>
        %dma_wait3A_312 = arith.constant 0 : i32
        %dma_wait3A_313 = tpu.memref_slice %arg2[%add3A_5, %dma_wait3A_312] : memref<5000x64xi32, #tpu.memory_space<hbm>> -> memref<1x64xi32, #tpu.memory_space<hbm>>
        %dma_wait3A_314 = arith.constant 0 : i32
        %dma_wait3A_315 = arith.constant 0 : i32
        %dma_wait3A_316 = tpu.memref_slice %arg7[%dma_wait3A_314, %dma_wait3A_315] : memref<8x64xi32, #tpu.memory_space<vmem>> -> memref<1x64xi32, #tpu.memory_space<vmem>>
        %dma_wait3A_317 = arith.constant 0 : i32
        %dma_wait3A_318 = tpu.memref_slice %arg2[%add3A_5, %dma_wait3A_317] : memref<5000x64xi32, #tpu.memory_space<hbm>> -> memref<1x64xi32, #tpu.memory_space<hbm>>
        tpu.wait_dma2 semaphore(%arg10 : memref<!tpu.dma_semaphore, #tpu.memory_space<semaphore_mem>>) src(%dma_wait3A_318 : memref<1x64xi32, #tpu.memory_space<hbm>>) dst(%dma_wait3A_316 : memref<1x64xi32, #tpu.memory_space<vmem>>)
        %dma_wait3A_319 = arith.constant 0 : i32
        %dma_wait3A_320 = arith.constant 0 : i32
        %dma_wait3A_321 = tpu.memref_slice %arg8[%dma_wait3A_319, %dma_wait3A_320] : memref<8x64xi32, #tpu.memory_space<vmem>> -> memref<1x64xi32, #tpu.memory_space<vmem>>
        %dma_wait3A_322 = arith.constant 0 : i32
        %dma_wait3A_323 = tpu.memref_slice %arg3[%add3A_5, %dma_wait3A_322] : memref<5000x64xi32, #tpu.memory_space<hbm>> -> memref<1x64xi32, #tpu.memory_space<hbm>>
        %dma_wait3A_324 = arith.constant 0 : i32
        %dma_wait3A_325 = arith.constant 0 : i32
        %dma_wait3A_326 = tpu.memref_slice %arg8[%dma_wait3A_324, %dma_wait3A_325] : memref<8x64xi32, #tpu.memory_space<vmem>> -> memref<1x64xi32, #tpu.memory_space<vmem>>
        %dma_wait3A_327 = arith.constant 0 : i32
        %dma_wait3A_328 = tpu.memref_slice %arg3[%add3A_5, %dma_wait3A_327] : memref<5000x64xi32, #tpu.memory_space<hbm>> -> memref<1x64xi32, #tpu.memory_space<hbm>>
        tpu.wait_dma2 semaphore(%arg10 : memref<!tpu.dma_semaphore, #tpu.memory_space<semaphore_mem>>) src(%dma_wait3A_328 : memref<1x64xi32, #tpu.memory_space<hbm>>) dst(%dma_wait3A_326 : memref<1x64xi32, #tpu.memory_space<vmem>>)
        %add3A_329 = arith.constant 4 : i32
        %add3A_330 = arith.addi %while3A_240, %add3A_329 : i32
        %sub3A_331 = arith.constant 1 : i32
        %sub3A_332 = arith.subi %add3A_330, %sub3A_331 : i32
        %jit3A_333 = arith.constant 8 : i32
        %eq3A_334 = arith.constant 0 : i32
        %eq3A_335 = arith.cmpi eq, %jit3A_333, %eq3A_334 : i32
        %jit3A_336 = arith.constant 1 : i32
        %select_n3A_337 = arith.select %eq3A_335, %jit3A_336, %jit3A_333 : i32
        %rem3A_338 = arith.remsi %sub3A_332, %select_n3A_337 : i32
        %ne3A_339 = arith.constant 0 : i32
        %ne3A_340 = arith.cmpi ne, %rem3A_338, %ne3A_339 : i32
        %lt3A_341 = arith.constant 0 : i32
        %lt3A_342 = arith.cmpi slt, %rem3A_338, %lt3A_341 : i32
        %lt3A_343 = arith.constant 0 : i32
        %lt3A_344 = arith.cmpi slt, %select_n3A_337, %lt3A_343 : i32
        %ne3A_345 = arith.xori %lt3A_342, %lt3A_344 : i1
        %and3A_346 = arith.andi %ne3A_345, %ne3A_340 : i1
        %add3A_347 = arith.addi %rem3A_338, %select_n3A_337 : i32
        %select_n3A_348 = arith.select %and3A_346, %add3A_347, %rem3A_338 : i32
        %jit3A_349 = arith.constant 4 : i32
        %eq3A_350 = arith.constant 0 : i32
        %eq3A_351 = arith.cmpi eq, %jit3A_349, %eq3A_350 : i32
        %jit3A_352 = arith.constant 1 : i32
        %select_n3A_353 = arith.select %eq3A_351, %jit3A_352, %jit3A_349 : i32
        %rem3A_354 = arith.remsi %sub3A_332, %select_n3A_353 : i32
        %ne3A_355 = arith.constant 0 : i32
        %ne3A_356 = arith.cmpi ne, %rem3A_354, %ne3A_355 : i32
        %lt3A_357 = arith.constant 0 : i32
        %lt3A_358 = arith.cmpi slt, %rem3A_354, %lt3A_357 : i32
        %lt3A_359 = arith.constant 0 : i32
        %lt3A_360 = arith.cmpi slt, %select_n3A_353, %lt3A_359 : i32
        %ne3A_361 = arith.xori %lt3A_358, %lt3A_360 : i1
        %and3A_362 = arith.andi %ne3A_361, %ne3A_356 : i1
        %add3A_363 = arith.addi %rem3A_354, %select_n3A_353 : i32
        %select_n3A_364 = arith.select %and3A_362, %add3A_363, %rem3A_354 : i32
        %dma_start3A_365 = arith.constant 0 : i32
        %dma_start3A_366 = arith.constant 0 : i32
        %dma_start3A_367 = tpu.memref_slice %arg9[%select_n3A_364, %dma_start3A_365, %dma_start3A_366] : memref<4x64x144xf32, #tpu.memory_space<vmem>> -> memref<1x64x144xf32, #tpu.memory_space<vmem>>
        %dma_start3A_368 = tpu.memref_squeeze %dma_start3A_367 : memref<1x64x144xf32, #tpu.memory_space<vmem>> -> memref<64x144xf32, #tpu.memory_space<vmem>>
        %dma_start3A_369 = arith.constant 0 : i32
        %dma_start3A_370 = tpu.memref_slice %arg7[%select_n3A_348, %dma_start3A_369] : memref<8x64xi32, #tpu.memory_space<vmem>> -> memref<1x64xi32, #tpu.memory_space<vmem>>
        %dma_start3A_371 = tpu.memref_squeeze %dma_start3A_370 : memref<1x64xi32, #tpu.memory_space<vmem>> -> memref<64xi32, #tpu.memory_space<vmem>>
        %dma_start3A_372 = arith.constant 0 : i32
        %dma_start3A_373 = arith.constant 0 : i32
        %dma_start3A_374 = tpu.memref_slice %arg4[%dma_start3A_372, %dma_start3A_373] : memref<10000x144xf32, #tpu.memory_space<hbm>> -> memref<10000x144xf32, #tpu.memory_space<hbm>>
        tpu.enqueue_indirect_dma source(%dma_start3A_374 : memref<10000x144xf32, #tpu.memory_space<hbm>>) target(%dma_start3A_368 : memref<64x144xf32, #tpu.memory_space<vmem>>) offsets(%dma_start3A_371 : memref<64xi32, #tpu.memory_space<vmem>>) semaphore(%arg11 : memref<!tpu.dma_semaphore, #tpu.memory_space<semaphore_mem>>)
      } else {
      }
      %dma_wait3A_259 = arith.constant 0 : i32
      %dma_wait3A_260 = arith.constant 0 : i32
      %dma_wait3A_261 = arith.constant 0 : i32
      %dma_wait3A_262 = arith.constant 0 : i32
      %dma_wait3A_263 = tpu.memref_slice %arg9[%dma_wait3A_260, %dma_wait3A_261, %dma_wait3A_262] : memref<4x64x144xf32, #tpu.memory_space<vmem>> -> memref<1x64x144xf32, #tpu.memory_space<vmem>>
      %dma_wait3A_264 = tpu.memref_squeeze %dma_wait3A_263 : memref<1x64x144xf32, #tpu.memory_space<vmem>> -> memref<64x144xf32, #tpu.memory_space<vmem>>
      %dma_wait3A_265 = arith.constant 0 : i32
      %dma_wait3A_266 = tpu.memref_slice %arg7[%dma_wait3A_259, %dma_wait3A_265] : memref<8x64xi32, #tpu.memory_space<vmem>> -> memref<1x64xi32, #tpu.memory_space<vmem>>
      %dma_wait3A_267 = tpu.memref_squeeze %dma_wait3A_266 : memref<1x64xi32, #tpu.memory_space<vmem>> -> memref<64xi32, #tpu.memory_space<vmem>>
      %dma_wait3A_268 = arith.constant 0 : i32
      %dma_wait3A_269 = arith.constant 0 : i32
      %dma_wait3A_270 = tpu.memref_slice %arg4[%dma_wait3A_268, %dma_wait3A_269] : memref<10000x144xf32, #tpu.memory_space<hbm>> -> memref<10000x144xf32, #tpu.memory_space<hbm>>
      tpu.wait_indirect_dma semaphore(%arg11 : memref<!tpu.dma_semaphore, #tpu.memory_space<semaphore_mem>>) src(%dma_wait3A_270 : memref<10000x144xf32, #tpu.memory_space<hbm>>) dst(%dma_wait3A_264 : memref<64x144xf32, #tpu.memory_space<vmem>>)
      %jit3A = arith.constant 4 : i32
      %eq3A_271 = arith.constant 0 : i32
      %eq3A_272 = arith.cmpi eq, %jit3A, %eq3A_271 : i32
      %jit3A_273 = arith.constant 1 : i32
      %select_n3A = arith.select %eq3A_272, %jit3A_273, %jit3A : i32
      %rem3A = arith.remsi %while3A_240, %select_n3A : i32
      %ne3A = arith.constant 0 : i32
      %ne3A_274 = arith.cmpi ne, %rem3A, %ne3A : i32
      %lt3A_275 = arith.constant 0 : i32
      %lt3A_276 = arith.cmpi slt, %rem3A, %lt3A_275 : i32
      %lt3A_277 = arith.constant 0 : i32
      %lt3A_278 = arith.cmpi slt, %select_n3A, %lt3A_277 : i32
      %ne3A_279 = arith.xori %lt3A_276, %lt3A_278 : i1
      %and3A = arith.andi %ne3A_279, %ne3A_274 : i1
      %add3A_280 = arith.addi %rem3A, %select_n3A : i32
      %select_n3A_281 = arith.select %and3A, %add3A_280, %rem3A : i32
      %jit3A_282 = arith.constant 8 : i32
      %eq3A_283 = arith.constant 0 : i32
      %eq3A_284 = arith.cmpi eq, %jit3A_282, %eq3A_283 : i32
      %jit3A_285 = arith.constant 1 : i32
      %select_n3A_286 = arith.select %eq3A_284, %jit3A_285, %jit3A_282 : i32
      %rem3A_287 = arith.remsi %while3A_240, %select_n3A_286 : i32
      %ne3A_288 = arith.constant 0 : i32
      %ne3A_289 = arith.cmpi ne, %rem3A_287, %ne3A_288 : i32
      %lt3A_290 = arith.constant 0 : i32
      %lt3A_291 = arith.cmpi slt, %rem3A_287, %lt3A_290 : i32
      %lt3A_292 = arith.constant 0 : i32
      %lt3A_293 = arith.cmpi slt, %select_n3A_286, %lt3A_292 : i32
      %ne3A_294 = arith.xori %lt3A_291, %lt3A_293 : i1
      %and3A_295 = arith.andi %ne3A_294, %ne3A_289 : i1
      %add3A_296 = arith.addi %rem3A_287, %select_n3A_286 : i32
      %select_n3A_297 = arith.select %and3A_295, %add3A_296, %rem3A_287 : i32
      %dma_start3A_298 = arith.constant 0 : i32
      %dma_start3A_299 = arith.constant 0 : i32
      %dma_start3A_300 = tpu.memref_slice %arg9[%select_n3A_281, %dma_start3A_298, %dma_start3A_299] : memref<4x64x144xf32, #tpu.memory_space<vmem>> -> memref<1x64x144xf32, #tpu.memory_space<vmem>>
      %dma_start3A_301 = tpu.memref_squeeze %dma_start3A_300 : memref<1x64x144xf32, #tpu.memory_space<vmem>> -> memref<64x144xf32, #tpu.memory_space<vmem>>
      %dma_start3A_302 = arith.constant 0 : i32
      %dma_start3A_303 = tpu.memref_slice %arg8[%select_n3A_297, %dma_start3A_302] : memref<8x64xi32, #tpu.memory_space<vmem>> -> memref<1x64xi32, #tpu.memory_space<vmem>>
      %dma_start3A_304 = tpu.memref_squeeze %dma_start3A_303 : memref<1x64xi32, #tpu.memory_space<vmem>> -> memref<64xi32, #tpu.memory_space<vmem>>
      %dma_start3A_305 = arith.constant 0 : i32
      %dma_start3A_306 = arith.constant 0 : i32
      %dma_start3A_307 = tpu.memref_slice %arg13[%dma_start3A_305, %dma_start3A_306] : memref<10000x144xf32, #tpu.memory_space<vmem_shared>> -> memref<10000x144xf32, #tpu.memory_space<vmem_shared>>
      tpu.enqueue_indirect_dma source(%dma_start3A_301 : memref<64x144xf32, #tpu.memory_space<vmem>>) target(%dma_start3A_307 : memref<10000x144xf32, #tpu.memory_space<vmem_shared>>) offsets(%dma_start3A_304 : memref<64xi32, #tpu.memory_space<vmem>>) semaphore(%arg12 : memref<!tpu.dma_semaphore, #tpu.memory_space<semaphore_mem>>) {add = true}
      %while3A_308 = arith.constant 0 : i32
      scf.yield %while3A_308 : i32
    }
    %while3A_215 = arith.constant 1 : i32
    %while3A_216 = scf.for %while3A_240 = %while3A_212 to %while3A_208 step %while3A_215 iter_args(%while3A_241 = %while3A_214) -> (i32)  : i32 {
      %ge3A = arith.constant 1 : i32
      %ge3A_242 = arith.cmpi sge, %while3A_240, %ge3A : i32
      %convert_element_type3A_243 = arith.extui %ge3A_242 : i1 to i32
      %cond3A_244 = arith.constant 0 : i32
      %cond3A_245 = arith.cmpi ne, %convert_element_type3A_243, %cond3A_244 : i32
      scf.if %cond3A_245 {
        %dma_wait3A_309 = arith.constant 0 : i32
        %dma_wait3A_310 = arith.constant 0 : i32
        %dma_wait3A_311 = arith.constant 0 : i32
        %dma_wait3A_312 = arith.constant 0 : i32
        %dma_wait3A_313 = tpu.memref_slice %arg9[%dma_wait3A_309, %dma_wait3A_311, %dma_wait3A_312] : memref<4x64x144xf32, #tpu.memory_space<vmem>> -> memref<1x64x144xf32, #tpu.memory_space<vmem>>
        %dma_wait3A_314 = tpu.memref_squeeze %dma_wait3A_313 : memref<1x64x144xf32, #tpu.memory_space<vmem>> -> memref<64x144xf32, #tpu.memory_space<vmem>>
        %dma_wait3A_315 = arith.constant 0 : i32
        %dma_wait3A_316 = tpu.memref_slice %arg8[%dma_wait3A_310, %dma_wait3A_315] : memref<8x64xi32, #tpu.memory_space<vmem>> -> memref<1x64xi32, #tpu.memory_space<vmem>>
        %dma_wait3A_317 = tpu.memref_squeeze %dma_wait3A_316 : memref<1x64xi32, #tpu.memory_space<vmem>> -> memref<64xi32, #tpu.memory_space<vmem>>
        %dma_wait3A_318 = arith.constant 0 : i32
        %dma_wait3A_319 = arith.constant 0 : i32
        %dma_wait3A_320 = tpu.memref_slice %arg13[%dma_wait3A_318, %dma_wait3A_319] : memref<10000x144xf32, #tpu.memory_space<vmem_shared>> -> memref<10000x144xf32, #tpu.memory_space<vmem_shared>>
        tpu.wait_indirect_dma semaphore(%arg12 : memref<!tpu.dma_semaphore, #tpu.memory_space<semaphore_mem>>) src(%dma_wait3A_314 : memref<64x144xf32, #tpu.memory_space<vmem>>) dst(%dma_wait3A_320 : memref<10000x144xf32, #tpu.memory_space<vmem_shared>>)
      } else {
      }
      %add3A_246 = arith.constant 4 : i32
      %add3A_247 = arith.addi %while3A_240, %add3A_246 : i32
      %lt3A_248 = arith.cmpi slt, %add3A_247, %add3A_7 : i32
      %convert_element_type3A_249 = arith.extui %lt3A_248 : i1 to i32
      %cond3A_250 = arith.constant 0 : i32
      %cond3A_251 = arith.cmpi ne, %convert_element_type3A_249, %cond3A_250 : i32
      scf.if %cond3A_251 {
        %add3A_309 = arith.constant 4 : i32
        %add3A_310 = arith.addi %while3A_240, %add3A_309 : i32
        %jit3A_311 = arith.constant 8 : i32
        %eq3A_312 = arith.constant 0 : i32
        %eq3A_313 = arith.cmpi eq, %jit3A_311, %eq3A_312 : i32
        %jit3A_314 = arith.constant 1 : i32
        %select_n3A_315 = arith.select %eq3A_313, %jit3A_314, %jit3A_311 : i32
        %rem3A_316 = arith.remsi %add3A_310, %select_n3A_315 : i32
        %ne3A_317 = arith.constant 0 : i32
        %ne3A_318 = arith.cmpi ne, %rem3A_316, %ne3A_317 : i32
        %lt3A_319 = arith.constant 0 : i32
        %lt3A_320 = arith.cmpi slt, %rem3A_316, %lt3A_319 : i32
        %lt3A_321 = arith.constant 0 : i32
        %lt3A_322 = arith.cmpi slt, %select_n3A_315, %lt3A_321 : i32
        %ne3A_323 = arith.xori %lt3A_320, %lt3A_322 : i1
        %and3A_324 = arith.andi %ne3A_323, %ne3A_318 : i1
        %add3A_325 = arith.addi %rem3A_316, %select_n3A_315 : i32
        %select_n3A_326 = arith.select %and3A_324, %add3A_325, %rem3A_316 : i32
        %add3A_327 = arith.addi %add3A_5, %add3A_310 : i32
        %dma_start3A_328 = arith.constant 0 : i32
        %dma_start3A_329 = tpu.memref_slice %arg7[%select_n3A_326, %dma_start3A_328] : memref<8x64xi32, #tpu.memory_space<vmem>> -> memref<1x64xi32, #tpu.memory_space<vmem>>
        %dma_start3A_330 = arith.constant 0 : i32
        %dma_start3A_331 = tpu.memref_slice %arg2[%add3A_327, %dma_start3A_330] : memref<5000x64xi32, #tpu.memory_space<hbm>> -> memref<1x64xi32, #tpu.memory_space<hbm>>
        %dma_start3A_332 = arith.constant 0 : i32
        %dma_start3A_333 = tpu.memref_slice %arg7[%select_n3A_326, %dma_start3A_332] : memref<8x64xi32, #tpu.memory_space<vmem>> -> memref<1x64xi32, #tpu.memory_space<vmem>>
        %dma_start3A_334 = arith.constant 0 : i32
        %dma_start3A_335 = tpu.memref_slice %arg2[%add3A_327, %dma_start3A_334] : memref<5000x64xi32, #tpu.memory_space<hbm>> -> memref<1x64xi32, #tpu.memory_space<hbm>>
        tpu.enqueue_dma source(%dma_start3A_335 : memref<1x64xi32, #tpu.memory_space<hbm>>) target(%dma_start3A_333 : memref<1x64xi32, #tpu.memory_space<vmem>>) target_semaphore(%arg10 : memref<!tpu.dma_semaphore, #tpu.memory_space<semaphore_mem>>)
        %add3A_336 = arith.addi %add3A_5, %add3A_310 : i32
        %dma_start3A_337 = arith.constant 0 : i32
        %dma_start3A_338 = tpu.memref_slice %arg8[%select_n3A_326, %dma_start3A_337] : memref<8x64xi32, #tpu.memory_space<vmem>> -> memref<1x64xi32, #tpu.memory_space<vmem>>
        %dma_start3A_339 = arith.constant 0 : i32
        %dma_start3A_340 = tpu.memref_slice %arg3[%add3A_336, %dma_start3A_339] : memref<5000x64xi32, #tpu.memory_space<hbm>> -> memref<1x64xi32, #tpu.memory_space<hbm>>
        %dma_start3A_341 = arith.constant 0 : i32
        %dma_start3A_342 = tpu.memref_slice %arg8[%select_n3A_326, %dma_start3A_341] : memref<8x64xi32, #tpu.memory_space<vmem>> -> memref<1x64xi32, #tpu.memory_space<vmem>>
        %dma_start3A_343 = arith.constant 0 : i32
        %dma_start3A_344 = tpu.memref_slice %arg3[%add3A_336, %dma_start3A_343] : memref<5000x64xi32, #tpu.memory_space<hbm>> -> memref<1x64xi32, #tpu.memory_space<hbm>>
        tpu.enqueue_dma source(%dma_start3A_344 : memref<1x64xi32, #tpu.memory_space<hbm>>) target(%dma_start3A_342 : memref<1x64xi32, #tpu.memory_space<vmem>>) target_semaphore(%arg10 : memref<!tpu.dma_semaphore, #tpu.memory_space<semaphore_mem>>)
      } else {
      }
      %add3A_252 = arith.constant 4 : i32
      %add3A_253 = arith.addi %while3A_240, %add3A_252 : i32
      %sub3A = arith.constant 1 : i32
      %sub3A_254 = arith.subi %add3A_253, %sub3A : i32
      %lt3A_255 = arith.cmpi slt, %sub3A_254, %add3A_7 : i32
      %convert_element_type3A_256 = arith.extui %lt3A_255 : i1 to i32
      %cond3A_257 = arith.constant 0 : i32
      %cond3A_258 = arith.cmpi ne, %convert_element_type3A_256, %cond3A_257 : i32
      scf.if %cond3A_258 {
        %dma_wait3A_309 = arith.constant 0 : i32
        %dma_wait3A_310 = arith.constant 0 : i32
        %dma_wait3A_311 = tpu.memref_slice %arg7[%dma_wait3A_309, %dma_wait3A_310] : memref<8x64xi32, #tpu.memory_space<vmem>> -> memref<1x64xi32, #tpu.memory_space<vmem>>
        %dma_wait3A_312 = arith.constant 0 : i32
        %dma_wait3A_313 = tpu.memref_slice %arg2[%add3A_5, %dma_wait3A_312] : memref<5000x64xi32, #tpu.memory_space<hbm>> -> memref<1x64xi32, #tpu.memory_space<hbm>>
        %dma_wait3A_314 = arith.constant 0 : i32
        %dma_wait3A_315 = arith.constant 0 : i32
        %dma_wait3A_316 = tpu.memref_slice %arg7[%dma_wait3A_314, %dma_wait3A_315] : memref<8x64xi32, #tpu.memory_space<vmem>> -> memref<1x64xi32, #tpu.memory_space<vmem>>
        %dma_wait3A_317 = arith.constant 0 : i32
        %dma_wait3A_318 = tpu.memref_slice %arg2[%add3A_5, %dma_wait3A_317] : memref<5000x64xi32, #tpu.memory_space<hbm>> -> memref<1x64xi32, #tpu.memory_space<hbm>>
        tpu.wait_dma2 semaphore(%arg10 : memref<!tpu.dma_semaphore, #tpu.memory_space<semaphore_mem>>) src(%dma_wait3A_318 : memref<1x64xi32, #tpu.memory_space<hbm>>) dst(%dma_wait3A_316 : memref<1x64xi32, #tpu.memory_space<vmem>>)
        %dma_wait3A_319 = arith.constant 0 : i32
        %dma_wait3A_320 = arith.constant 0 : i32
        %dma_wait3A_321 = tpu.memref_slice %arg8[%dma_wait3A_319, %dma_wait3A_320] : memref<8x64xi32, #tpu.memory_space<vmem>> -> memref<1x64xi32, #tpu.memory_space<vmem>>
        %dma_wait3A_322 = arith.constant 0 : i32
        %dma_wait3A_323 = tpu.memref_slice %arg3[%add3A_5, %dma_wait3A_322] : memref<5000x64xi32, #tpu.memory_space<hbm>> -> memref<1x64xi32, #tpu.memory_space<hbm>>
        %dma_wait3A_324 = arith.constant 0 : i32
        %dma_wait3A_325 = arith.constant 0 : i32
        %dma_wait3A_326 = tpu.memref_slice %arg8[%dma_wait3A_324, %dma_wait3A_325] : memref<8x64xi32, #tpu.memory_space<vmem>> -> memref<1x64xi32, #tpu.memory_space<vmem>>
        %dma_wait3A_327 = arith.constant 0 : i32
        %dma_wait3A_328 = tpu.memref_slice %arg3[%add3A_5, %dma_wait3A_327] : memref<5000x64xi32, #tpu.memory_space<hbm>> -> memref<1x64xi32, #tpu.memory_space<hbm>>
        tpu.wait_dma2 semaphore(%arg10 : memref<!tpu.dma_semaphore, #tpu.memory_space<semaphore_mem>>) src(%dma_wait3A_328 : memref<1x64xi32, #tpu.memory_space<hbm>>) dst(%dma_wait3A_326 : memref<1x64xi32, #tpu.memory_space<vmem>>)
        %add3A_329 = arith.constant 4 : i32
        %add3A_330 = arith.addi %while3A_240, %add3A_329 : i32
        %sub3A_331 = arith.constant 1 : i32
        %sub3A_332 = arith.subi %add3A_330, %sub3A_331 : i32
        %jit3A_333 = arith.constant 8 : i32
        %eq3A_334 = arith.constant 0 : i32
        %eq3A_335 = arith.cmpi eq, %jit3A_333, %eq3A_334 : i32
        %jit3A_336 = arith.constant 1 : i32
        %select_n3A_337 = arith.select %eq3A_335, %jit3A_336, %jit3A_333 : i32
        %rem3A_338 = arith.remsi %sub3A_332, %select_n3A_337 : i32
        %ne3A_339 = arith.constant 0 : i32
        %ne3A_340 = arith.cmpi ne, %rem3A_338, %ne3A_339 : i32
        %lt3A_341 = arith.constant 0 : i32
        %lt3A_342 = arith.cmpi slt, %rem3A_338, %lt3A_341 : i32
        %lt3A_343 = arith.constant 0 : i32
        %lt3A_344 = arith.cmpi slt, %select_n3A_337, %lt3A_343 : i32
        %ne3A_345 = arith.xori %lt3A_342, %lt3A_344 : i1
        %and3A_346 = arith.andi %ne3A_345, %ne3A_340 : i1
        %add3A_347 = arith.addi %rem3A_338, %select_n3A_337 : i32
        %select_n3A_348 = arith.select %and3A_346, %add3A_347, %rem3A_338 : i32
        %jit3A_349 = arith.constant 4 : i32
        %eq3A_350 = arith.constant 0 : i32
        %eq3A_351 = arith.cmpi eq, %jit3A_349, %eq3A_350 : i32
        %jit3A_352 = arith.constant 1 : i32
        %select_n3A_353 = arith.select %eq3A_351, %jit3A_352, %jit3A_349 : i32
        %rem3A_354 = arith.remsi %sub3A_332, %select_n3A_353 : i32
        %ne3A_355 = arith.constant 0 : i32
        %ne3A_356 = arith.cmpi ne, %rem3A_354, %ne3A_355 : i32
        %lt3A_357 = arith.constant 0 : i32
        %lt3A_358 = arith.cmpi slt, %rem3A_354, %lt3A_357 : i32
        %lt3A_359 = arith.constant 0 : i32
        %lt3A_360 = arith.cmpi slt, %select_n3A_353, %lt3A_359 : i32
        %ne3A_361 = arith.xori %lt3A_358, %lt3A_360 : i1
        %and3A_362 = arith.andi %ne3A_361, %ne3A_356 : i1
        %add3A_363 = arith.addi %rem3A_354, %select_n3A_353 : i32
        %select_n3A_364 = arith.select %and3A_362, %add3A_363, %rem3A_354 : i32
        %dma_start3A_365 = arith.constant 0 : i32
        %dma_start3A_366 = arith.constant 0 : i32
        %dma_start3A_367 = tpu.memref_slice %arg9[%select_n3A_364, %dma_start3A_365, %dma_start3A_366] : memref<4x64x144xf32, #tpu.memory_space<vmem>> -> memref<1x64x144xf32, #tpu.memory_space<vmem>>
        %dma_start3A_368 = tpu.memref_squeeze %dma_start3A_367 : memref<1x64x144xf32, #tpu.memory_space<vmem>> -> memref<64x144xf32, #tpu.memory_space<vmem>>
        %dma_start3A_369 = arith.constant 0 : i32
        %dma_start3A_370 = tpu.memref_slice %arg7[%select_n3A_348, %dma_start3A_369] : memref<8x64xi32, #tpu.memory_space<vmem>> -> memref<1x64xi32, #tpu.memory_space<vmem>>
        %dma_start3A_371 = tpu.memref_squeeze %dma_start3A_370 : memref<1x64xi32, #tpu.memory_space<vmem>> -> memref<64xi32, #tpu.memory_space<vmem>>
        %dma_start3A_372 = arith.constant 0 : i32
        %dma_start3A_373 = arith.constant 0 : i32
        %dma_start3A_374 = tpu.memref_slice %arg4[%dma_start3A_372, %dma_start3A_373] : memref<10000x144xf32, #tpu.memory_space<hbm>> -> memref<10000x144xf32, #tpu.memory_space<hbm>>
        tpu.enqueue_indirect_dma source(%dma_start3A_374 : memref<10000x144xf32, #tpu.memory_space<hbm>>) target(%dma_start3A_368 : memref<64x144xf32, #tpu.memory_space<vmem>>) offsets(%dma_start3A_371 : memref<64xi32, #tpu.memory_space<vmem>>) semaphore(%arg11 : memref<!tpu.dma_semaphore, #tpu.memory_space<semaphore_mem>>)
      } else {
      }
      %dma_wait3A_259 = arith.constant 0 : i32
      %dma_wait3A_260 = arith.constant 0 : i32
      %dma_wait3A_261 = arith.constant 0 : i32
      %dma_wait3A_262 = arith.constant 0 : i32
      %dma_wait3A_263 = tpu.memref_slice %arg9[%dma_wait3A_260, %dma_wait3A_261, %dma_wait3A_262] : memref<4x64x144xf32, #tpu.memory_space<vmem>> -> memref<1x64x144xf32, #tpu.memory_space<vmem>>
      %dma_wait3A_264 = tpu.memref_squeeze %dma_wait3A_263 : memref<1x64x144xf32, #tpu.memory_space<vmem>> -> memref<64x144xf32, #tpu.memory_space<vmem>>
      %dma_wait3A_265 = arith.constant 0 : i32
      %dma_wait3A_266 = tpu.memref_slice %arg7[%dma_wait3A_259, %dma_wait3A_265] : memref<8x64xi32, #tpu.memory_space<vmem>> -> memref<1x64xi32, #tpu.memory_space<vmem>>
      %dma_wait3A_267 = tpu.memref_squeeze %dma_wait3A_266 : memref<1x64xi32, #tpu.memory_space<vmem>> -> memref<64xi32, #tpu.memory_space<vmem>>
      %dma_wait3A_268 = arith.constant 0 : i32
      %dma_wait3A_269 = arith.constant 0 : i32
      %dma_wait3A_270 = tpu.memref_slice %arg4[%dma_wait3A_268, %dma_wait3A_269] : memref<10000x144xf32, #tpu.memory_space<hbm>> -> memref<10000x144xf32, #tpu.memory_space<hbm>>
      tpu.wait_indirect_dma semaphore(%arg11 : memref<!tpu.dma_semaphore, #tpu.memory_space<semaphore_mem>>) src(%dma_wait3A_270 : memref<10000x144xf32, #tpu.memory_space<hbm>>) dst(%dma_wait3A_264 : memref<64x144xf32, #tpu.memory_space<vmem>>)
      %jit3A = arith.constant 4 : i32
      %eq3A_271 = arith.constant 0 : i32
      %eq3A_272 = arith.cmpi eq, %jit3A, %eq3A_271 : i32
      %jit3A_273 = arith.constant 1 : i32
      %select_n3A = arith.select %eq3A_272, %jit3A_273, %jit3A : i32
      %rem3A = arith.remsi %while3A_240, %select_n3A : i32
      %ne3A = arith.constant 0 : i32
      %ne3A_274 = arith.cmpi ne, %rem3A, %ne3A : i32
      %lt3A_275 = arith.constant 0 : i32
      %lt3A_276 = arith.cmpi slt, %rem3A, %lt3A_275 : i32
      %lt3A_277 = arith.constant 0 : i32
      %lt3A_278 = arith.cmpi slt, %select_n3A, %lt3A_277 : i32
      %ne3A_279 = arith.xori %lt3A_276, %lt3A_278 : i1
      %and3A = arith.andi %ne3A_279, %ne3A_274 : i1
      %add3A_280 = arith.addi %rem3A, %select_n3A : i32
      %select_n3A_281 = arith.select %and3A, %add3A_280, %rem3A : i32
      %jit3A_282 = arith.constant 8 : i32
      %eq3A_283 = arith.constant 0 : i32
      %eq3A_284 = arith.cmpi eq, %jit3A_282, %eq3A_283 : i32
      %jit3A_285 = arith.constant 1 : i32
      %select_n3A_286 = arith.select %eq3A_284, %jit3A_285, %jit3A_282 : i32
      %rem3A_287 = arith.remsi %while3A_240, %select_n3A_286 : i32
      %ne3A_288 = arith.constant 0 : i32
      %ne3A_289 = arith.cmpi ne, %rem3A_287, %ne3A_288 : i32
      %lt3A_290 = arith.constant 0 : i32
      %lt3A_291 = arith.cmpi slt, %rem3A_287, %lt3A_290 : i32
      %lt3A_292 = arith.constant 0 : i32
      %lt3A_293 = arith.cmpi slt, %select_n3A_286, %lt3A_292 : i32
      %ne3A_294 = arith.xori %lt3A_291, %lt3A_293 : i1
      %and3A_295 = arith.andi %ne3A_294, %ne3A_289 : i1
      %add3A_296 = arith.addi %rem3A_287, %select_n3A_286 : i32
      %select_n3A_297 = arith.select %and3A_295, %add3A_296, %rem3A_287 : i32
      %dma_start3A_298 = arith.constant 0 : i32
      %dma_start3A_299 = arith.constant 0 : i32
      %dma_start3A_300 = tpu.memref_slice %arg9[%select_n3A_281, %dma_start3A_298, %dma_start3A_299] : memref<4x64x144xf32, #tpu.memory_space<vmem>> -> memref<1x64x144xf32, #tpu.memory_space<vmem>>
      %dma_start3A_301 = tpu.memref_squeeze %dma_start3A_300 : memref<1x64x144xf32, #tpu.memory_space<vmem>> -> memref<64x144xf32, #tpu.memory_space<vmem>>
      %dma_start3A_302 = arith.constant 0 : i32
      %dma_start3A_303 = tpu.memref_slice %arg8[%select_n3A_297, %dma_start3A_302] : memref<8x64xi32, #tpu.memory_space<vmem>> -> memref<1x64xi32, #tpu.memory_space<vmem>>
      %dma_start3A_304 = tpu.memref_squeeze %dma_start3A_303 : memref<1x64xi32, #tpu.memory_space<vmem>> -> memref<64xi32, #tpu.memory_space<vmem>>
      %dma_start3A_305 = arith.constant 0 : i32
      %dma_start3A_306 = arith.constant 0 : i32
      %dma_start3A_307 = tpu.memref_slice %arg13[%dma_start3A_305, %dma_start3A_306] : memref<10000x144xf32, #tpu.memory_space<vmem_shared>> -> memref<10000x144xf32, #tpu.memory_space<vmem_shared>>
      tpu.enqueue_indirect_dma source(%dma_start3A_301 : memref<64x144xf32, #tpu.memory_space<vmem>>) target(%dma_start3A_307 : memref<10000x144xf32, #tpu.memory_space<vmem_shared>>) offsets(%dma_start3A_304 : memref<64xi32, #tpu.memory_space<vmem>>) semaphore(%arg12 : memref<!tpu.dma_semaphore, #tpu.memory_space<semaphore_mem>>) {add = true}
      %while3A_308 = arith.constant 0 : i32
      scf.yield %while3A_308 : i32
    }
    %dma_wait3A_217 = arith.constant 0 : i32
    %dma_wait3A_218 = arith.constant 0 : i32
    %dma_wait3A_219 = arith.constant 0 : i32
    %dma_wait3A_220 = arith.constant 0 : i32
    %dma_wait3A_221 = tpu.memref_slice %arg9[%dma_wait3A_217, %dma_wait3A_219, %dma_wait3A_220] : memref<4x64x144xf32, #tpu.memory_space<vmem>> -> memref<1x64x144xf32, #tpu.memory_space<vmem>>
    %dma_wait3A_222 = tpu.memref_squeeze %dma_wait3A_221 : memref<1x64x144xf32, #tpu.memory_space<vmem>> -> memref<64x144xf32, #tpu.memory_space<vmem>>
    %dma_wait3A_223 = arith.constant 0 : i32
    %dma_wait3A_224 = tpu.memref_slice %arg8[%dma_wait3A_218, %dma_wait3A_223] : memref<8x64xi32, #tpu.memory_space<vmem>> -> memref<1x64xi32, #tpu.memory_space<vmem>>
    %dma_wait3A_225 = tpu.memref_squeeze %dma_wait3A_224 : memref<1x64xi32, #tpu.memory_space<vmem>> -> memref<64xi32, #tpu.memory_space<vmem>>
    %dma_wait3A_226 = arith.constant 0 : i32
    %dma_wait3A_227 = arith.constant 0 : i32
    %dma_wait3A_228 = tpu.memref_slice %arg13[%dma_wait3A_226, %dma_wait3A_227] : memref<10000x144xf32, #tpu.memory_space<vmem_shared>> -> memref<10000x144xf32, #tpu.memory_space<vmem_shared>>
    tpu.wait_indirect_dma semaphore(%arg12 : memref<!tpu.dma_semaphore, #tpu.memory_space<semaphore_mem>>) src(%dma_wait3A_222 : memref<64x144xf32, #tpu.memory_space<vmem>>) dst(%dma_wait3A_228 : memref<10000x144xf32, #tpu.memory_space<vmem_shared>>)
    %barrier3A_229 = arith.constant 0 : index
    tpu.barrier barrier_id(%barrier3A_229)
    %lt3A_230 = arith.constant 15 : i32
    %lt3A_231 = arith.cmpi slt, %arg1, %lt3A_230 : i32
    %convert_element_type3A_232 = arith.extui %lt3A_231 : i1 to i32
    %cond3A_233 = arith.constant 0 : i32
    %cond3A_234 = arith.cmpi ne, %convert_element_type3A_232, %cond3A_233 : i32
    scf.if %cond3A_234 {
      %mul3A_240 = arith.constant 632 : i32
      %mul3A_241 = arith.muli %arg1, %mul3A_240 : i32
      %multiple_of3A = tpu.assume_multiple %mul3A_241, 8 : i32
      "tpu.region"() ({
        %run_scoped3A = tpu.sem_alloc : memref<!tpu.dma_semaphore, #tpu.memory_space<semaphore_mem>>
        %dma_start3A_242 = arith.constant 0 : i32
        %dma_start3A_243 = arith.constant 0 : i32
        %dma_start3A_244 = tpu.memref_slice %arg6[%arg0, %dma_start3A_242, %dma_start3A_243] : memref<2x10000x144xf32, #tpu.memory_space<hbm>> -> memref<1x10000x144xf32, #tpu.memory_space<hbm>>
        %dma_start3A_245 = tpu.memref_squeeze %dma_start3A_244 : memref<1x10000x144xf32, #tpu.memory_space<hbm>> -> memref<10000x144xf32, #tpu.memory_space<hbm>>
        %dma_start3A_246 = arith.constant 0 : i32
        %dma_start3A_247 = tpu.memref_slice %dma_start3A_245[%multiple_of3A, %dma_start3A_246] : memref<10000x144xf32, #tpu.memory_space<hbm>> -> memref<632x144xf32, #tpu.memory_space<hbm>>
        %dma_start3A_248 = arith.constant 0 : i32
        %dma_start3A_249 = tpu.memref_slice %arg13[%multiple_of3A, %dma_start3A_248] : memref<10000x144xf32, #tpu.memory_space<vmem_shared>> -> memref<632x144xf32, #tpu.memory_space<vmem_shared>>
        tpu.enqueue_dma source(%dma_start3A_249 : memref<632x144xf32, #tpu.memory_space<vmem_shared>>) target(%dma_start3A_247 : memref<632x144xf32, #tpu.memory_space<hbm>>) target_semaphore(%run_scoped3A : memref<!tpu.dma_semaphore, #tpu.memory_space<semaphore_mem>>)
        %dma_wait3A_250 = arith.constant 0 : i32
        %dma_wait3A_251 = arith.constant 0 : i32
        %dma_wait3A_252 = tpu.memref_slice %arg6[%arg0, %dma_wait3A_250, %dma_wait3A_251] : memref<2x10000x144xf32, #tpu.memory_space<hbm>> -> memref<1x10000x144xf32, #tpu.memory_space<hbm>>
        %dma_wait3A_253 = tpu.memref_squeeze %dma_wait3A_252 : memref<1x10000x144xf32, #tpu.memory_space<hbm>> -> memref<10000x144xf32, #tpu.memory_space<hbm>>
        %dma_wait3A_254 = arith.constant 0 : i32
        %dma_wait3A_255 = tpu.memref_slice %dma_wait3A_253[%multiple_of3A, %dma_wait3A_254] : memref<10000x144xf32, #tpu.memory_space<hbm>> -> memref<632x144xf32, #tpu.memory_space<hbm>>
        %dma_wait3A_256 = arith.constant 0 : i32
        %dma_wait3A_257 = tpu.memref_slice %arg13[%multiple_of3A, %dma_wait3A_256] : memref<10000x144xf32, #tpu.memory_space<vmem_shared>> -> memref<632x144xf32, #tpu.memory_space<vmem_shared>>
        tpu.wait_dma2 semaphore(%run_scoped3A : memref<!tpu.dma_semaphore, #tpu.memory_space<semaphore_mem>>) src(%dma_wait3A_257 : memref<632x144xf32, #tpu.memory_space<vmem_shared>>) dst(%dma_wait3A_255 : memref<632x144xf32, #tpu.memory_space<hbm>>)
        tpu.yield
      }) : () -> ()
    } else {
    }
    %eq3A_235 = arith.constant 15 : i32
    %eq3A_236 = arith.cmpi eq, %arg1, %eq3A_235 : i32
    %convert_element_type3A_237 = arith.extui %eq3A_236 : i1 to i32
    %cond3A_238 = arith.constant 0 : i32
    %cond3A_239 = arith.cmpi ne, %convert_element_type3A_237, %cond3A_238 : i32
    scf.if %cond3A_239 {
      "tpu.region"() ({
        %run_scoped3A = tpu.sem_alloc : memref<!tpu.dma_semaphore, #tpu.memory_space<semaphore_mem>>
        %dma_start3A_240 = arith.constant 0 : i32
        %dma_start3A_241 = arith.constant 0 : i32
        %dma_start3A_242 = tpu.memref_slice %arg6[%arg0, %dma_start3A_240, %dma_start3A_241] : memref<2x10000x144xf32, #tpu.memory_space<hbm>> -> memref<1x10000x144xf32, #tpu.memory_space<hbm>>
        %dma_start3A_243 = tpu.memref_squeeze %dma_start3A_242 : memref<1x10000x144xf32, #tpu.memory_space<hbm>> -> memref<10000x144xf32, #tpu.memory_space<hbm>>
        %dma_start3A_244 = arith.constant 9480 : i32
        %dma_start3A_245 = arith.constant 0 : i32
        %dma_start3A_246 = tpu.memref_slice %dma_start3A_243[%dma_start3A_244, %dma_start3A_245] : memref<10000x144xf32, #tpu.memory_space<hbm>> -> memref<520x144xf32, #tpu.memory_space<hbm>>
        %dma_start3A_247 = arith.constant 9480 : i32
        %dma_start3A_248 = arith.constant 0 : i32
        %dma_start3A_249 = tpu.memref_slice %arg13[%dma_start3A_247, %dma_start3A_248] : memref<10000x144xf32, #tpu.memory_space<vmem_shared>> -> memref<520x144xf32, #tpu.memory_space<vmem_shared>>
        tpu.enqueue_dma source(%dma_start3A_249 : memref<520x144xf32, #tpu.memory_space<vmem_shared>>) target(%dma_start3A_246 : memref<520x144xf32, #tpu.memory_space<hbm>>) target_semaphore(%run_scoped3A : memref<!tpu.dma_semaphore, #tpu.memory_space<semaphore_mem>>)
        %dma_wait3A_250 = arith.constant 0 : i32
        %dma_wait3A_251 = arith.constant 0 : i32
        %dma_wait3A_252 = tpu.memref_slice %arg6[%arg0, %dma_wait3A_250, %dma_wait3A_251] : memref<2x10000x144xf32, #tpu.memory_space<hbm>> -> memref<1x10000x144xf32, #tpu.memory_space<hbm>>
        %dma_wait3A_253 = tpu.memref_squeeze %dma_wait3A_252 : memref<1x10000x144xf32, #tpu.memory_space<hbm>> -> memref<10000x144xf32, #tpu.memory_space<hbm>>
        %dma_wait3A_254 = arith.constant 9480 : i32
        %dma_wait3A_255 = arith.constant 0 : i32
        %dma_wait3A_256 = tpu.memref_slice %dma_wait3A_253[%dma_wait3A_254, %dma_wait3A_255] : memref<10000x144xf32, #tpu.memory_space<hbm>> -> memref<520x144xf32, #tpu.memory_space<hbm>>
        %dma_wait3A_257 = arith.constant 9480 : i32
        %dma_wait3A_258 = arith.constant 0 : i32
        %dma_wait3A_259 = tpu.memref_slice %arg13[%dma_wait3A_257, %dma_wait3A_258] : memref<10000x144xf32, #tpu.memory_space<vmem_shared>> -> memref<520x144xf32, #tpu.memory_space<vmem_shared>>
        tpu.wait_dma2 semaphore(%run_scoped3A : memref<!tpu.dma_semaphore, #tpu.memory_space<semaphore_mem>>) src(%dma_wait3A_259 : memref<520x144xf32, #tpu.memory_space<vmem_shared>>) dst(%dma_wait3A_256 : memref<520x144xf32, #tpu.memory_space<hbm>>)
        tpu.yield
      }) : () -> ()
    } else {
    }
    return
  }
}

#map = affine_map<(d0, d1) -> (0, 0)>
#map1 = affine_map<(d0, d1) -> (0, 0, 0)>
module attributes {stable_mosaic.version = 14 : i64} {
  func.func @spmm_kernel(%arg0: i32, %arg1: i32, %arg2: memref<2500x128xi32, #tpu.memory_space<hbm>>, %arg3: memref<2500x128xi32, #tpu.memory_space<hbm>>, %arg4: memref<10000x128xf32, #tpu.memory_space<hbm>>, %arg5: memref<10000x128xf32, #tpu.memory_space<hbm>>, %arg6: memref<2x10000x128xf32, #tpu.memory_space<hbm>>, %arg7: memref<4x128xi32, #tpu.memory_space<vmem>>, %arg8: memref<4x128xi32, #tpu.memory_space<vmem>>, %arg9: memref<3x128x128xf32, #tpu.memory_space<vmem>>, %arg10: memref<!tpu.dma_semaphore, #tpu.memory_space<semaphore_mem>>, %arg11: memref<!tpu.dma_semaphore, #tpu.memory_space<semaphore_mem>>, %arg12: memref<!tpu.dma_semaphore, #tpu.memory_space<semaphore_mem>>, %arg13: memref<10000x128xf32, #tpu.memory_space<vmem_shared>>) attributes {dimension_semantics = [#tpu.dimension_semantics<core_parallel>, #tpu.dimension_semantics<subcore_parallel>], iteration_bounds = array<i64: 2, 16>, scalar_prefetch = 0 : i64, scratch_operands = 7 : i64, tpu.core_type = #tpu.core_type<sc_vector_subcore>, window_params = [{transform_indices = #map}, {transform_indices = #map}, {transform_indices = #map}, {transform_indices = #map}, {transform_indices = #map1}]} {
    %mul3A = arith.constant 16 : i32
    %mul3A_0 = arith.muli %arg0, %mul3A : i32
    %add3A = arith.addi %mul3A_0, %arg1 : i32
    %lt3A = arith.constant 4 : i32
    %lt3A_1 = arith.cmpi slt, %add3A, %lt3A : i32
    %mul3A_2 = arith.constant 78 : i32
    %mul3A_3 = arith.muli %add3A, %mul3A_2 : i32
    %min3A = arith.constant 4 : i32
    %min3A_4 = arith.minsi %add3A, %min3A : i32
    %add3A_5 = arith.addi %mul3A_3, %min3A_4 : i32
    %convert_element_type3A = arith.extui %lt3A_1 : i1 to i32
    %add3A_6 = arith.constant 78 : i32
    %add3A_7 = arith.addi %add3A_6, %convert_element_type3A : i32
    %lt3A_8 = arith.constant 15 : i32
    %lt3A_9 = arith.cmpi slt, %arg1, %lt3A_8 : i32
    %convert_element_type3A_10 = arith.extui %lt3A_9 : i1 to i32
    %cond3A = arith.constant 0 : i32
    %cond3A_11 = arith.cmpi ne, %convert_element_type3A_10, %cond3A : i32
    scf.if %cond3A_11 {
      %mul3A_184 = arith.constant 632 : i32
      %mul3A_185 = arith.muli %arg1, %mul3A_184 : i32
      %multiple_of3A = tpu.assume_multiple %mul3A_185, 8 : i32
      "tpu.region"() ({
        %run_scoped3A = tpu.sem_alloc : memref<!tpu.dma_semaphore, #tpu.memory_space<semaphore_mem>>
        %dma_start3A_186 = arith.constant 0 : i32
        %dma_start3A_187 = tpu.memref_slice %arg13[%multiple_of3A, %dma_start3A_186] : memref<10000x128xf32, #tpu.memory_space<vmem_shared>> -> memref<632x128xf32, #tpu.memory_space<vmem_shared>>
        %dma_start3A_188 = arith.constant 0 : i32
        %dma_start3A_189 = tpu.memref_slice %arg5[%multiple_of3A, %dma_start3A_188] : memref<10000x128xf32, #tpu.memory_space<hbm>> -> memref<632x128xf32, #tpu.memory_space<hbm>>
        tpu.enqueue_dma source(%dma_start3A_189 : memref<632x128xf32, #tpu.memory_space<hbm>>) target(%dma_start3A_187 : memref<632x128xf32, #tpu.memory_space<vmem_shared>>) target_semaphore(%run_scoped3A : memref<!tpu.dma_semaphore, #tpu.memory_space<semaphore_mem>>)
        %dma_wait3A_190 = arith.constant 0 : i32
        %dma_wait3A_191 = tpu.memref_slice %arg13[%multiple_of3A, %dma_wait3A_190] : memref<10000x128xf32, #tpu.memory_space<vmem_shared>> -> memref<632x128xf32, #tpu.memory_space<vmem_shared>>
        %dma_wait3A_192 = arith.constant 0 : i32
        %dma_wait3A_193 = tpu.memref_slice %arg5[%multiple_of3A, %dma_wait3A_192] : memref<10000x128xf32, #tpu.memory_space<hbm>> -> memref<632x128xf32, #tpu.memory_space<hbm>>
        tpu.wait_dma2 semaphore(%run_scoped3A : memref<!tpu.dma_semaphore, #tpu.memory_space<semaphore_mem>>) src(%dma_wait3A_193 : memref<632x128xf32, #tpu.memory_space<hbm>>) dst(%dma_wait3A_191 : memref<632x128xf32, #tpu.memory_space<vmem_shared>>)
        tpu.yield
      }) : () -> ()
    } else {
    }
    %eq3A = arith.constant 15 : i32
    %eq3A_12 = arith.cmpi eq, %arg1, %eq3A : i32
    %convert_element_type3A_13 = arith.extui %eq3A_12 : i1 to i32
    %cond3A_14 = arith.constant 0 : i32
    %cond3A_15 = arith.cmpi ne, %convert_element_type3A_13, %cond3A_14 : i32
    scf.if %cond3A_15 {
      "tpu.region"() ({
        %run_scoped3A = tpu.sem_alloc : memref<!tpu.dma_semaphore, #tpu.memory_space<semaphore_mem>>
        %dma_start3A_184 = arith.constant 9480 : i32
        %dma_start3A_185 = arith.constant 0 : i32
        %dma_start3A_186 = tpu.memref_slice %arg13[%dma_start3A_184, %dma_start3A_185] : memref<10000x128xf32, #tpu.memory_space<vmem_shared>> -> memref<520x128xf32, #tpu.memory_space<vmem_shared>>
        %dma_start3A_187 = arith.constant 9480 : i32
        %dma_start3A_188 = arith.constant 0 : i32
        %dma_start3A_189 = tpu.memref_slice %arg5[%dma_start3A_187, %dma_start3A_188] : memref<10000x128xf32, #tpu.memory_space<hbm>> -> memref<520x128xf32, #tpu.memory_space<hbm>>
        tpu.enqueue_dma source(%dma_start3A_189 : memref<520x128xf32, #tpu.memory_space<hbm>>) target(%dma_start3A_186 : memref<520x128xf32, #tpu.memory_space<vmem_shared>>) target_semaphore(%run_scoped3A : memref<!tpu.dma_semaphore, #tpu.memory_space<semaphore_mem>>)
        %dma_wait3A_190 = arith.constant 9480 : i32
        %dma_wait3A_191 = arith.constant 0 : i32
        %dma_wait3A_192 = tpu.memref_slice %arg13[%dma_wait3A_190, %dma_wait3A_191] : memref<10000x128xf32, #tpu.memory_space<vmem_shared>> -> memref<520x128xf32, #tpu.memory_space<vmem_shared>>
        %dma_wait3A_193 = arith.constant 9480 : i32
        %dma_wait3A_194 = arith.constant 0 : i32
        %dma_wait3A_195 = tpu.memref_slice %arg5[%dma_wait3A_193, %dma_wait3A_194] : memref<10000x128xf32, #tpu.memory_space<hbm>> -> memref<520x128xf32, #tpu.memory_space<hbm>>
        tpu.wait_dma2 semaphore(%run_scoped3A : memref<!tpu.dma_semaphore, #tpu.memory_space<semaphore_mem>>) src(%dma_wait3A_195 : memref<520x128xf32, #tpu.memory_space<hbm>>) dst(%dma_wait3A_192 : memref<520x128xf32, #tpu.memory_space<vmem_shared>>)
        tpu.yield
      }) : () -> ()
    } else {
    }
    %barrier3A = arith.constant 0 : index
    tpu.barrier barrier_id(%barrier3A)
    %add3A_16 = arith.constant 0 : i32
    %add3A_17 = arith.addi %add3A_5, %add3A_16 : i32
    %dma_start3A = arith.constant 0 : i32
    %dma_start3A_18 = arith.constant 0 : i32
    %dma_start3A_19 = tpu.memref_slice %arg7[%dma_start3A, %dma_start3A_18] : memref<4x128xi32, #tpu.memory_space<vmem>> -> memref<1x128xi32, #tpu.memory_space<vmem>>
    %dma_start3A_20 = arith.constant 0 : i32
    %dma_start3A_21 = tpu.memref_slice %arg2[%add3A_17, %dma_start3A_20] : memref<2500x128xi32, #tpu.memory_space<hbm>> -> memref<1x128xi32, #tpu.memory_space<hbm>>
    %dma_start3A_22 = arith.constant 0 : i32
    %dma_start3A_23 = arith.constant 0 : i32
    %dma_start3A_24 = tpu.memref_slice %arg7[%dma_start3A_22, %dma_start3A_23] : memref<4x128xi32, #tpu.memory_space<vmem>> -> memref<1x128xi32, #tpu.memory_space<vmem>>
    %dma_start3A_25 = arith.constant 0 : i32
    %dma_start3A_26 = tpu.memref_slice %arg2[%add3A_17, %dma_start3A_25] : memref<2500x128xi32, #tpu.memory_space<hbm>> -> memref<1x128xi32, #tpu.memory_space<hbm>>
    tpu.enqueue_dma source(%dma_start3A_26 : memref<1x128xi32, #tpu.memory_space<hbm>>) target(%dma_start3A_24 : memref<1x128xi32, #tpu.memory_space<vmem>>) target_semaphore(%arg10 : memref<!tpu.dma_semaphore, #tpu.memory_space<semaphore_mem>>)
    %add3A_27 = arith.constant 0 : i32
    %add3A_28 = arith.addi %add3A_5, %add3A_27 : i32
    %dma_start3A_29 = arith.constant 0 : i32
    %dma_start3A_30 = arith.constant 0 : i32
    %dma_start3A_31 = tpu.memref_slice %arg8[%dma_start3A_29, %dma_start3A_30] : memref<4x128xi32, #tpu.memory_space<vmem>> -> memref<1x128xi32, #tpu.memory_space<vmem>>
    %dma_start3A_32 = arith.constant 0 : i32
    %dma_start3A_33 = tpu.memref_slice %arg3[%add3A_28, %dma_start3A_32] : memref<2500x128xi32, #tpu.memory_space<hbm>> -> memref<1x128xi32, #tpu.memory_space<hbm>>
    %dma_start3A_34 = arith.constant 0 : i32
    %dma_start3A_35 = arith.constant 0 : i32
    %dma_start3A_36 = tpu.memref_slice %arg8[%dma_start3A_34, %dma_start3A_35] : memref<4x128xi32, #tpu.memory_space<vmem>> -> memref<1x128xi32, #tpu.memory_space<vmem>>
    %dma_start3A_37 = arith.constant 0 : i32
    %dma_start3A_38 = tpu.memref_slice %arg3[%add3A_28, %dma_start3A_37] : memref<2500x128xi32, #tpu.memory_space<hbm>> -> memref<1x128xi32, #tpu.memory_space<hbm>>
    tpu.enqueue_dma source(%dma_start3A_38 : memref<1x128xi32, #tpu.memory_space<hbm>>) target(%dma_start3A_36 : memref<1x128xi32, #tpu.memory_space<vmem>>) target_semaphore(%arg10 : memref<!tpu.dma_semaphore, #tpu.memory_space<semaphore_mem>>)
    %add3A_39 = arith.constant 1 : i32
    %add3A_40 = arith.addi %add3A_5, %add3A_39 : i32
    %dma_start3A_41 = arith.constant 1 : i32
    %dma_start3A_42 = arith.constant 0 : i32
    %dma_start3A_43 = tpu.memref_slice %arg7[%dma_start3A_41, %dma_start3A_42] : memref<4x128xi32, #tpu.memory_space<vmem>> -> memref<1x128xi32, #tpu.memory_space<vmem>>
    %dma_start3A_44 = arith.constant 0 : i32
    %dma_start3A_45 = tpu.memref_slice %arg2[%add3A_40, %dma_start3A_44] : memref<2500x128xi32, #tpu.memory_space<hbm>> -> memref<1x128xi32, #tpu.memory_space<hbm>>
    %dma_start3A_46 = arith.constant 1 : i32
    %dma_start3A_47 = arith.constant 0 : i32
    %dma_start3A_48 = tpu.memref_slice %arg7[%dma_start3A_46, %dma_start3A_47] : memref<4x128xi32, #tpu.memory_space<vmem>> -> memref<1x128xi32, #tpu.memory_space<vmem>>
    %dma_start3A_49 = arith.constant 0 : i32
    %dma_start3A_50 = tpu.memref_slice %arg2[%add3A_40, %dma_start3A_49] : memref<2500x128xi32, #tpu.memory_space<hbm>> -> memref<1x128xi32, #tpu.memory_space<hbm>>
    tpu.enqueue_dma source(%dma_start3A_50 : memref<1x128xi32, #tpu.memory_space<hbm>>) target(%dma_start3A_48 : memref<1x128xi32, #tpu.memory_space<vmem>>) target_semaphore(%arg10 : memref<!tpu.dma_semaphore, #tpu.memory_space<semaphore_mem>>)
    %add3A_51 = arith.constant 1 : i32
    %add3A_52 = arith.addi %add3A_5, %add3A_51 : i32
    %dma_start3A_53 = arith.constant 1 : i32
    %dma_start3A_54 = arith.constant 0 : i32
    %dma_start3A_55 = tpu.memref_slice %arg8[%dma_start3A_53, %dma_start3A_54] : memref<4x128xi32, #tpu.memory_space<vmem>> -> memref<1x128xi32, #tpu.memory_space<vmem>>
    %dma_start3A_56 = arith.constant 0 : i32
    %dma_start3A_57 = tpu.memref_slice %arg3[%add3A_52, %dma_start3A_56] : memref<2500x128xi32, #tpu.memory_space<hbm>> -> memref<1x128xi32, #tpu.memory_space<hbm>>
    %dma_start3A_58 = arith.constant 1 : i32
    %dma_start3A_59 = arith.constant 0 : i32
    %dma_start3A_60 = tpu.memref_slice %arg8[%dma_start3A_58, %dma_start3A_59] : memref<4x128xi32, #tpu.memory_space<vmem>> -> memref<1x128xi32, #tpu.memory_space<vmem>>
    %dma_start3A_61 = arith.constant 0 : i32
    %dma_start3A_62 = tpu.memref_slice %arg3[%add3A_52, %dma_start3A_61] : memref<2500x128xi32, #tpu.memory_space<hbm>> -> memref<1x128xi32, #tpu.memory_space<hbm>>
    tpu.enqueue_dma source(%dma_start3A_62 : memref<1x128xi32, #tpu.memory_space<hbm>>) target(%dma_start3A_60 : memref<1x128xi32, #tpu.memory_space<vmem>>) target_semaphore(%arg10 : memref<!tpu.dma_semaphore, #tpu.memory_space<semaphore_mem>>)
    %add3A_63 = arith.constant 2 : i32
    %add3A_64 = arith.addi %add3A_5, %add3A_63 : i32
    %dma_start3A_65 = arith.constant 2 : i32
    %dma_start3A_66 = arith.constant 0 : i32
    %dma_start3A_67 = tpu.memref_slice %arg7[%dma_start3A_65, %dma_start3A_66] : memref<4x128xi32, #tpu.memory_space<vmem>> -> memref<1x128xi32, #tpu.memory_space<vmem>>
    %dma_start3A_68 = arith.constant 0 : i32
    %dma_start3A_69 = tpu.memref_slice %arg2[%add3A_64, %dma_start3A_68] : memref<2500x128xi32, #tpu.memory_space<hbm>> -> memref<1x128xi32, #tpu.memory_space<hbm>>
    %dma_start3A_70 = arith.constant 2 : i32
    %dma_start3A_71 = arith.constant 0 : i32
    %dma_start3A_72 = tpu.memref_slice %arg7[%dma_start3A_70, %dma_start3A_71] : memref<4x128xi32, #tpu.memory_space<vmem>> -> memref<1x128xi32, #tpu.memory_space<vmem>>
    %dma_start3A_73 = arith.constant 0 : i32
    %dma_start3A_74 = tpu.memref_slice %arg2[%add3A_64, %dma_start3A_73] : memref<2500x128xi32, #tpu.memory_space<hbm>> -> memref<1x128xi32, #tpu.memory_space<hbm>>
    tpu.enqueue_dma source(%dma_start3A_74 : memref<1x128xi32, #tpu.memory_space<hbm>>) target(%dma_start3A_72 : memref<1x128xi32, #tpu.memory_space<vmem>>) target_semaphore(%arg10 : memref<!tpu.dma_semaphore, #tpu.memory_space<semaphore_mem>>)
    %add3A_75 = arith.constant 2 : i32
    %add3A_76 = arith.addi %add3A_5, %add3A_75 : i32
    %dma_start3A_77 = arith.constant 2 : i32
    %dma_start3A_78 = arith.constant 0 : i32
    %dma_start3A_79 = tpu.memref_slice %arg8[%dma_start3A_77, %dma_start3A_78] : memref<4x128xi32, #tpu.memory_space<vmem>> -> memref<1x128xi32, #tpu.memory_space<vmem>>
    %dma_start3A_80 = arith.constant 0 : i32
    %dma_start3A_81 = tpu.memref_slice %arg3[%add3A_76, %dma_start3A_80] : memref<2500x128xi32, #tpu.memory_space<hbm>> -> memref<1x128xi32, #tpu.memory_space<hbm>>
    %dma_start3A_82 = arith.constant 2 : i32
    %dma_start3A_83 = arith.constant 0 : i32
    %dma_start3A_84 = tpu.memref_slice %arg8[%dma_start3A_82, %dma_start3A_83] : memref<4x128xi32, #tpu.memory_space<vmem>> -> memref<1x128xi32, #tpu.memory_space<vmem>>
    %dma_start3A_85 = arith.constant 0 : i32
    %dma_start3A_86 = tpu.memref_slice %arg3[%add3A_76, %dma_start3A_85] : memref<2500x128xi32, #tpu.memory_space<hbm>> -> memref<1x128xi32, #tpu.memory_space<hbm>>
    tpu.enqueue_dma source(%dma_start3A_86 : memref<1x128xi32, #tpu.memory_space<hbm>>) target(%dma_start3A_84 : memref<1x128xi32, #tpu.memory_space<vmem>>) target_semaphore(%arg10 : memref<!tpu.dma_semaphore, #tpu.memory_space<semaphore_mem>>)
    %dma_wait3A = arith.constant 0 : i32
    %dma_wait3A_87 = arith.constant 0 : i32
    %dma_wait3A_88 = tpu.memref_slice %arg7[%dma_wait3A, %dma_wait3A_87] : memref<4x128xi32, #tpu.memory_space<vmem>> -> memref<1x128xi32, #tpu.memory_space<vmem>>
    %dma_wait3A_89 = arith.constant 0 : i32
    %dma_wait3A_90 = tpu.memref_slice %arg2[%add3A_5, %dma_wait3A_89] : memref<2500x128xi32, #tpu.memory_space<hbm>> -> memref<1x128xi32, #tpu.memory_space<hbm>>
    %dma_wait3A_91 = arith.constant 0 : i32
    %dma_wait3A_92 = arith.constant 0 : i32
    %dma_wait3A_93 = tpu.memref_slice %arg7[%dma_wait3A_91, %dma_wait3A_92] : memref<4x128xi32, #tpu.memory_space<vmem>> -> memref<1x128xi32, #tpu.memory_space<vmem>>
    %dma_wait3A_94 = arith.constant 0 : i32
    %dma_wait3A_95 = tpu.memref_slice %arg2[%add3A_5, %dma_wait3A_94] : memref<2500x128xi32, #tpu.memory_space<hbm>> -> memref<1x128xi32, #tpu.memory_space<hbm>>
    tpu.wait_dma2 semaphore(%arg10 : memref<!tpu.dma_semaphore, #tpu.memory_space<semaphore_mem>>) src(%dma_wait3A_95 : memref<1x128xi32, #tpu.memory_space<hbm>>) dst(%dma_wait3A_93 : memref<1x128xi32, #tpu.memory_space<vmem>>)
    %dma_wait3A_96 = arith.constant 0 : i32
    %dma_wait3A_97 = arith.constant 0 : i32
    %dma_wait3A_98 = tpu.memref_slice %arg8[%dma_wait3A_96, %dma_wait3A_97] : memref<4x128xi32, #tpu.memory_space<vmem>> -> memref<1x128xi32, #tpu.memory_space<vmem>>
    %dma_wait3A_99 = arith.constant 0 : i32
    %dma_wait3A_100 = tpu.memref_slice %arg3[%add3A_5, %dma_wait3A_99] : memref<2500x128xi32, #tpu.memory_space<hbm>> -> memref<1x128xi32, #tpu.memory_space<hbm>>
    %dma_wait3A_101 = arith.constant 0 : i32
    %dma_wait3A_102 = arith.constant 0 : i32
    %dma_wait3A_103 = tpu.memref_slice %arg8[%dma_wait3A_101, %dma_wait3A_102] : memref<4x128xi32, #tpu.memory_space<vmem>> -> memref<1x128xi32, #tpu.memory_space<vmem>>
    %dma_wait3A_104 = arith.constant 0 : i32
    %dma_wait3A_105 = tpu.memref_slice %arg3[%add3A_5, %dma_wait3A_104] : memref<2500x128xi32, #tpu.memory_space<hbm>> -> memref<1x128xi32, #tpu.memory_space<hbm>>
    tpu.wait_dma2 semaphore(%arg10 : memref<!tpu.dma_semaphore, #tpu.memory_space<semaphore_mem>>) src(%dma_wait3A_105 : memref<1x128xi32, #tpu.memory_space<hbm>>) dst(%dma_wait3A_103 : memref<1x128xi32, #tpu.memory_space<vmem>>)
    %dma_start3A_106 = arith.constant 0 : i32
    %dma_start3A_107 = arith.constant 0 : i32
    %dma_start3A_108 = arith.constant 0 : i32
    %dma_start3A_109 = arith.constant 0 : i32
    %dma_start3A_110 = tpu.memref_slice %arg9[%dma_start3A_107, %dma_start3A_108, %dma_start3A_109] : memref<3x128x128xf32, #tpu.memory_space<vmem>> -> memref<1x128x128xf32, #tpu.memory_space<vmem>>
    %dma_start3A_111 = tpu.memref_squeeze %dma_start3A_110 : memref<1x128x128xf32, #tpu.memory_space<vmem>> -> memref<128x128xf32, #tpu.memory_space<vmem>>
    %dma_start3A_112 = arith.constant 0 : i32
    %dma_start3A_113 = tpu.memref_slice %arg7[%dma_start3A_106, %dma_start3A_112] : memref<4x128xi32, #tpu.memory_space<vmem>> -> memref<1x128xi32, #tpu.memory_space<vmem>>
    %dma_start3A_114 = tpu.memref_squeeze %dma_start3A_113 : memref<1x128xi32, #tpu.memory_space<vmem>> -> memref<128xi32, #tpu.memory_space<vmem>>
    %dma_start3A_115 = arith.constant 0 : i32
    %dma_start3A_116 = arith.constant 0 : i32
    %dma_start3A_117 = tpu.memref_slice %arg4[%dma_start3A_115, %dma_start3A_116] : memref<10000x128xf32, #tpu.memory_space<hbm>> -> memref<10000x128xf32, #tpu.memory_space<hbm>>
    tpu.enqueue_indirect_dma source(%dma_start3A_117 : memref<10000x128xf32, #tpu.memory_space<hbm>>) target(%dma_start3A_111 : memref<128x128xf32, #tpu.memory_space<vmem>>) offsets(%dma_start3A_114 : memref<128xi32, #tpu.memory_space<vmem>>) semaphore(%arg11 : memref<!tpu.dma_semaphore, #tpu.memory_space<semaphore_mem>>)
    %dma_wait3A_118 = arith.constant 0 : i32
    %dma_wait3A_119 = arith.constant 0 : i32
    %dma_wait3A_120 = tpu.memref_slice %arg7[%dma_wait3A_118, %dma_wait3A_119] : memref<4x128xi32, #tpu.memory_space<vmem>> -> memref<1x128xi32, #tpu.memory_space<vmem>>
    %dma_wait3A_121 = arith.constant 0 : i32
    %dma_wait3A_122 = tpu.memref_slice %arg2[%add3A_5, %dma_wait3A_121] : memref<2500x128xi32, #tpu.memory_space<hbm>> -> memref<1x128xi32, #tpu.memory_space<hbm>>
    %dma_wait3A_123 = arith.constant 0 : i32
    %dma_wait3A_124 = arith.constant 0 : i32
    %dma_wait3A_125 = tpu.memref_slice %arg7[%dma_wait3A_123, %dma_wait3A_124] : memref<4x128xi32, #tpu.memory_space<vmem>> -> memref<1x128xi32, #tpu.memory_space<vmem>>
    %dma_wait3A_126 = arith.constant 0 : i32
    %dma_wait3A_127 = tpu.memref_slice %arg2[%add3A_5, %dma_wait3A_126] : memref<2500x128xi32, #tpu.memory_space<hbm>> -> memref<1x128xi32, #tpu.memory_space<hbm>>
    tpu.wait_dma2 semaphore(%arg10 : memref<!tpu.dma_semaphore, #tpu.memory_space<semaphore_mem>>) src(%dma_wait3A_127 : memref<1x128xi32, #tpu.memory_space<hbm>>) dst(%dma_wait3A_125 : memref<1x128xi32, #tpu.memory_space<vmem>>)
    %dma_wait3A_128 = arith.constant 0 : i32
    %dma_wait3A_129 = arith.constant 0 : i32
    %dma_wait3A_130 = tpu.memref_slice %arg8[%dma_wait3A_128, %dma_wait3A_129] : memref<4x128xi32, #tpu.memory_space<vmem>> -> memref<1x128xi32, #tpu.memory_space<vmem>>
    %dma_wait3A_131 = arith.constant 0 : i32
    %dma_wait3A_132 = tpu.memref_slice %arg3[%add3A_5, %dma_wait3A_131] : memref<2500x128xi32, #tpu.memory_space<hbm>> -> memref<1x128xi32, #tpu.memory_space<hbm>>
    %dma_wait3A_133 = arith.constant 0 : i32
    %dma_wait3A_134 = arith.constant 0 : i32
    %dma_wait3A_135 = tpu.memref_slice %arg8[%dma_wait3A_133, %dma_wait3A_134] : memref<4x128xi32, #tpu.memory_space<vmem>> -> memref<1x128xi32, #tpu.memory_space<vmem>>
    %dma_wait3A_136 = arith.constant 0 : i32
    %dma_wait3A_137 = tpu.memref_slice %arg3[%add3A_5, %dma_wait3A_136] : memref<2500x128xi32, #tpu.memory_space<hbm>> -> memref<1x128xi32, #tpu.memory_space<hbm>>
    tpu.wait_dma2 semaphore(%arg10 : memref<!tpu.dma_semaphore, #tpu.memory_space<semaphore_mem>>) src(%dma_wait3A_137 : memref<1x128xi32, #tpu.memory_space<hbm>>) dst(%dma_wait3A_135 : memref<1x128xi32, #tpu.memory_space<vmem>>)
    %dma_start3A_138 = arith.constant 1 : i32
    %dma_start3A_139 = arith.constant 1 : i32
    %dma_start3A_140 = arith.constant 0 : i32
    %dma_start3A_141 = arith.constant 0 : i32
    %dma_start3A_142 = tpu.memref_slice %arg9[%dma_start3A_139, %dma_start3A_140, %dma_start3A_141] : memref<3x128x128xf32, #tpu.memory_space<vmem>> -> memref<1x128x128xf32, #tpu.memory_space<vmem>>
    %dma_start3A_143 = tpu.memref_squeeze %dma_start3A_142 : memref<1x128x128xf32, #tpu.memory_space<vmem>> -> memref<128x128xf32, #tpu.memory_space<vmem>>
    %dma_start3A_144 = arith.constant 0 : i32
    %dma_start3A_145 = tpu.memref_slice %arg7[%dma_start3A_138, %dma_start3A_144] : memref<4x128xi32, #tpu.memory_space<vmem>> -> memref<1x128xi32, #tpu.memory_space<vmem>>
    %dma_start3A_146 = tpu.memref_squeeze %dma_start3A_145 : memref<1x128xi32, #tpu.memory_space<vmem>> -> memref<128xi32, #tpu.memory_space<vmem>>
    %dma_start3A_147 = arith.constant 0 : i32
    %dma_start3A_148 = arith.constant 0 : i32
    %dma_start3A_149 = tpu.memref_slice %arg4[%dma_start3A_147, %dma_start3A_148] : memref<10000x128xf32, #tpu.memory_space<hbm>> -> memref<10000x128xf32, #tpu.memory_space<hbm>>
    tpu.enqueue_indirect_dma source(%dma_start3A_149 : memref<10000x128xf32, #tpu.memory_space<hbm>>) target(%dma_start3A_143 : memref<128x128xf32, #tpu.memory_space<vmem>>) offsets(%dma_start3A_146 : memref<128xi32, #tpu.memory_space<vmem>>) semaphore(%arg11 : memref<!tpu.dma_semaphore, #tpu.memory_space<semaphore_mem>>)
    %while3A = arith.constant 0 : i32
    %while3A_150 = arith.constant 0 : i32
    %while3A_151 = arith.subi %add3A_7, %while3A : i32
    %while3A_152 = arith.addi %while3A, %while3A_151 : i32
    %while3A_153 = arith.constant 1 : i32
    %while3A_154 = arith.divsi %while3A_151, %while3A_153 : i32
    %while3A_155 = arith.muli %while3A_154, %while3A_153 : i32
    %while3A_156 = arith.addi %while3A, %while3A_155 : i32
    %while3A_157 = arith.constant 1 : i32
    %while3A_158 = scf.for %while3A_184 = %while3A to %while3A_156 step %while3A_157 iter_args(%while3A_185 = %while3A_150) -> (i32)  : i32 {
      %ge3A = arith.constant 1 : i32
      %ge3A_186 = arith.cmpi sge, %while3A_184, %ge3A : i32
      %convert_element_type3A_187 = arith.extui %ge3A_186 : i1 to i32
      %cond3A_188 = arith.constant 0 : i32
      %cond3A_189 = arith.cmpi ne, %convert_element_type3A_187, %cond3A_188 : i32
      scf.if %cond3A_189 {
        %dma_wait3A_253 = arith.constant 0 : i32
        %dma_wait3A_254 = arith.constant 0 : i32
        %dma_wait3A_255 = arith.constant 0 : i32
        %dma_wait3A_256 = arith.constant 0 : i32
        %dma_wait3A_257 = tpu.memref_slice %arg9[%dma_wait3A_253, %dma_wait3A_255, %dma_wait3A_256] : memref<3x128x128xf32, #tpu.memory_space<vmem>> -> memref<1x128x128xf32, #tpu.memory_space<vmem>>
        %dma_wait3A_258 = tpu.memref_squeeze %dma_wait3A_257 : memref<1x128x128xf32, #tpu.memory_space<vmem>> -> memref<128x128xf32, #tpu.memory_space<vmem>>
        %dma_wait3A_259 = arith.constant 0 : i32
        %dma_wait3A_260 = tpu.memref_slice %arg8[%dma_wait3A_254, %dma_wait3A_259] : memref<4x128xi32, #tpu.memory_space<vmem>> -> memref<1x128xi32, #tpu.memory_space<vmem>>
        %dma_wait3A_261 = tpu.memref_squeeze %dma_wait3A_260 : memref<1x128xi32, #tpu.memory_space<vmem>> -> memref<128xi32, #tpu.memory_space<vmem>>
        %dma_wait3A_262 = arith.constant 0 : i32
        %dma_wait3A_263 = arith.constant 0 : i32
        %dma_wait3A_264 = tpu.memref_slice %arg13[%dma_wait3A_262, %dma_wait3A_263] : memref<10000x128xf32, #tpu.memory_space<vmem_shared>> -> memref<10000x128xf32, #tpu.memory_space<vmem_shared>>
        tpu.wait_indirect_dma semaphore(%arg12 : memref<!tpu.dma_semaphore, #tpu.memory_space<semaphore_mem>>) src(%dma_wait3A_258 : memref<128x128xf32, #tpu.memory_space<vmem>>) dst(%dma_wait3A_264 : memref<10000x128xf32, #tpu.memory_space<vmem_shared>>)
      } else {
      }
      %add3A_190 = arith.constant 3 : i32
      %add3A_191 = arith.addi %while3A_184, %add3A_190 : i32
      %lt3A_192 = arith.cmpi slt, %add3A_191, %add3A_7 : i32
      %convert_element_type3A_193 = arith.extui %lt3A_192 : i1 to i32
      %cond3A_194 = arith.constant 0 : i32
      %cond3A_195 = arith.cmpi ne, %convert_element_type3A_193, %cond3A_194 : i32
      scf.if %cond3A_195 {
        %add3A_253 = arith.constant 3 : i32
        %add3A_254 = arith.addi %while3A_184, %add3A_253 : i32
        %jit3A_255 = arith.constant 4 : i32
        %eq3A_256 = arith.constant 0 : i32
        %eq3A_257 = arith.cmpi eq, %jit3A_255, %eq3A_256 : i32
        %jit3A_258 = arith.constant 1 : i32
        %select_n3A_259 = arith.select %eq3A_257, %jit3A_258, %jit3A_255 : i32
        %rem3A_260 = arith.remsi %add3A_254, %select_n3A_259 : i32
        %ne3A_261 = arith.constant 0 : i32
        %ne3A_262 = arith.cmpi ne, %rem3A_260, %ne3A_261 : i32
        %lt3A_263 = arith.constant 0 : i32
        %lt3A_264 = arith.cmpi slt, %rem3A_260, %lt3A_263 : i32
        %lt3A_265 = arith.constant 0 : i32
        %lt3A_266 = arith.cmpi slt, %select_n3A_259, %lt3A_265 : i32
        %ne3A_267 = arith.xori %lt3A_264, %lt3A_266 : i1
        %and3A_268 = arith.andi %ne3A_267, %ne3A_262 : i1
        %add3A_269 = arith.addi %rem3A_260, %select_n3A_259 : i32
        %select_n3A_270 = arith.select %and3A_268, %add3A_269, %rem3A_260 : i32
        %add3A_271 = arith.addi %add3A_5, %add3A_254 : i32
        %dma_start3A_272 = arith.constant 0 : i32
        %dma_start3A_273 = tpu.memref_slice %arg7[%select_n3A_270, %dma_start3A_272] : memref<4x128xi32, #tpu.memory_space<vmem>> -> memref<1x128xi32, #tpu.memory_space<vmem>>
        %dma_start3A_274 = arith.constant 0 : i32
        %dma_start3A_275 = tpu.memref_slice %arg2[%add3A_271, %dma_start3A_274] : memref<2500x128xi32, #tpu.memory_space<hbm>> -> memref<1x128xi32, #tpu.memory_space<hbm>>
        %dma_start3A_276 = arith.constant 0 : i32
        %dma_start3A_277 = tpu.memref_slice %arg7[%select_n3A_270, %dma_start3A_276] : memref<4x128xi32, #tpu.memory_space<vmem>> -> memref<1x128xi32, #tpu.memory_space<vmem>>
        %dma_start3A_278 = arith.constant 0 : i32
        %dma_start3A_279 = tpu.memref_slice %arg2[%add3A_271, %dma_start3A_278] : memref<2500x128xi32, #tpu.memory_space<hbm>> -> memref<1x128xi32, #tpu.memory_space<hbm>>
        tpu.enqueue_dma source(%dma_start3A_279 : memref<1x128xi32, #tpu.memory_space<hbm>>) target(%dma_start3A_277 : memref<1x128xi32, #tpu.memory_space<vmem>>) target_semaphore(%arg10 : memref<!tpu.dma_semaphore, #tpu.memory_space<semaphore_mem>>)
        %add3A_280 = arith.addi %add3A_5, %add3A_254 : i32
        %dma_start3A_281 = arith.constant 0 : i32
        %dma_start3A_282 = tpu.memref_slice %arg8[%select_n3A_270, %dma_start3A_281] : memref<4x128xi32, #tpu.memory_space<vmem>> -> memref<1x128xi32, #tpu.memory_space<vmem>>
        %dma_start3A_283 = arith.constant 0 : i32
        %dma_start3A_284 = tpu.memref_slice %arg3[%add3A_280, %dma_start3A_283] : memref<2500x128xi32, #tpu.memory_space<hbm>> -> memref<1x128xi32, #tpu.memory_space<hbm>>
        %dma_start3A_285 = arith.constant 0 : i32
        %dma_start3A_286 = tpu.memref_slice %arg8[%select_n3A_270, %dma_start3A_285] : memref<4x128xi32, #tpu.memory_space<vmem>> -> memref<1x128xi32, #tpu.memory_space<vmem>>
        %dma_start3A_287 = arith.constant 0 : i32
        %dma_start3A_288 = tpu.memref_slice %arg3[%add3A_280, %dma_start3A_287] : memref<2500x128xi32, #tpu.memory_space<hbm>> -> memref<1x128xi32, #tpu.memory_space<hbm>>
        tpu.enqueue_dma source(%dma_start3A_288 : memref<1x128xi32, #tpu.memory_space<hbm>>) target(%dma_start3A_286 : memref<1x128xi32, #tpu.memory_space<vmem>>) target_semaphore(%arg10 : memref<!tpu.dma_semaphore, #tpu.memory_space<semaphore_mem>>)
      } else {
      }
      %add3A_196 = arith.constant 3 : i32
      %add3A_197 = arith.addi %while3A_184, %add3A_196 : i32
      %sub3A = arith.constant 1 : i32
      %sub3A_198 = arith.subi %add3A_197, %sub3A : i32
      %lt3A_199 = arith.cmpi slt, %sub3A_198, %add3A_7 : i32
      %convert_element_type3A_200 = arith.extui %lt3A_199 : i1 to i32
      %cond3A_201 = arith.constant 0 : i32
      %cond3A_202 = arith.cmpi ne, %convert_element_type3A_200, %cond3A_201 : i32
      scf.if %cond3A_202 {
        %dma_wait3A_253 = arith.constant 0 : i32
        %dma_wait3A_254 = arith.constant 0 : i32
        %dma_wait3A_255 = tpu.memref_slice %arg7[%dma_wait3A_253, %dma_wait3A_254] : memref<4x128xi32, #tpu.memory_space<vmem>> -> memref<1x128xi32, #tpu.memory_space<vmem>>
        %dma_wait3A_256 = arith.constant 0 : i32
        %dma_wait3A_257 = tpu.memref_slice %arg2[%add3A_5, %dma_wait3A_256] : memref<2500x128xi32, #tpu.memory_space<hbm>> -> memref<1x128xi32, #tpu.memory_space<hbm>>
        %dma_wait3A_258 = arith.constant 0 : i32
        %dma_wait3A_259 = arith.constant 0 : i32
        %dma_wait3A_260 = tpu.memref_slice %arg7[%dma_wait3A_258, %dma_wait3A_259] : memref<4x128xi32, #tpu.memory_space<vmem>> -> memref<1x128xi32, #tpu.memory_space<vmem>>
        %dma_wait3A_261 = arith.constant 0 : i32
        %dma_wait3A_262 = tpu.memref_slice %arg2[%add3A_5, %dma_wait3A_261] : memref<2500x128xi32, #tpu.memory_space<hbm>> -> memref<1x128xi32, #tpu.memory_space<hbm>>
        tpu.wait_dma2 semaphore(%arg10 : memref<!tpu.dma_semaphore, #tpu.memory_space<semaphore_mem>>) src(%dma_wait3A_262 : memref<1x128xi32, #tpu.memory_space<hbm>>) dst(%dma_wait3A_260 : memref<1x128xi32, #tpu.memory_space<vmem>>)
        %dma_wait3A_263 = arith.constant 0 : i32
        %dma_wait3A_264 = arith.constant 0 : i32
        %dma_wait3A_265 = tpu.memref_slice %arg8[%dma_wait3A_263, %dma_wait3A_264] : memref<4x128xi32, #tpu.memory_space<vmem>> -> memref<1x128xi32, #tpu.memory_space<vmem>>
        %dma_wait3A_266 = arith.constant 0 : i32
        %dma_wait3A_267 = tpu.memref_slice %arg3[%add3A_5, %dma_wait3A_266] : memref<2500x128xi32, #tpu.memory_space<hbm>> -> memref<1x128xi32, #tpu.memory_space<hbm>>
        %dma_wait3A_268 = arith.constant 0 : i32
        %dma_wait3A_269 = arith.constant 0 : i32
        %dma_wait3A_270 = tpu.memref_slice %arg8[%dma_wait3A_268, %dma_wait3A_269] : memref<4x128xi32, #tpu.memory_space<vmem>> -> memref<1x128xi32, #tpu.memory_space<vmem>>
        %dma_wait3A_271 = arith.constant 0 : i32
        %dma_wait3A_272 = tpu.memref_slice %arg3[%add3A_5, %dma_wait3A_271] : memref<2500x128xi32, #tpu.memory_space<hbm>> -> memref<1x128xi32, #tpu.memory_space<hbm>>
        tpu.wait_dma2 semaphore(%arg10 : memref<!tpu.dma_semaphore, #tpu.memory_space<semaphore_mem>>) src(%dma_wait3A_272 : memref<1x128xi32, #tpu.memory_space<hbm>>) dst(%dma_wait3A_270 : memref<1x128xi32, #tpu.memory_space<vmem>>)
        %add3A_273 = arith.constant 3 : i32
        %add3A_274 = arith.addi %while3A_184, %add3A_273 : i32
        %sub3A_275 = arith.constant 1 : i32
        %sub3A_276 = arith.subi %add3A_274, %sub3A_275 : i32
        %jit3A_277 = arith.constant 4 : i32
        %eq3A_278 = arith.constant 0 : i32
        %eq3A_279 = arith.cmpi eq, %jit3A_277, %eq3A_278 : i32
        %jit3A_280 = arith.constant 1 : i32
        %select_n3A_281 = arith.select %eq3A_279, %jit3A_280, %jit3A_277 : i32
        %rem3A_282 = arith.remsi %sub3A_276, %select_n3A_281 : i32
        %ne3A_283 = arith.constant 0 : i32
        %ne3A_284 = arith.cmpi ne, %rem3A_282, %ne3A_283 : i32
        %lt3A_285 = arith.constant 0 : i32
        %lt3A_286 = arith.cmpi slt, %rem3A_282, %lt3A_285 : i32
        %lt3A_287 = arith.constant 0 : i32
        %lt3A_288 = arith.cmpi slt, %select_n3A_281, %lt3A_287 : i32
        %ne3A_289 = arith.xori %lt3A_286, %lt3A_288 : i1
        %and3A_290 = arith.andi %ne3A_289, %ne3A_284 : i1
        %add3A_291 = arith.addi %rem3A_282, %select_n3A_281 : i32
        %select_n3A_292 = arith.select %and3A_290, %add3A_291, %rem3A_282 : i32
        %jit3A_293 = arith.constant 3 : i32
        %eq3A_294 = arith.constant 0 : i32
        %eq3A_295 = arith.cmpi eq, %jit3A_293, %eq3A_294 : i32
        %jit3A_296 = arith.constant 1 : i32
        %select_n3A_297 = arith.select %eq3A_295, %jit3A_296, %jit3A_293 : i32
        %rem3A_298 = arith.remsi %sub3A_276, %select_n3A_297 : i32
        %ne3A_299 = arith.constant 0 : i32
        %ne3A_300 = arith.cmpi ne, %rem3A_298, %ne3A_299 : i32
        %lt3A_301 = arith.constant 0 : i32
        %lt3A_302 = arith.cmpi slt, %rem3A_298, %lt3A_301 : i32
        %lt3A_303 = arith.constant 0 : i32
        %lt3A_304 = arith.cmpi slt, %select_n3A_297, %lt3A_303 : i32
        %ne3A_305 = arith.xori %lt3A_302, %lt3A_304 : i1
        %and3A_306 = arith.andi %ne3A_305, %ne3A_300 : i1
        %add3A_307 = arith.addi %rem3A_298, %select_n3A_297 : i32
        %select_n3A_308 = arith.select %and3A_306, %add3A_307, %rem3A_298 : i32
        %dma_start3A_309 = arith.constant 0 : i32
        %dma_start3A_310 = arith.constant 0 : i32
        %dma_start3A_311 = tpu.memref_slice %arg9[%select_n3A_308, %dma_start3A_309, %dma_start3A_310] : memref<3x128x128xf32, #tpu.memory_space<vmem>> -> memref<1x128x128xf32, #tpu.memory_space<vmem>>
        %dma_start3A_312 = tpu.memref_squeeze %dma_start3A_311 : memref<1x128x128xf32, #tpu.memory_space<vmem>> -> memref<128x128xf32, #tpu.memory_space<vmem>>
        %dma_start3A_313 = arith.constant 0 : i32
        %dma_start3A_314 = tpu.memref_slice %arg7[%select_n3A_292, %dma_start3A_313] : memref<4x128xi32, #tpu.memory_space<vmem>> -> memref<1x128xi32, #tpu.memory_space<vmem>>
        %dma_start3A_315 = tpu.memref_squeeze %dma_start3A_314 : memref<1x128xi32, #tpu.memory_space<vmem>> -> memref<128xi32, #tpu.memory_space<vmem>>
        %dma_start3A_316 = arith.constant 0 : i32
        %dma_start3A_317 = arith.constant 0 : i32
        %dma_start3A_318 = tpu.memref_slice %arg4[%dma_start3A_316, %dma_start3A_317] : memref<10000x128xf32, #tpu.memory_space<hbm>> -> memref<10000x128xf32, #tpu.memory_space<hbm>>
        tpu.enqueue_indirect_dma source(%dma_start3A_318 : memref<10000x128xf32, #tpu.memory_space<hbm>>) target(%dma_start3A_312 : memref<128x128xf32, #tpu.memory_space<vmem>>) offsets(%dma_start3A_315 : memref<128xi32, #tpu.memory_space<vmem>>) semaphore(%arg11 : memref<!tpu.dma_semaphore, #tpu.memory_space<semaphore_mem>>)
      } else {
      }
      %dma_wait3A_203 = arith.constant 0 : i32
      %dma_wait3A_204 = arith.constant 0 : i32
      %dma_wait3A_205 = arith.constant 0 : i32
      %dma_wait3A_206 = arith.constant 0 : i32
      %dma_wait3A_207 = tpu.memref_slice %arg9[%dma_wait3A_204, %dma_wait3A_205, %dma_wait3A_206] : memref<3x128x128xf32, #tpu.memory_space<vmem>> -> memref<1x128x128xf32, #tpu.memory_space<vmem>>
      %dma_wait3A_208 = tpu.memref_squeeze %dma_wait3A_207 : memref<1x128x128xf32, #tpu.memory_space<vmem>> -> memref<128x128xf32, #tpu.memory_space<vmem>>
      %dma_wait3A_209 = arith.constant 0 : i32
      %dma_wait3A_210 = tpu.memref_slice %arg7[%dma_wait3A_203, %dma_wait3A_209] : memref<4x128xi32, #tpu.memory_space<vmem>> -> memref<1x128xi32, #tpu.memory_space<vmem>>
      %dma_wait3A_211 = tpu.memref_squeeze %dma_wait3A_210 : memref<1x128xi32, #tpu.memory_space<vmem>> -> memref<128xi32, #tpu.memory_space<vmem>>
      %dma_wait3A_212 = arith.constant 0 : i32
      %dma_wait3A_213 = arith.constant 0 : i32
      %dma_wait3A_214 = tpu.memref_slice %arg4[%dma_wait3A_212, %dma_wait3A_213] : memref<10000x128xf32, #tpu.memory_space<hbm>> -> memref<10000x128xf32, #tpu.memory_space<hbm>>
      tpu.wait_indirect_dma semaphore(%arg11 : memref<!tpu.dma_semaphore, #tpu.memory_space<semaphore_mem>>) src(%dma_wait3A_214 : memref<10000x128xf32, #tpu.memory_space<hbm>>) dst(%dma_wait3A_208 : memref<128x128xf32, #tpu.memory_space<vmem>>)
      %jit3A = arith.constant 3 : i32
      %eq3A_215 = arith.constant 0 : i32
      %eq3A_216 = arith.cmpi eq, %jit3A, %eq3A_215 : i32
      %jit3A_217 = arith.constant 1 : i32
      %select_n3A = arith.select %eq3A_216, %jit3A_217, %jit3A : i32
      %rem3A = arith.remsi %while3A_184, %select_n3A : i32
      %ne3A = arith.constant 0 : i32
      %ne3A_218 = arith.cmpi ne, %rem3A, %ne3A : i32
      %lt3A_219 = arith.constant 0 : i32
      %lt3A_220 = arith.cmpi slt, %rem3A, %lt3A_219 : i32
      %lt3A_221 = arith.constant 0 : i32
      %lt3A_222 = arith.cmpi slt, %select_n3A, %lt3A_221 : i32
      %ne3A_223 = arith.xori %lt3A_220, %lt3A_222 : i1
      %and3A = arith.andi %ne3A_223, %ne3A_218 : i1
      %add3A_224 = arith.addi %rem3A, %select_n3A : i32
      %select_n3A_225 = arith.select %and3A, %add3A_224, %rem3A : i32
      %jit3A_226 = arith.constant 4 : i32
      %eq3A_227 = arith.constant 0 : i32
      %eq3A_228 = arith.cmpi eq, %jit3A_226, %eq3A_227 : i32
      %jit3A_229 = arith.constant 1 : i32
      %select_n3A_230 = arith.select %eq3A_228, %jit3A_229, %jit3A_226 : i32
      %rem3A_231 = arith.remsi %while3A_184, %select_n3A_230 : i32
      %ne3A_232 = arith.constant 0 : i32
      %ne3A_233 = arith.cmpi ne, %rem3A_231, %ne3A_232 : i32
      %lt3A_234 = arith.constant 0 : i32
      %lt3A_235 = arith.cmpi slt, %rem3A_231, %lt3A_234 : i32
      %lt3A_236 = arith.constant 0 : i32
      %lt3A_237 = arith.cmpi slt, %select_n3A_230, %lt3A_236 : i32
      %ne3A_238 = arith.xori %lt3A_235, %lt3A_237 : i1
      %and3A_239 = arith.andi %ne3A_238, %ne3A_233 : i1
      %add3A_240 = arith.addi %rem3A_231, %select_n3A_230 : i32
      %select_n3A_241 = arith.select %and3A_239, %add3A_240, %rem3A_231 : i32
      %dma_start3A_242 = arith.constant 0 : i32
      %dma_start3A_243 = arith.constant 0 : i32
      %dma_start3A_244 = tpu.memref_slice %arg9[%select_n3A_225, %dma_start3A_242, %dma_start3A_243] : memref<3x128x128xf32, #tpu.memory_space<vmem>> -> memref<1x128x128xf32, #tpu.memory_space<vmem>>
      %dma_start3A_245 = tpu.memref_squeeze %dma_start3A_244 : memref<1x128x128xf32, #tpu.memory_space<vmem>> -> memref<128x128xf32, #tpu.memory_space<vmem>>
      %dma_start3A_246 = arith.constant 0 : i32
      %dma_start3A_247 = tpu.memref_slice %arg8[%select_n3A_241, %dma_start3A_246] : memref<4x128xi32, #tpu.memory_space<vmem>> -> memref<1x128xi32, #tpu.memory_space<vmem>>
      %dma_start3A_248 = tpu.memref_squeeze %dma_start3A_247 : memref<1x128xi32, #tpu.memory_space<vmem>> -> memref<128xi32, #tpu.memory_space<vmem>>
      %dma_start3A_249 = arith.constant 0 : i32
      %dma_start3A_250 = arith.constant 0 : i32
      %dma_start3A_251 = tpu.memref_slice %arg13[%dma_start3A_249, %dma_start3A_250] : memref<10000x128xf32, #tpu.memory_space<vmem_shared>> -> memref<10000x128xf32, #tpu.memory_space<vmem_shared>>
      tpu.enqueue_indirect_dma source(%dma_start3A_245 : memref<128x128xf32, #tpu.memory_space<vmem>>) target(%dma_start3A_251 : memref<10000x128xf32, #tpu.memory_space<vmem_shared>>) offsets(%dma_start3A_248 : memref<128xi32, #tpu.memory_space<vmem>>) semaphore(%arg12 : memref<!tpu.dma_semaphore, #tpu.memory_space<semaphore_mem>>) {add = true}
      %while3A_252 = arith.constant 0 : i32
      scf.yield %while3A_252 : i32
    }
    %while3A_159 = arith.constant 1 : i32
    %while3A_160 = scf.for %while3A_184 = %while3A_156 to %while3A_152 step %while3A_159 iter_args(%while3A_185 = %while3A_158) -> (i32)  : i32 {
      %ge3A = arith.constant 1 : i32
      %ge3A_186 = arith.cmpi sge, %while3A_184, %ge3A : i32
      %convert_element_type3A_187 = arith.extui %ge3A_186 : i1 to i32
      %cond3A_188 = arith.constant 0 : i32
      %cond3A_189 = arith.cmpi ne, %convert_element_type3A_187, %cond3A_188 : i32
      scf.if %cond3A_189 {
        %dma_wait3A_253 = arith.constant 0 : i32
        %dma_wait3A_254 = arith.constant 0 : i32
        %dma_wait3A_255 = arith.constant 0 : i32
        %dma_wait3A_256 = arith.constant 0 : i32
        %dma_wait3A_257 = tpu.memref_slice %arg9[%dma_wait3A_253, %dma_wait3A_255, %dma_wait3A_256] : memref<3x128x128xf32, #tpu.memory_space<vmem>> -> memref<1x128x128xf32, #tpu.memory_space<vmem>>
        %dma_wait3A_258 = tpu.memref_squeeze %dma_wait3A_257 : memref<1x128x128xf32, #tpu.memory_space<vmem>> -> memref<128x128xf32, #tpu.memory_space<vmem>>
        %dma_wait3A_259 = arith.constant 0 : i32
        %dma_wait3A_260 = tpu.memref_slice %arg8[%dma_wait3A_254, %dma_wait3A_259] : memref<4x128xi32, #tpu.memory_space<vmem>> -> memref<1x128xi32, #tpu.memory_space<vmem>>
        %dma_wait3A_261 = tpu.memref_squeeze %dma_wait3A_260 : memref<1x128xi32, #tpu.memory_space<vmem>> -> memref<128xi32, #tpu.memory_space<vmem>>
        %dma_wait3A_262 = arith.constant 0 : i32
        %dma_wait3A_263 = arith.constant 0 : i32
        %dma_wait3A_264 = tpu.memref_slice %arg13[%dma_wait3A_262, %dma_wait3A_263] : memref<10000x128xf32, #tpu.memory_space<vmem_shared>> -> memref<10000x128xf32, #tpu.memory_space<vmem_shared>>
        tpu.wait_indirect_dma semaphore(%arg12 : memref<!tpu.dma_semaphore, #tpu.memory_space<semaphore_mem>>) src(%dma_wait3A_258 : memref<128x128xf32, #tpu.memory_space<vmem>>) dst(%dma_wait3A_264 : memref<10000x128xf32, #tpu.memory_space<vmem_shared>>)
      } else {
      }
      %add3A_190 = arith.constant 3 : i32
      %add3A_191 = arith.addi %while3A_184, %add3A_190 : i32
      %lt3A_192 = arith.cmpi slt, %add3A_191, %add3A_7 : i32
      %convert_element_type3A_193 = arith.extui %lt3A_192 : i1 to i32
      %cond3A_194 = arith.constant 0 : i32
      %cond3A_195 = arith.cmpi ne, %convert_element_type3A_193, %cond3A_194 : i32
      scf.if %cond3A_195 {
        %add3A_253 = arith.constant 3 : i32
        %add3A_254 = arith.addi %while3A_184, %add3A_253 : i32
        %jit3A_255 = arith.constant 4 : i32
        %eq3A_256 = arith.constant 0 : i32
        %eq3A_257 = arith.cmpi eq, %jit3A_255, %eq3A_256 : i32
        %jit3A_258 = arith.constant 1 : i32
        %select_n3A_259 = arith.select %eq3A_257, %jit3A_258, %jit3A_255 : i32
        %rem3A_260 = arith.remsi %add3A_254, %select_n3A_259 : i32
        %ne3A_261 = arith.constant 0 : i32
        %ne3A_262 = arith.cmpi ne, %rem3A_260, %ne3A_261 : i32
        %lt3A_263 = arith.constant 0 : i32
        %lt3A_264 = arith.cmpi slt, %rem3A_260, %lt3A_263 : i32
        %lt3A_265 = arith.constant 0 : i32
        %lt3A_266 = arith.cmpi slt, %select_n3A_259, %lt3A_265 : i32
        %ne3A_267 = arith.xori %lt3A_264, %lt3A_266 : i1
        %and3A_268 = arith.andi %ne3A_267, %ne3A_262 : i1
        %add3A_269 = arith.addi %rem3A_260, %select_n3A_259 : i32
        %select_n3A_270 = arith.select %and3A_268, %add3A_269, %rem3A_260 : i32
        %add3A_271 = arith.addi %add3A_5, %add3A_254 : i32
        %dma_start3A_272 = arith.constant 0 : i32
        %dma_start3A_273 = tpu.memref_slice %arg7[%select_n3A_270, %dma_start3A_272] : memref<4x128xi32, #tpu.memory_space<vmem>> -> memref<1x128xi32, #tpu.memory_space<vmem>>
        %dma_start3A_274 = arith.constant 0 : i32
        %dma_start3A_275 = tpu.memref_slice %arg2[%add3A_271, %dma_start3A_274] : memref<2500x128xi32, #tpu.memory_space<hbm>> -> memref<1x128xi32, #tpu.memory_space<hbm>>
        %dma_start3A_276 = arith.constant 0 : i32
        %dma_start3A_277 = tpu.memref_slice %arg7[%select_n3A_270, %dma_start3A_276] : memref<4x128xi32, #tpu.memory_space<vmem>> -> memref<1x128xi32, #tpu.memory_space<vmem>>
        %dma_start3A_278 = arith.constant 0 : i32
        %dma_start3A_279 = tpu.memref_slice %arg2[%add3A_271, %dma_start3A_278] : memref<2500x128xi32, #tpu.memory_space<hbm>> -> memref<1x128xi32, #tpu.memory_space<hbm>>
        tpu.enqueue_dma source(%dma_start3A_279 : memref<1x128xi32, #tpu.memory_space<hbm>>) target(%dma_start3A_277 : memref<1x128xi32, #tpu.memory_space<vmem>>) target_semaphore(%arg10 : memref<!tpu.dma_semaphore, #tpu.memory_space<semaphore_mem>>)
        %add3A_280 = arith.addi %add3A_5, %add3A_254 : i32
        %dma_start3A_281 = arith.constant 0 : i32
        %dma_start3A_282 = tpu.memref_slice %arg8[%select_n3A_270, %dma_start3A_281] : memref<4x128xi32, #tpu.memory_space<vmem>> -> memref<1x128xi32, #tpu.memory_space<vmem>>
        %dma_start3A_283 = arith.constant 0 : i32
        %dma_start3A_284 = tpu.memref_slice %arg3[%add3A_280, %dma_start3A_283] : memref<2500x128xi32, #tpu.memory_space<hbm>> -> memref<1x128xi32, #tpu.memory_space<hbm>>
        %dma_start3A_285 = arith.constant 0 : i32
        %dma_start3A_286 = tpu.memref_slice %arg8[%select_n3A_270, %dma_start3A_285] : memref<4x128xi32, #tpu.memory_space<vmem>> -> memref<1x128xi32, #tpu.memory_space<vmem>>
        %dma_start3A_287 = arith.constant 0 : i32
        %dma_start3A_288 = tpu.memref_slice %arg3[%add3A_280, %dma_start3A_287] : memref<2500x128xi32, #tpu.memory_space<hbm>> -> memref<1x128xi32, #tpu.memory_space<hbm>>
        tpu.enqueue_dma source(%dma_start3A_288 : memref<1x128xi32, #tpu.memory_space<hbm>>) target(%dma_start3A_286 : memref<1x128xi32, #tpu.memory_space<vmem>>) target_semaphore(%arg10 : memref<!tpu.dma_semaphore, #tpu.memory_space<semaphore_mem>>)
      } else {
      }
      %add3A_196 = arith.constant 3 : i32
      %add3A_197 = arith.addi %while3A_184, %add3A_196 : i32
      %sub3A = arith.constant 1 : i32
      %sub3A_198 = arith.subi %add3A_197, %sub3A : i32
      %lt3A_199 = arith.cmpi slt, %sub3A_198, %add3A_7 : i32
      %convert_element_type3A_200 = arith.extui %lt3A_199 : i1 to i32
      %cond3A_201 = arith.constant 0 : i32
      %cond3A_202 = arith.cmpi ne, %convert_element_type3A_200, %cond3A_201 : i32
      scf.if %cond3A_202 {
        %dma_wait3A_253 = arith.constant 0 : i32
        %dma_wait3A_254 = arith.constant 0 : i32
        %dma_wait3A_255 = tpu.memref_slice %arg7[%dma_wait3A_253, %dma_wait3A_254] : memref<4x128xi32, #tpu.memory_space<vmem>> -> memref<1x128xi32, #tpu.memory_space<vmem>>
        %dma_wait3A_256 = arith.constant 0 : i32
        %dma_wait3A_257 = tpu.memref_slice %arg2[%add3A_5, %dma_wait3A_256] : memref<2500x128xi32, #tpu.memory_space<hbm>> -> memref<1x128xi32, #tpu.memory_space<hbm>>
        %dma_wait3A_258 = arith.constant 0 : i32
        %dma_wait3A_259 = arith.constant 0 : i32
        %dma_wait3A_260 = tpu.memref_slice %arg7[%dma_wait3A_258, %dma_wait3A_259] : memref<4x128xi32, #tpu.memory_space<vmem>> -> memref<1x128xi32, #tpu.memory_space<vmem>>
        %dma_wait3A_261 = arith.constant 0 : i32
        %dma_wait3A_262 = tpu.memref_slice %arg2[%add3A_5, %dma_wait3A_261] : memref<2500x128xi32, #tpu.memory_space<hbm>> -> memref<1x128xi32, #tpu.memory_space<hbm>>
        tpu.wait_dma2 semaphore(%arg10 : memref<!tpu.dma_semaphore, #tpu.memory_space<semaphore_mem>>) src(%dma_wait3A_262 : memref<1x128xi32, #tpu.memory_space<hbm>>) dst(%dma_wait3A_260 : memref<1x128xi32, #tpu.memory_space<vmem>>)
        %dma_wait3A_263 = arith.constant 0 : i32
        %dma_wait3A_264 = arith.constant 0 : i32
        %dma_wait3A_265 = tpu.memref_slice %arg8[%dma_wait3A_263, %dma_wait3A_264] : memref<4x128xi32, #tpu.memory_space<vmem>> -> memref<1x128xi32, #tpu.memory_space<vmem>>
        %dma_wait3A_266 = arith.constant 0 : i32
        %dma_wait3A_267 = tpu.memref_slice %arg3[%add3A_5, %dma_wait3A_266] : memref<2500x128xi32, #tpu.memory_space<hbm>> -> memref<1x128xi32, #tpu.memory_space<hbm>>
        %dma_wait3A_268 = arith.constant 0 : i32
        %dma_wait3A_269 = arith.constant 0 : i32
        %dma_wait3A_270 = tpu.memref_slice %arg8[%dma_wait3A_268, %dma_wait3A_269] : memref<4x128xi32, #tpu.memory_space<vmem>> -> memref<1x128xi32, #tpu.memory_space<vmem>>
        %dma_wait3A_271 = arith.constant 0 : i32
        %dma_wait3A_272 = tpu.memref_slice %arg3[%add3A_5, %dma_wait3A_271] : memref<2500x128xi32, #tpu.memory_space<hbm>> -> memref<1x128xi32, #tpu.memory_space<hbm>>
        tpu.wait_dma2 semaphore(%arg10 : memref<!tpu.dma_semaphore, #tpu.memory_space<semaphore_mem>>) src(%dma_wait3A_272 : memref<1x128xi32, #tpu.memory_space<hbm>>) dst(%dma_wait3A_270 : memref<1x128xi32, #tpu.memory_space<vmem>>)
        %add3A_273 = arith.constant 3 : i32
        %add3A_274 = arith.addi %while3A_184, %add3A_273 : i32
        %sub3A_275 = arith.constant 1 : i32
        %sub3A_276 = arith.subi %add3A_274, %sub3A_275 : i32
        %jit3A_277 = arith.constant 4 : i32
        %eq3A_278 = arith.constant 0 : i32
        %eq3A_279 = arith.cmpi eq, %jit3A_277, %eq3A_278 : i32
        %jit3A_280 = arith.constant 1 : i32
        %select_n3A_281 = arith.select %eq3A_279, %jit3A_280, %jit3A_277 : i32
        %rem3A_282 = arith.remsi %sub3A_276, %select_n3A_281 : i32
        %ne3A_283 = arith.constant 0 : i32
        %ne3A_284 = arith.cmpi ne, %rem3A_282, %ne3A_283 : i32
        %lt3A_285 = arith.constant 0 : i32
        %lt3A_286 = arith.cmpi slt, %rem3A_282, %lt3A_285 : i32
        %lt3A_287 = arith.constant 0 : i32
        %lt3A_288 = arith.cmpi slt, %select_n3A_281, %lt3A_287 : i32
        %ne3A_289 = arith.xori %lt3A_286, %lt3A_288 : i1
        %and3A_290 = arith.andi %ne3A_289, %ne3A_284 : i1
        %add3A_291 = arith.addi %rem3A_282, %select_n3A_281 : i32
        %select_n3A_292 = arith.select %and3A_290, %add3A_291, %rem3A_282 : i32
        %jit3A_293 = arith.constant 3 : i32
        %eq3A_294 = arith.constant 0 : i32
        %eq3A_295 = arith.cmpi eq, %jit3A_293, %eq3A_294 : i32
        %jit3A_296 = arith.constant 1 : i32
        %select_n3A_297 = arith.select %eq3A_295, %jit3A_296, %jit3A_293 : i32
        %rem3A_298 = arith.remsi %sub3A_276, %select_n3A_297 : i32
        %ne3A_299 = arith.constant 0 : i32
        %ne3A_300 = arith.cmpi ne, %rem3A_298, %ne3A_299 : i32
        %lt3A_301 = arith.constant 0 : i32
        %lt3A_302 = arith.cmpi slt, %rem3A_298, %lt3A_301 : i32
        %lt3A_303 = arith.constant 0 : i32
        %lt3A_304 = arith.cmpi slt, %select_n3A_297, %lt3A_303 : i32
        %ne3A_305 = arith.xori %lt3A_302, %lt3A_304 : i1
        %and3A_306 = arith.andi %ne3A_305, %ne3A_300 : i1
        %add3A_307 = arith.addi %rem3A_298, %select_n3A_297 : i32
        %select_n3A_308 = arith.select %and3A_306, %add3A_307, %rem3A_298 : i32
        %dma_start3A_309 = arith.constant 0 : i32
        %dma_start3A_310 = arith.constant 0 : i32
        %dma_start3A_311 = tpu.memref_slice %arg9[%select_n3A_308, %dma_start3A_309, %dma_start3A_310] : memref<3x128x128xf32, #tpu.memory_space<vmem>> -> memref<1x128x128xf32, #tpu.memory_space<vmem>>
        %dma_start3A_312 = tpu.memref_squeeze %dma_start3A_311 : memref<1x128x128xf32, #tpu.memory_space<vmem>> -> memref<128x128xf32, #tpu.memory_space<vmem>>
        %dma_start3A_313 = arith.constant 0 : i32
        %dma_start3A_314 = tpu.memref_slice %arg7[%select_n3A_292, %dma_start3A_313] : memref<4x128xi32, #tpu.memory_space<vmem>> -> memref<1x128xi32, #tpu.memory_space<vmem>>
        %dma_start3A_315 = tpu.memref_squeeze %dma_start3A_314 : memref<1x128xi32, #tpu.memory_space<vmem>> -> memref<128xi32, #tpu.memory_space<vmem>>
        %dma_start3A_316 = arith.constant 0 : i32
        %dma_start3A_317 = arith.constant 0 : i32
        %dma_start3A_318 = tpu.memref_slice %arg4[%dma_start3A_316, %dma_start3A_317] : memref<10000x128xf32, #tpu.memory_space<hbm>> -> memref<10000x128xf32, #tpu.memory_space<hbm>>
        tpu.enqueue_indirect_dma source(%dma_start3A_318 : memref<10000x128xf32, #tpu.memory_space<hbm>>) target(%dma_start3A_312 : memref<128x128xf32, #tpu.memory_space<vmem>>) offsets(%dma_start3A_315 : memref<128xi32, #tpu.memory_space<vmem>>) semaphore(%arg11 : memref<!tpu.dma_semaphore, #tpu.memory_space<semaphore_mem>>)
      } else {
      }
      %dma_wait3A_203 = arith.constant 0 : i32
      %dma_wait3A_204 = arith.constant 0 : i32
      %dma_wait3A_205 = arith.constant 0 : i32
      %dma_wait3A_206 = arith.constant 0 : i32
      %dma_wait3A_207 = tpu.memref_slice %arg9[%dma_wait3A_204, %dma_wait3A_205, %dma_wait3A_206] : memref<3x128x128xf32, #tpu.memory_space<vmem>> -> memref<1x128x128xf32, #tpu.memory_space<vmem>>
      %dma_wait3A_208 = tpu.memref_squeeze %dma_wait3A_207 : memref<1x128x128xf32, #tpu.memory_space<vmem>> -> memref<128x128xf32, #tpu.memory_space<vmem>>
      %dma_wait3A_209 = arith.constant 0 : i32
      %dma_wait3A_210 = tpu.memref_slice %arg7[%dma_wait3A_203, %dma_wait3A_209] : memref<4x128xi32, #tpu.memory_space<vmem>> -> memref<1x128xi32, #tpu.memory_space<vmem>>
      %dma_wait3A_211 = tpu.memref_squeeze %dma_wait3A_210 : memref<1x128xi32, #tpu.memory_space<vmem>> -> memref<128xi32, #tpu.memory_space<vmem>>
      %dma_wait3A_212 = arith.constant 0 : i32
      %dma_wait3A_213 = arith.constant 0 : i32
      %dma_wait3A_214 = tpu.memref_slice %arg4[%dma_wait3A_212, %dma_wait3A_213] : memref<10000x128xf32, #tpu.memory_space<hbm>> -> memref<10000x128xf32, #tpu.memory_space<hbm>>
      tpu.wait_indirect_dma semaphore(%arg11 : memref<!tpu.dma_semaphore, #tpu.memory_space<semaphore_mem>>) src(%dma_wait3A_214 : memref<10000x128xf32, #tpu.memory_space<hbm>>) dst(%dma_wait3A_208 : memref<128x128xf32, #tpu.memory_space<vmem>>)
      %jit3A = arith.constant 3 : i32
      %eq3A_215 = arith.constant 0 : i32
      %eq3A_216 = arith.cmpi eq, %jit3A, %eq3A_215 : i32
      %jit3A_217 = arith.constant 1 : i32
      %select_n3A = arith.select %eq3A_216, %jit3A_217, %jit3A : i32
      %rem3A = arith.remsi %while3A_184, %select_n3A : i32
      %ne3A = arith.constant 0 : i32
      %ne3A_218 = arith.cmpi ne, %rem3A, %ne3A : i32
      %lt3A_219 = arith.constant 0 : i32
      %lt3A_220 = arith.cmpi slt, %rem3A, %lt3A_219 : i32
      %lt3A_221 = arith.constant 0 : i32
      %lt3A_222 = arith.cmpi slt, %select_n3A, %lt3A_221 : i32
      %ne3A_223 = arith.xori %lt3A_220, %lt3A_222 : i1
      %and3A = arith.andi %ne3A_223, %ne3A_218 : i1
      %add3A_224 = arith.addi %rem3A, %select_n3A : i32
      %select_n3A_225 = arith.select %and3A, %add3A_224, %rem3A : i32
      %jit3A_226 = arith.constant 4 : i32
      %eq3A_227 = arith.constant 0 : i32
      %eq3A_228 = arith.cmpi eq, %jit3A_226, %eq3A_227 : i32
      %jit3A_229 = arith.constant 1 : i32
      %select_n3A_230 = arith.select %eq3A_228, %jit3A_229, %jit3A_226 : i32
      %rem3A_231 = arith.remsi %while3A_184, %select_n3A_230 : i32
      %ne3A_232 = arith.constant 0 : i32
      %ne3A_233 = arith.cmpi ne, %rem3A_231, %ne3A_232 : i32
      %lt3A_234 = arith.constant 0 : i32
      %lt3A_235 = arith.cmpi slt, %rem3A_231, %lt3A_234 : i32
      %lt3A_236 = arith.constant 0 : i32
      %lt3A_237 = arith.cmpi slt, %select_n3A_230, %lt3A_236 : i32
      %ne3A_238 = arith.xori %lt3A_235, %lt3A_237 : i1
      %and3A_239 = arith.andi %ne3A_238, %ne3A_233 : i1
      %add3A_240 = arith.addi %rem3A_231, %select_n3A_230 : i32
      %select_n3A_241 = arith.select %and3A_239, %add3A_240, %rem3A_231 : i32
      %dma_start3A_242 = arith.constant 0 : i32
      %dma_start3A_243 = arith.constant 0 : i32
      %dma_start3A_244 = tpu.memref_slice %arg9[%select_n3A_225, %dma_start3A_242, %dma_start3A_243] : memref<3x128x128xf32, #tpu.memory_space<vmem>> -> memref<1x128x128xf32, #tpu.memory_space<vmem>>
      %dma_start3A_245 = tpu.memref_squeeze %dma_start3A_244 : memref<1x128x128xf32, #tpu.memory_space<vmem>> -> memref<128x128xf32, #tpu.memory_space<vmem>>
      %dma_start3A_246 = arith.constant 0 : i32
      %dma_start3A_247 = tpu.memref_slice %arg8[%select_n3A_241, %dma_start3A_246] : memref<4x128xi32, #tpu.memory_space<vmem>> -> memref<1x128xi32, #tpu.memory_space<vmem>>
      %dma_start3A_248 = tpu.memref_squeeze %dma_start3A_247 : memref<1x128xi32, #tpu.memory_space<vmem>> -> memref<128xi32, #tpu.memory_space<vmem>>
      %dma_start3A_249 = arith.constant 0 : i32
      %dma_start3A_250 = arith.constant 0 : i32
      %dma_start3A_251 = tpu.memref_slice %arg13[%dma_start3A_249, %dma_start3A_250] : memref<10000x128xf32, #tpu.memory_space<vmem_shared>> -> memref<10000x128xf32, #tpu.memory_space<vmem_shared>>
      tpu.enqueue_indirect_dma source(%dma_start3A_245 : memref<128x128xf32, #tpu.memory_space<vmem>>) target(%dma_start3A_251 : memref<10000x128xf32, #tpu.memory_space<vmem_shared>>) offsets(%dma_start3A_248 : memref<128xi32, #tpu.memory_space<vmem>>) semaphore(%arg12 : memref<!tpu.dma_semaphore, #tpu.memory_space<semaphore_mem>>) {add = true}
      %while3A_252 = arith.constant 0 : i32
      scf.yield %while3A_252 : i32
    }
    %dma_wait3A_161 = arith.constant 0 : i32
    %dma_wait3A_162 = arith.constant 0 : i32
    %dma_wait3A_163 = arith.constant 0 : i32
    %dma_wait3A_164 = arith.constant 0 : i32
    %dma_wait3A_165 = tpu.memref_slice %arg9[%dma_wait3A_161, %dma_wait3A_163, %dma_wait3A_164] : memref<3x128x128xf32, #tpu.memory_space<vmem>> -> memref<1x128x128xf32, #tpu.memory_space<vmem>>
    %dma_wait3A_166 = tpu.memref_squeeze %dma_wait3A_165 : memref<1x128x128xf32, #tpu.memory_space<vmem>> -> memref<128x128xf32, #tpu.memory_space<vmem>>
    %dma_wait3A_167 = arith.constant 0 : i32
    %dma_wait3A_168 = tpu.memref_slice %arg8[%dma_wait3A_162, %dma_wait3A_167] : memref<4x128xi32, #tpu.memory_space<vmem>> -> memref<1x128xi32, #tpu.memory_space<vmem>>
    %dma_wait3A_169 = tpu.memref_squeeze %dma_wait3A_168 : memref<1x128xi32, #tpu.memory_space<vmem>> -> memref<128xi32, #tpu.memory_space<vmem>>
    %dma_wait3A_170 = arith.constant 0 : i32
    %dma_wait3A_171 = arith.constant 0 : i32
    %dma_wait3A_172 = tpu.memref_slice %arg13[%dma_wait3A_170, %dma_wait3A_171] : memref<10000x128xf32, #tpu.memory_space<vmem_shared>> -> memref<10000x128xf32, #tpu.memory_space<vmem_shared>>
    tpu.wait_indirect_dma semaphore(%arg12 : memref<!tpu.dma_semaphore, #tpu.memory_space<semaphore_mem>>) src(%dma_wait3A_166 : memref<128x128xf32, #tpu.memory_space<vmem>>) dst(%dma_wait3A_172 : memref<10000x128xf32, #tpu.memory_space<vmem_shared>>)
    %barrier3A_173 = arith.constant 0 : index
    tpu.barrier barrier_id(%barrier3A_173)
    %lt3A_174 = arith.constant 15 : i32
    %lt3A_175 = arith.cmpi slt, %arg1, %lt3A_174 : i32
    %convert_element_type3A_176 = arith.extui %lt3A_175 : i1 to i32
    %cond3A_177 = arith.constant 0 : i32
    %cond3A_178 = arith.cmpi ne, %convert_element_type3A_176, %cond3A_177 : i32
    scf.if %cond3A_178 {
      %mul3A_184 = arith.constant 632 : i32
      %mul3A_185 = arith.muli %arg1, %mul3A_184 : i32
      %multiple_of3A = tpu.assume_multiple %mul3A_185, 8 : i32
      "tpu.region"() ({
        %run_scoped3A = tpu.sem_alloc : memref<!tpu.dma_semaphore, #tpu.memory_space<semaphore_mem>>
        %dma_start3A_186 = arith.constant 0 : i32
        %dma_start3A_187 = arith.constant 0 : i32
        %dma_start3A_188 = tpu.memref_slice %arg6[%arg0, %dma_start3A_186, %dma_start3A_187] : memref<2x10000x128xf32, #tpu.memory_space<hbm>> -> memref<1x10000x128xf32, #tpu.memory_space<hbm>>
        %dma_start3A_189 = tpu.memref_squeeze %dma_start3A_188 : memref<1x10000x128xf32, #tpu.memory_space<hbm>> -> memref<10000x128xf32, #tpu.memory_space<hbm>>
        %dma_start3A_190 = arith.constant 0 : i32
        %dma_start3A_191 = tpu.memref_slice %dma_start3A_189[%multiple_of3A, %dma_start3A_190] : memref<10000x128xf32, #tpu.memory_space<hbm>> -> memref<632x128xf32, #tpu.memory_space<hbm>>
        %dma_start3A_192 = arith.constant 0 : i32
        %dma_start3A_193 = tpu.memref_slice %arg13[%multiple_of3A, %dma_start3A_192] : memref<10000x128xf32, #tpu.memory_space<vmem_shared>> -> memref<632x128xf32, #tpu.memory_space<vmem_shared>>
        tpu.enqueue_dma source(%dma_start3A_193 : memref<632x128xf32, #tpu.memory_space<vmem_shared>>) target(%dma_start3A_191 : memref<632x128xf32, #tpu.memory_space<hbm>>) target_semaphore(%run_scoped3A : memref<!tpu.dma_semaphore, #tpu.memory_space<semaphore_mem>>)
        %dma_wait3A_194 = arith.constant 0 : i32
        %dma_wait3A_195 = arith.constant 0 : i32
        %dma_wait3A_196 = tpu.memref_slice %arg6[%arg0, %dma_wait3A_194, %dma_wait3A_195] : memref<2x10000x128xf32, #tpu.memory_space<hbm>> -> memref<1x10000x128xf32, #tpu.memory_space<hbm>>
        %dma_wait3A_197 = tpu.memref_squeeze %dma_wait3A_196 : memref<1x10000x128xf32, #tpu.memory_space<hbm>> -> memref<10000x128xf32, #tpu.memory_space<hbm>>
        %dma_wait3A_198 = arith.constant 0 : i32
        %dma_wait3A_199 = tpu.memref_slice %dma_wait3A_197[%multiple_of3A, %dma_wait3A_198] : memref<10000x128xf32, #tpu.memory_space<hbm>> -> memref<632x128xf32, #tpu.memory_space<hbm>>
        %dma_wait3A_200 = arith.constant 0 : i32
        %dma_wait3A_201 = tpu.memref_slice %arg13[%multiple_of3A, %dma_wait3A_200] : memref<10000x128xf32, #tpu.memory_space<vmem_shared>> -> memref<632x128xf32, #tpu.memory_space<vmem_shared>>
        tpu.wait_dma2 semaphore(%run_scoped3A : memref<!tpu.dma_semaphore, #tpu.memory_space<semaphore_mem>>) src(%dma_wait3A_201 : memref<632x128xf32, #tpu.memory_space<vmem_shared>>) dst(%dma_wait3A_199 : memref<632x128xf32, #tpu.memory_space<hbm>>)
        tpu.yield
      }) : () -> ()
    } else {
    }
    %eq3A_179 = arith.constant 15 : i32
    %eq3A_180 = arith.cmpi eq, %arg1, %eq3A_179 : i32
    %convert_element_type3A_181 = arith.extui %eq3A_180 : i1 to i32
    %cond3A_182 = arith.constant 0 : i32
    %cond3A_183 = arith.cmpi ne, %convert_element_type3A_181, %cond3A_182 : i32
    scf.if %cond3A_183 {
      "tpu.region"() ({
        %run_scoped3A = tpu.sem_alloc : memref<!tpu.dma_semaphore, #tpu.memory_space<semaphore_mem>>
        %dma_start3A_184 = arith.constant 0 : i32
        %dma_start3A_185 = arith.constant 0 : i32
        %dma_start3A_186 = tpu.memref_slice %arg6[%arg0, %dma_start3A_184, %dma_start3A_185] : memref<2x10000x128xf32, #tpu.memory_space<hbm>> -> memref<1x10000x128xf32, #tpu.memory_space<hbm>>
        %dma_start3A_187 = tpu.memref_squeeze %dma_start3A_186 : memref<1x10000x128xf32, #tpu.memory_space<hbm>> -> memref<10000x128xf32, #tpu.memory_space<hbm>>
        %dma_start3A_188 = arith.constant 9480 : i32
        %dma_start3A_189 = arith.constant 0 : i32
        %dma_start3A_190 = tpu.memref_slice %dma_start3A_187[%dma_start3A_188, %dma_start3A_189] : memref<10000x128xf32, #tpu.memory_space<hbm>> -> memref<520x128xf32, #tpu.memory_space<hbm>>
        %dma_start3A_191 = arith.constant 9480 : i32
        %dma_start3A_192 = arith.constant 0 : i32
        %dma_start3A_193 = tpu.memref_slice %arg13[%dma_start3A_191, %dma_start3A_192] : memref<10000x128xf32, #tpu.memory_space<vmem_shared>> -> memref<520x128xf32, #tpu.memory_space<vmem_shared>>
        tpu.enqueue_dma source(%dma_start3A_193 : memref<520x128xf32, #tpu.memory_space<vmem_shared>>) target(%dma_start3A_190 : memref<520x128xf32, #tpu.memory_space<hbm>>) target_semaphore(%run_scoped3A : memref<!tpu.dma_semaphore, #tpu.memory_space<semaphore_mem>>)
        %dma_wait3A_194 = arith.constant 0 : i32
        %dma_wait3A_195 = arith.constant 0 : i32
        %dma_wait3A_196 = tpu.memref_slice %arg6[%arg0, %dma_wait3A_194, %dma_wait3A_195] : memref<2x10000x128xf32, #tpu.memory_space<hbm>> -> memref<1x10000x128xf32, #tpu.memory_space<hbm>>
        %dma_wait3A_197 = tpu.memref_squeeze %dma_wait3A_196 : memref<1x10000x128xf32, #tpu.memory_space<hbm>> -> memref<10000x128xf32, #tpu.memory_space<hbm>>
        %dma_wait3A_198 = arith.constant 9480 : i32
        %dma_wait3A_199 = arith.constant 0 : i32
        %dma_wait3A_200 = tpu.memref_slice %dma_wait3A_197[%dma_wait3A_198, %dma_wait3A_199] : memref<10000x128xf32, #tpu.memory_space<hbm>> -> memref<520x128xf32, #tpu.memory_space<hbm>>
        %dma_wait3A_201 = arith.constant 9480 : i32
        %dma_wait3A_202 = arith.constant 0 : i32
        %dma_wait3A_203 = tpu.memref_slice %arg13[%dma_wait3A_201, %dma_wait3A_202] : memref<10000x128xf32, #tpu.memory_space<vmem_shared>> -> memref<520x128xf32, #tpu.memory_space<vmem_shared>>
        tpu.wait_dma2 semaphore(%run_scoped3A : memref<!tpu.dma_semaphore, #tpu.memory_space<semaphore_mem>>) src(%dma_wait3A_203 : memref<520x128xf32, #tpu.memory_space<vmem_shared>>) dst(%dma_wait3A_200 : memref<520x128xf32, #tpu.memory_space<hbm>>)
        tpu.yield
      }) : () -> ()
    } else {
    }
    return
  }
}

module attributes {stable_mosaic.version = 14 : i64} {
  func.func @_tc1_body(%arg0: i32, %arg1: memref<1000x128xf32, #tpu.memory_space<vmem>>, %arg2: memref<128x128xf32, #tpu.memory_space<vmem>>, %arg3: memref<2x1000x16xf32, #tpu.memory_space<vmem>>, %arg4: memref<1000x144xf32, #tpu.memory_space<vmem>>) attributes {dimension_semantics = [#tpu.dimension_semantics<arbitrary>], iteration_bounds = array<i64: 10>, scalar_prefetch = 0 : i64, scratch_operands = 0 : i64, tpu.core_type = #tpu.core_type<tc>, window_params = [{transform_indices = @transform_0, window_bounds = array<i64: 1000, 128>}, {pipeline_mode = #tpu.pipeline_mode<synchronous>, transform_indices = @transform_1, window_bounds = array<i64: 128, 128>}, {transform_indices = @transform_2, window_bounds = array<i64: 2, 1000, 16>}, {transform_indices = @transform_3, window_bounds = array<i64: 1000, 144>}]} {
    %get3A = arith.constant 0 : index
    %get3A_0 = arith.constant 0 : index
    %get3A_1 = vector.load %arg1[%get3A, %get3A_0] : memref<1000x128xf32, #tpu.memory_space<vmem>>, vector<1000x128xf32>
    %get3A_2 = arith.constant 0 : index
    %get3A_3 = arith.constant 0 : index
    %get3A_4 = vector.load %arg2[%get3A_2, %get3A_3] : memref<128x128xf32, #tpu.memory_space<vmem>>, vector<128x128xf32>
    %dot_general3A = arith.constant dense<0.000000e+00> : vector<1000x128xf32>
    %dot_general3A_5 = tpu.matmul %get3A_1, %get3A_4, %dot_general3A {dimension_numbers = #tpu.dot_dimension_numbers<[1], [1], [0], [0], [0, 0, 1, 0], [], []>, transpose_lhs_hint = false} : vector<1000x128xf32>, vector<128x128xf32>, vector<1000x128xf32> -> vector<1000x128xf32>
    %get3A_6 = arith.constant 0 : index
    %get3A_7 = arith.constant 0 : index
    %get3A_8 = arith.constant 0 : index
    %get3A_9 = vector.load %arg3[%get3A_6, %get3A_7, %get3A_8] : memref<2x1000x16xf32, #tpu.memory_space<vmem>>, vector<1x1000x1xf32>
    %get3A_10 = vector.shape_cast %get3A_9 : vector<1x1000x1xf32> to vector<1000xf32>
    %get3A_11 = arith.constant 1 : index
    %get3A_12 = arith.constant 0 : index
    %get3A_13 = arith.constant 0 : index
    %get3A_14 = vector.load %arg3[%get3A_11, %get3A_12, %get3A_13] : memref<2x1000x16xf32, #tpu.memory_space<vmem>>, vector<1x1000x1xf32>
    %get3A_15 = vector.shape_cast %get3A_14 : vector<1x1000x1xf32> to vector<1000xf32>
    %add3A = arith.addf %get3A_10, %get3A_15 : vector<1000xf32>
    %div3A = arith.constant 1.000000e+00 : f32
    %div3A_16 = vector.broadcast %div3A : f32 to vector<1000xf32>
    %div3A_17 = arith.divf %div3A_16, %add3A : vector<1000xf32>
    %broadcast_in_dim3A = vector.shape_cast %div3A_17 : vector<1000xf32> to vector<1000x1xf32>
    %mul3A = vector.broadcast %broadcast_in_dim3A : vector<1000x1xf32> to vector<1000x128xf32>
    %mul3A_18 = arith.mulf %dot_general3A_5, %mul3A : vector<1000x128xf32>
    %broadcast_in_dim3A_19 = vector.shape_cast %div3A_17 : vector<1000xf32> to vector<1000x1xf32>
    %broadcast_in_dim3A_20 = vector.shape_cast %broadcast_in_dim3A_19 : vector<1000x1xf32> to vector<1000x1xf32>
    %broadcast_in_dim3A_21 = vector.broadcast %broadcast_in_dim3A_20 : vector<1000x1xf32> to vector<1000x16xf32>
    %concatenate3A = tpu.concatenate %mul3A_18, %broadcast_in_dim3A_21 in 1 : vector<1000x128xf32>, vector<1000x16xf32> -> vector<1000x144xf32>
    %swap3A = arith.constant 0 : index
    %swap3A_22 = arith.constant 0 : index
    %swap3A_23 = vector.load %arg4[%swap3A, %swap3A_22] : memref<1000x144xf32, #tpu.memory_space<vmem>>, vector<1000x144xf32>
    tpu.vector_store %arg4[%swap3A, %swap3A_22], %concatenate3A {strides = array<i32>} : memref<1000x144xf32, #tpu.memory_space<vmem>>, vector<1000x144xf32>,
    return
  }
  func.func @transform_0(%arg0: i32) -> (i32, i32) {
    %c0_i32 = arith.constant 0 : i32
    %c0_i32_0 = arith.constant 0 : i32
    return %arg0, %c0_i32 : i32, i32
  }
  func.func @transform_1(%arg0: i32) -> (i32, i32) {
    %c0_i32 = arith.constant 0 : i32
    %c0_i32_0 = arith.constant 0 : i32
    %c0_i32_1 = arith.constant 0 : i32
    return %c0_i32, %c0_i32_0 : i32, i32
  }
  func.func @transform_2(%arg0: i32) -> (i32, i32, i32) {
    %c0_i32 = arith.constant 0 : i32
    %c0_i32_0 = arith.constant 0 : i32
    %c0_i32_1 = arith.constant 0 : i32
    return %c0_i32, %arg0, %c0_i32_0 : i32, i32, i32
  }
  func.func @transform_3(%arg0: i32) -> (i32, i32) {
    %c0_i32 = arith.constant 0 : i32
    %c0_i32_0 = arith.constant 0 : i32
    return %arg0, %c0_i32 : i32, i32
  }
}

module attributes {stable_mosaic.version = 14 : i64} {
  func.func @_tc0_body(%arg0: i32, %arg1: memref<1000x128xf32, #tpu.memory_space<vmem>>, %arg2: memref<256x128xf32, #tpu.memory_space<vmem>>, %arg3: memref<1000x256xf32, #tpu.memory_space<vmem>>) attributes {dimension_semantics = [#tpu.dimension_semantics<arbitrary>], iteration_bounds = array<i64: 10>, scalar_prefetch = 0 : i64, scratch_operands = 0 : i64, tpu.core_type = #tpu.core_type<tc>, window_params = [{transform_indices = @transform_0, window_bounds = array<i64: 1000, 128>}, {pipeline_mode = #tpu.pipeline_mode<synchronous>, transform_indices = @transform_1, window_bounds = array<i64: 256, 128>}, {transform_indices = @transform_2, window_bounds = array<i64: 1000, 256>}]} {
    %get3A = arith.constant 0 : index
    %get3A_0 = arith.constant 0 : index
    %get3A_1 = vector.load %arg1[%get3A, %get3A_0] : memref<1000x128xf32, #tpu.memory_space<vmem>>, vector<1000x128xf32>
    %get3A_2 = arith.constant 0 : index
    %get3A_3 = arith.constant 0 : index
    %get3A_4 = vector.load %arg2[%get3A_2, %get3A_3] : memref<256x128xf32, #tpu.memory_space<vmem>>, vector<256x128xf32>
    %dot_general3A = arith.constant dense<0.000000e+00> : vector<1000x256xf32>
    %dot_general3A_5 = tpu.matmul %get3A_1, %get3A_4, %dot_general3A {dimension_numbers = #tpu.dot_dimension_numbers<[1], [1], [0], [0], [0, 0, 1, 0], [], []>, transpose_lhs_hint = false} : vector<1000x128xf32>, vector<256x128xf32>, vector<1000x256xf32> -> vector<1000x256xf32>
    %swap3A = arith.constant 0 : index
    %swap3A_6 = arith.constant 0 : index
    %swap3A_7 = vector.load %arg3[%swap3A, %swap3A_6] : memref<1000x256xf32, #tpu.memory_space<vmem>>, vector<1000x256xf32>
    tpu.vector_store %arg3[%swap3A, %swap3A_6], %dot_general3A_5 {strides = array<i32>} : memref<1000x256xf32, #tpu.memory_space<vmem>>, vector<1000x256xf32>,
    return
  }
  func.func @transform_0(%arg0: i32) -> (i32, i32) {
    %c0_i32 = arith.constant 0 : i32
    %c0_i32_0 = arith.constant 0 : i32
    return %arg0, %c0_i32 : i32, i32
  }
  func.func @transform_1(%arg0: i32) -> (i32, i32) {
    %c0_i32 = arith.constant 0 : i32
    %c0_i32_0 = arith.constant 0 : i32
    %c0_i32_1 = arith.constant 0 : i32
    return %c0_i32, %c0_i32_0 : i32, i32
  }
  func.func @transform_2(%arg0: i32) -> (i32, i32) {
    %c0_i32 = arith.constant 0 : i32
    %c0_i32_0 = arith.constant 0 : i32
    return %arg0, %c0_i32 : i32, i32
  }
}

module attributes {stable_mosaic.version = 14 : i64} {
  func.func @_tc2_body(%arg0: i32, %arg1: memref<1000x256xf32, #tpu.memory_space<vmem>>, %arg2: memref<1x128xf32, #tpu.memory_space<vmem>>, %arg3: memref<2x1000x144xf32, #tpu.memory_space<vmem>>, %arg4: memref<2x1000x16xf32, #tpu.memory_space<vmem>>, %arg5: memref<384x128xf32, #tpu.memory_space<vmem>>, %arg6: memref<1x128xf32, #tpu.memory_space<vmem>>, %arg7: memref<1000x128xf32, #tpu.memory_space<vmem>>, %arg8: memref<1000x128xf32, #tpu.memory_space<vmem>>) attributes {dimension_semantics = [#tpu.dimension_semantics<arbitrary>], iteration_bounds = array<i64: 10>, scalar_prefetch = 0 : i64, scratch_operands = 0 : i64, tpu.core_type = #tpu.core_type<tc>, window_params = [{transform_indices = @transform_0, window_bounds = array<i64: 1000, 256>}, {pipeline_mode = #tpu.pipeline_mode<synchronous>, transform_indices = @transform_1, window_bounds = array<i64: 1, 128>}, {transform_indices = @transform_2, window_bounds = array<i64: 2, 1000, 144>}, {transform_indices = @transform_3, window_bounds = array<i64: 2, 1000, 16>}, {pipeline_mode = #tpu.pipeline_mode<synchronous>, transform_indices = @transform_4, window_bounds = array<i64: 384, 128>}, {pipeline_mode = #tpu.pipeline_mode<synchronous>, transform_indices = @transform_5, window_bounds = array<i64: 1, 128>}, {transform_indices = @transform_6, window_bounds = array<i64: 1000, 128>}, {transform_indices = @transform_7, window_bounds = array<i64: 1000, 128>}]} {
    %get3A = arith.constant 0 : index
    %get3A_0 = arith.constant 0 : index
    %get3A_1 = arith.constant 0 : index
    %get3A_2 = vector.load %arg3[%get3A, %get3A_0, %get3A_1] : memref<2x1000x144xf32, #tpu.memory_space<vmem>>, vector<1x1000x128xf32>
    %get3A_3 = vector.shape_cast %get3A_2 : vector<1x1000x128xf32> to vector<1000x128xf32>
    %get3A_4 = arith.constant 1 : index
    %get3A_5 = arith.constant 0 : index
    %get3A_6 = arith.constant 0 : index
    %get3A_7 = vector.load %arg3[%get3A_4, %get3A_5, %get3A_6] : memref<2x1000x144xf32, #tpu.memory_space<vmem>>, vector<1x1000x128xf32>
    %get3A_8 = vector.shape_cast %get3A_7 : vector<1x1000x128xf32> to vector<1000x128xf32>
    %add3A = arith.addf %get3A_3, %get3A_8 : vector<1000x128xf32>
    %get3A_9 = arith.constant 0 : index
    %get3A_10 = arith.constant 0 : index
    %get3A_11 = arith.constant 128 : index
    %get3A_12 = vector.load %arg3[%get3A_9, %get3A_10, %get3A_11] : memref<2x1000x144xf32, #tpu.memory_space<vmem>>, vector<1x1000x1xf32>
    %get3A_13 = vector.shape_cast %get3A_12 : vector<1x1000x1xf32> to vector<1000xf32>
    %get3A_14 = arith.constant 1 : index
    %get3A_15 = arith.constant 0 : index
    %get3A_16 = arith.constant 128 : index
    %get3A_17 = vector.load %arg3[%get3A_14, %get3A_15, %get3A_16] : memref<2x1000x144xf32, #tpu.memory_space<vmem>>, vector<1x1000x1xf32>
    %get3A_18 = vector.shape_cast %get3A_17 : vector<1x1000x1xf32> to vector<1000xf32>
    %add3A_19 = arith.addf %get3A_13, %get3A_18 : vector<1000xf32>
    %get3A_20 = arith.constant 0 : index
    %get3A_21 = arith.constant 0 : index
    %get3A_22 = vector.load %arg1[%get3A_20, %get3A_21] : memref<1000x256xf32, #tpu.memory_space<vmem>>, vector<1000x128xf32>
    %get3A_23 = arith.constant 0 : index
    %get3A_24 = arith.constant 0 : index
    %get3A_25 = vector.load %arg2[%get3A_23, %get3A_24] : memref<1x128xf32, #tpu.memory_space<vmem>>, vector<1x128xf32>
    %add3A_26 = vector.broadcast %get3A_25 : vector<1x128xf32> to vector<1000x128xf32>
    %add3A_27 = arith.addf %get3A_22, %add3A_26 : vector<1000x128xf32>
    %sub3A = arith.subf %add3A_27, %add3A : vector<1000x128xf32>
    %broadcast_in_dim3A = vector.shape_cast %add3A_19 : vector<1000xf32> to vector<1000x1xf32>
    %get3A_28 = arith.constant 0 : index
    %get3A_29 = arith.constant 128 : index
    %get3A_30 = vector.load %arg1[%get3A_28, %get3A_29] : memref<1000x256xf32, #tpu.memory_space<vmem>>, vector<1000x128xf32>
    %mul3A = vector.broadcast %broadcast_in_dim3A : vector<1000x1xf32> to vector<1000x128xf32>
    %mul3A_31 = arith.mulf %mul3A, %get3A_30 : vector<1000x128xf32>
    %sub3A_32 = arith.subf %sub3A, %mul3A_31 : vector<1000x128xf32>
    %mul3A_33 = arith.constant 5.000000e-01 : f32
    %mul3A_34 = vector.broadcast %mul3A_33 : f32 to vector<1000x128xf32>
    %mul3A_35 = arith.mulf %mul3A_34, %sub3A_32 : vector<1000x128xf32>
    %mul3A_36 = arith.constant 0.707106769 : f32
    %mul3A_37 = vector.broadcast %mul3A_36 : f32 to vector<1000x128xf32>
    %mul3A_38 = arith.mulf %sub3A_32, %mul3A_37 : vector<1000x128xf32>
    %erf3A = math.erf %mul3A_38 : vector<1000x128xf32>
    %add3A_39 = arith.constant 1.000000e+00 : f32
    %add3A_40 = vector.broadcast %add3A_39 : f32 to vector<1000x128xf32>
    %add3A_41 = arith.addf %add3A_40, %erf3A : vector<1000x128xf32>
    %mul3A_42 = arith.mulf %mul3A_35, %add3A_41 : vector<1000x128xf32>
    %get3A_43 = arith.constant 0 : index
    %get3A_44 = arith.constant 0 : index
    %get3A_45 = vector.load %arg5[%get3A_43, %get3A_44] : memref<384x128xf32, #tpu.memory_space<vmem>>, vector<384x128xf32>
    %dot_general3A = arith.constant dense<0.000000e+00> : vector<1000x384xf32>
    %dot_general3A_46 = tpu.matmul %mul3A_42, %get3A_45, %dot_general3A {dimension_numbers = #tpu.dot_dimension_numbers<[1], [1], [0], [0], [0, 0, 1, 0], [], []>, transpose_lhs_hint = false} : vector<1000x128xf32>, vector<384x128xf32>, vector<1000x384xf32> -> vector<1000x384xf32>
    %get3A_47 = arith.constant 0 : index
    %get3A_48 = arith.constant 0 : index
    %get3A_49 = arith.constant 0 : index
    %get3A_50 = vector.load %arg4[%get3A_47, %get3A_48, %get3A_49] : memref<2x1000x16xf32, #tpu.memory_space<vmem>>, vector<1x1000x1xf32>
    %get3A_51 = vector.shape_cast %get3A_50 : vector<1x1000x1xf32> to vector<1000xf32>
    %get3A_52 = arith.constant 1 : index
    %get3A_53 = arith.constant 0 : index
    %get3A_54 = arith.constant 0 : index
    %get3A_55 = vector.load %arg4[%get3A_52, %get3A_53, %get3A_54] : memref<2x1000x16xf32, #tpu.memory_space<vmem>>, vector<1x1000x1xf32>
    %get3A_56 = vector.shape_cast %get3A_55 : vector<1x1000x1xf32> to vector<1000xf32>
    %add3A_57 = arith.addf %get3A_51, %get3A_56 : vector<1000xf32>
    %div3A = arith.constant 1.000000e+00 : f32
    %div3A_58 = vector.broadcast %div3A : f32 to vector<1000xf32>
    %div3A_59 = arith.divf %div3A_58, %add3A_57 : vector<1000xf32>
    %slice3A = vector.extract_strided_slice %dot_general3A_46 {offsets = [0, 0], sizes = [1000, 128], strides = [1, 1]} : vector<1000x384xf32> to vector<1000x128xf32>
    %get3A_60 = arith.constant 0 : index
    %get3A_61 = arith.constant 0 : index
    %get3A_62 = vector.load %arg6[%get3A_60, %get3A_61] : memref<1x128xf32, #tpu.memory_space<vmem>>, vector<1x128xf32>
    %add3A_63 = vector.broadcast %get3A_62 : vector<1x128xf32> to vector<1000x128xf32>
    %add3A_64 = arith.addf %slice3A, %add3A_63 : vector<1000x128xf32>
    %broadcast_in_dim3A_65 = vector.shape_cast %add3A_19 : vector<1000xf32> to vector<1000x1xf32>
    %slice3A_66 = vector.extract_strided_slice %dot_general3A_46 {offsets = [0, 128], sizes = [1000, 128], strides = [1, 1]} : vector<1000x384xf32> to vector<1000x128xf32>
    %mul3A_67 = vector.broadcast %broadcast_in_dim3A_65 : vector<1000x1xf32> to vector<1000x128xf32>
    %mul3A_68 = arith.mulf %mul3A_67, %slice3A_66 : vector<1000x128xf32>
    %sub3A_69 = arith.subf %add3A_64, %mul3A_68 : vector<1000x128xf32>
    %mul3A_70 = arith.constant 5.000000e-01 : f32
    %mul3A_71 = vector.broadcast %mul3A_70 : f32 to vector<1000x128xf32>
    %mul3A_72 = arith.mulf %mul3A_71, %sub3A_69 : vector<1000x128xf32>
    %swap3A = arith.constant 0 : index
    %swap3A_73 = arith.constant 0 : index
    %swap3A_74 = vector.load %arg7[%swap3A, %swap3A_73] : memref<1000x128xf32, #tpu.memory_space<vmem>>, vector<1000x128xf32>
    tpu.vector_store %arg7[%swap3A, %swap3A_73], %mul3A_72 {strides = array<i32>} : memref<1000x128xf32, #tpu.memory_space<vmem>>, vector<1000x128xf32>,
    %slice3A_75 = vector.extract_strided_slice %dot_general3A_46 {offsets = [0, 256], sizes = [1000, 128], strides = [1, 1]} : vector<1000x384xf32> to vector<1000x128xf32>
    %broadcast_in_dim3A_76 = vector.shape_cast %div3A_59 : vector<1000xf32> to vector<1000x1xf32>
    %mul3A_77 = vector.broadcast %broadcast_in_dim3A_76 : vector<1000x1xf32> to vector<1000x128xf32>
    %mul3A_78 = arith.mulf %slice3A_75, %mul3A_77 : vector<1000x128xf32>
    %neg3A = arith.constant 0.000000e+00 : f32
    %neg3A_79 = vector.broadcast %neg3A : f32 to vector<1000x128xf32>
    %neg3A_80 = arith.subf %neg3A_79, %mul3A_78 : vector<1000x128xf32>
    %swap3A_81 = arith.constant 0 : index
    %swap3A_82 = arith.constant 0 : index
    %swap3A_83 = vector.load %arg8[%swap3A_81, %swap3A_82] : memref<1000x128xf32, #tpu.memory_space<vmem>>, vector<1000x128xf32>
    tpu.vector_store %arg8[%swap3A_81, %swap3A_82], %neg3A_80 {strides = array<i32>} : memref<1000x128xf32, #tpu.memory_space<vmem>>, vector<1000x128xf32>,
    return
  }
  func.func @transform_0(%arg0: i32) -> (i32, i32) {
    %c0_i32 = arith.constant 0 : i32
    %c0_i32_0 = arith.constant 0 : i32
    return %arg0, %c0_i32 : i32, i32
  }
  func.func @transform_1(%arg0: i32) -> (i32, i32) {
    %c0_i32 = arith.constant 0 : i32
    %c0_i32_0 = arith.constant 0 : i32
    %c0_i32_1 = arith.constant 0 : i32
    return %c0_i32, %c0_i32_0 : i32, i32
  }
  func.func @transform_2(%arg0: i32) -> (i32, i32, i32) {
    %c0_i32 = arith.constant 0 : i32
    %c0_i32_0 = arith.constant 0 : i32
    %c0_i32_1 = arith.constant 0 : i32
    return %c0_i32, %arg0, %c0_i32_0 : i32, i32, i32
  }
  func.func @transform_3(%arg0: i32) -> (i32, i32, i32) {
    %c0_i32 = arith.constant 0 : i32
    %c0_i32_0 = arith.constant 0 : i32
    %c0_i32_1 = arith.constant 0 : i32
    return %c0_i32, %arg0, %c0_i32_0 : i32, i32, i32
  }
  func.func @transform_4(%arg0: i32) -> (i32, i32) {
    %c0_i32 = arith.constant 0 : i32
    %c0_i32_0 = arith.constant 0 : i32
    %c0_i32_1 = arith.constant 0 : i32
    return %c0_i32, %c0_i32_0 : i32, i32
  }
  func.func @transform_5(%arg0: i32) -> (i32, i32) {
    %c0_i32 = arith.constant 0 : i32
    %c0_i32_0 = arith.constant 0 : i32
    %c0_i32_1 = arith.constant 0 : i32
    return %c0_i32, %c0_i32_0 : i32, i32
  }
  func.func @transform_6(%arg0: i32) -> (i32, i32) {
    %c0_i32 = arith.constant 0 : i32
    %c0_i32_0 = arith.constant 0 : i32
    return %arg0, %c0_i32 : i32, i32
  }
  func.func @transform_7(%arg0: i32) -> (i32, i32) {
    %c0_i32 = arith.constant 0 : i32
    %c0_i32_0 = arith.constant 0 : i32
    return %arg0, %c0_i32 : i32, i32
  }
}

module attributes {stable_mosaic.version = 14 : i64} {
  func.func @_tc3_body(%arg0: i32, %arg1: memref<2x1000x128xf32, #tpu.memory_space<vmem>>, %arg2: memref<1000x128xf32, #tpu.memory_space<vmem>>) attributes {dimension_semantics = [#tpu.dimension_semantics<arbitrary>], iteration_bounds = array<i64: 10>, scalar_prefetch = 0 : i64, scratch_operands = 0 : i64, tpu.core_type = #tpu.core_type<tc>, window_params = [{transform_indices = @transform_0, window_bounds = array<i64: 2, 1000, 128>}, {transform_indices = @transform_1, window_bounds = array<i64: 1000, 128>}]} {
    %get3A = arith.constant 0 : index
    %get3A_0 = arith.constant 0 : index
    %get3A_1 = arith.constant 0 : index
    %get3A_2 = vector.load %arg1[%get3A, %get3A_0, %get3A_1] : memref<2x1000x128xf32, #tpu.memory_space<vmem>>, vector<1x1000x128xf32>
    %get3A_3 = vector.shape_cast %get3A_2 : vector<1x1000x128xf32> to vector<1000x128xf32>
    %get3A_4 = arith.constant 1 : index
    %get3A_5 = arith.constant 0 : index
    %get3A_6 = arith.constant 0 : index
    %get3A_7 = vector.load %arg1[%get3A_4, %get3A_5, %get3A_6] : memref<2x1000x128xf32, #tpu.memory_space<vmem>>, vector<1x1000x128xf32>
    %get3A_8 = vector.shape_cast %get3A_7 : vector<1x1000x128xf32> to vector<1000x128xf32>
    %add3A = arith.addf %get3A_3, %get3A_8 : vector<1000x128xf32>
    %mul3A = arith.constant 5.000000e-01 : f32
    %mul3A_9 = vector.broadcast %mul3A : f32 to vector<1000x128xf32>
    %mul3A_10 = arith.mulf %mul3A_9, %add3A : vector<1000x128xf32>
    %mul3A_11 = arith.constant 0.707106769 : f32
    %mul3A_12 = vector.broadcast %mul3A_11 : f32 to vector<1000x128xf32>
    %mul3A_13 = arith.mulf %add3A, %mul3A_12 : vector<1000x128xf32>
    %erf3A = math.erf %mul3A_13 : vector<1000x128xf32>
    %add3A_14 = arith.constant 1.000000e+00 : f32
    %add3A_15 = vector.broadcast %add3A_14 : f32 to vector<1000x128xf32>
    %add3A_16 = arith.addf %add3A_15, %erf3A : vector<1000x128xf32>
    %mul3A_17 = arith.mulf %mul3A_10, %add3A_16 : vector<1000x128xf32>
    %swap3A = arith.constant 0 : index
    %swap3A_18 = arith.constant 0 : index
    %swap3A_19 = vector.load %arg2[%swap3A, %swap3A_18] : memref<1000x128xf32, #tpu.memory_space<vmem>>, vector<1000x128xf32>
    tpu.vector_store %arg2[%swap3A, %swap3A_18], %mul3A_17 {strides = array<i32>} : memref<1000x128xf32, #tpu.memory_space<vmem>>, vector<1000x128xf32>,
    return
  }
  func.func @transform_0(%arg0: i32) -> (i32, i32, i32) {
    %c0_i32 = arith.constant 0 : i32
    %c0_i32_0 = arith.constant 0 : i32
    %c0_i32_1 = arith.constant 0 : i32
    return %c0_i32, %arg0, %c0_i32_0 : i32, i32, i32
  }
  func.func @transform_1(%arg0: i32) -> (i32, i32) {
    %c0_i32 = arith.constant 0 : i32
    %c0_i32_0 = arith.constant 0 : i32
    return %arg0, %c0_i32 : i32, i32
  }
}

</mosaic_0001>

<sc_bundles>
// kernel: kernel.12.cloned.1.call-start
scs
__scs_entry_jumppad:
0x0: {  	(pc) =	sbr.rel $0x88, $3  }
0x1: {  	(tag) =	ssettag $0x0;
	lr =	simm.s32 $0x1  }
0x2: {  	[smem:$0x3F9C] =	sst lr;
	_ =	strace $0xD0000000  }
0x3: {  	_ = 	snop  }
0x4: {  	_ = 	snop  }
0x5: {  	_ = 	snop  }
0x6: {  	_ = 	snop  }
0x7: {  	_ = 	snop  }
__scs_overlays_trampoline_lowered:
0x8: {  	[smem:$0x3FAB] =	sst s0  }
0x9: {  	[smem:$0x3FAC] =	sst s1  }
0xa: {  	[smem:$0x3FAD] =	sst s2  }
0xb: {  	[smem:$0x3FAE] =	sst s3  }
0xc: {  	[smem:$0x3FAF] =	sst s4  }
0xd: {  	[smem:$0x3FB0] =	sst s5  }
0xe: {  	[smem:$0x3FB1] =	sst s6  }
0xf: {  	[smem:$0x3FB2] =	sst s7  }
0x10: {  	[smem:$0x3FB3] =	sst s8  }
0x11: {  	[smem:$0x3FB4] =	sst s9;
	s0 =	simm.s32 @!p0 $0x0  }
0x12: {  	s1 =	sld [smem:$0x3F9A];
	s0 =	simm.s32 @p0 $0x1  }
0x13: {  	[smem:$0x3FB5] =	sst s0;
	s0 =	simm.s32 @!p1 $0x0  }
0x14: {  	s2 =	sld [smem:$0x3F99];
	s0 =	simm.s32 @p1 $0x1  }
0x15: {  	[smem:$0x3FB6] =	sst s0;
	s0 =	simm.s32 @!p2 $0x0  }
0x16: {  	s3 =	sld [smem:$0x3FDB];
	s0 =	simm.s32 @p2 $0x1  }
0x17: {  	s4 =	simm.s32 $0x1BF5;
	[smem:$0x3FB8] =	sst s0  }
0x18: {  	s0 =	sld [smem:$0x3F9B];
	_ =	swait.ge [sflag:s4], $0x0  }
0x19: {  	s7 =	sld [smem:$0x3F9C]  }
0x1a: {  	s8 =	sadd.s32 $0xFFFFE003, lr  }
0x1b: {  	s9 =	sadd.s32 $0xFFFFFEF7, lr;
	s5 =	simm.s32 $0xFFFFFFFF;
	p2 =	slt.u32 s8, $0xFFFFF086  }
0x1c: {  	p1 =	slt.u32 s9, $0xF7A;
	s5 =	simm.s32 @!p2 $0x0  }
0x1d: {  	s5 =	simm.s32 @p1 $0x1;
	p0 =	seq.s32 s7, s2  }
0x1e: {  	s7 =	smul.u32 @!p0 $0xF7A, s2;
	p2 =	seq.s32 @!p0 s5, $0x0  }
0x1f: {  	s9 =	smul.u32 $0xF7A, s1;
	s8 =	simm.s32 @!p0 $0x1BF5;
	p2 =	por !p2, p0  }
0x20: {  	[sflag:s8] =	ssyncset.s32 @!p0 $0xFFFFF086;
	s6 =	sadd.s32 @!p0 s3, s7;
	s7 =	simm.s32 @!p0 $0x108  }
0x21: {  	s3 =	sadd.s32 s3, s9;
	s6 =	sadd.s32 @!p0 $0x88, s6;
	s7 =	simm.s32 @p2 $0x1082  }
0x22: {  	[simem:s7], [sflag:s8] =	dma.local @!p0 [hbm:s6], $0xF7A  }
0x23: {  	s9 =	sor.u32 $0xD0000000, s2;
	s6 =	simm.s32 $0x108;
	_ =	swait.ge @!p0 [sflag:s8], $0x0  }
0x24: {  	s3 =	sadd.s32 $0x88, s3;
	s6 =	simm.s32 @!p1 $0x1082;
	[sflag:s4] =	ssyncset.s32 $0xFFFFF086  }
0x25: {  	[simem:s6], [sflag:s4] =	dma.local [hbm:s3], $0xF7A  }
0x26: {  	[smem:$0x3F9C] =	sst s1;
	(tag) =	ssettag s2;
	_ =	strace s9  }
0x27: {  	s1 =	sld [smem:$0x3FAC]  }
0x28: {  	s2 =	sld [smem:$0x3FAD]  }
0x29: {  	s4 =	sld [smem:$0x3FAF]  }
0x2a: {  	p0 =	seq.s32 s5, $0x0;
	s5 =	sld [smem:$0x3FB0]  }
0x2b: {  	s6 =	sld [smem:$0x3FB1]  }
0x2c: {  	s7 =	sld [smem:$0x3FB2]  }
0x2d: {  	s3 =	simm.s32 $0x108;
	s8 =	sld [smem:$0x3FB3]  }
0x2e: {  	s3 =	simm.s32 @!p0 $0x1082;
	s9 =	sld [smem:$0x3FB4]  }
0x2f: {  	lr =	sadd.s32 s0, s3;
	s0 =	sld [smem:$0x3FAB]  }
0x30: {  	s3 =	sld [smem:$0x3FAE]  }
0x31: {  	[smem:$0x3FB7] =	sst s10  }
0x32: {  	s10 =	sld [smem:$0x3FB5];
	_ =	sdelay $0x3  }
0x33: {  	p0 =	seq.s32 s10, $0x1;
	s10 =	sld [smem:$0x3FB7];
	_ =	sdelay $0x3  }
0x34: {  	[smem:$0x3FB7] =	sst s10  }
0x35: {  	s10 =	sld [smem:$0x3FB6];
	_ =	sdelay $0x3  }
0x36: {  	p1 =	seq.s32 s10, $0x1;
	s10 =	sld [smem:$0x3FB7];
	_ =	sdelay $0x3  }
0x37: {  	[smem:$0x3FB7] =	sst s10  }
0x38: {  	s10 =	sld [smem:$0x3FB8]  }
0x39: {  	_ = 	snop;
	(pc) =	sbr.ind lr, $3  }
0x3a: {  	_ = 	snop  }
0x3b: {  	_ = 	snop  }
0x3c: {  	p2 =	seq.s32 s10, $0x1;
	s10 =	sld [smem:$0x3FB7]  }
0x3d: {  	_ =	shalt  }
0x3e: {  	_ =	shalt  }
0x3f: {  	_ =	shalt  }
0x40: {  	_ =	shalt  }
0x41: {  	_ =	shalt  }
0x42: {  	_ =	shalt  }
0x43: {  	_ =	shalt  }
0x44: {  	_ =	shalt  }
0x45: {  	_ =	shalt  }
0x46: {  	_ =	shalt  }
0x47: {  	_ =	shalt  }
0x48: {  	_ =	shalt  }
0x49: {  	_ =	shalt  }
0x4a: {  	_ =	shalt  }
0x4b: {  	_ =	shalt  }
0x4c: {  	_ =	shalt  }
0x4d: {  	_ =	shalt  }
0x4e: {  	_ =	shalt  }
0x4f: {  	_ =	shalt  }
0x50: {  	_ =	shalt  }
0x51: {  	_ =	shalt  }
0x52: {  	_ =	shalt  }
0x53: {  	_ =	shalt  }
0x54: {  	_ =	shalt  }
0x55: {  	_ =	shalt  }
0x56: {  	_ =	shalt  }
0x57: {  	_ =	shalt  }
0x58: {  	_ =	shalt  }
0x59: {  	_ =	shalt  }
0x5a: {  	_ =	shalt  }
0x5b: {  	_ =	shalt  }
0x5c: {  	_ =	shalt  }
0x5d: {  	_ =	shalt  }
0x5e: {  	_ =	shalt  }
0x5f: {  	_ =	shalt  }
0x60: {  	_ =	shalt  }
0x61: {  	_ =	shalt  }
0x62: {  	_ =	shalt  }
0x63: {  	_ =	shalt  }
0x64: {  	_ =	shalt  }
0x65: {  	_ =	shalt  }
0x66: {  	_ =	shalt  }
0x67: {  	_ =	shalt  }
0x68: {  	_ =	shalt  }
0x69: {  	_ =	shalt  }
0x6a: {  	_ =	shalt  }
0x6b: {  	_ =	shalt  }
0x6c: {  	_ =	shalt  }
0x6d: {  	_ =	shalt  }
0x6e: {  	_ =	shalt  }
0x6f: {  	_ =	shalt  }
0x70: {  	_ =	shalt  }
0x71: {  	_ =	shalt  }
0x72: {  	_ =	shalt  }
0x73: {  	_ =	shalt  }
0x74: {  	_ =	shalt  }
0x75: {  	_ =	shalt  }
0x76: {  	_ =	shalt  }
0x77: {  	_ =	shalt  }
0x78: {  	_ =	shalt  }
0x79: {  	_ =	shalt  }
0x7a: {  	_ =	shalt  }
0x7b: {  	_ =	shalt  }
0x7c: {  	_ =	shalt  }
0x7d: {  	_ =	shalt  }
0x7e: {  	_ =	shalt  }
0x7f: {  	_ =	shalt  }
0x80: {  	_ =	shalt  }
0x81: {  	_ =	shalt  }
0x82: {  	_ =	shalt  }
0x83: {  	_ =	shalt  }
0x84: {  	_ =	shalt  }
0x85: {  	_ =	shalt  }
0x86: {  	_ =	shalt  }
0x87: {  	_ =	shalt  }
.Lfunc_end0:
.L_simem_size_0:
called_computation.1_lowered:
.L_overlay_start_0:
0x88: {  	s2 =	sld [smem:$0x3FD9]  }
0x89: {  	s3 =	sld [smem:$0x3FFE];
	_ =	sdelay $0x1  }
0x8a: {  	s1 =	srdreg.scid  }
0x8b: {  	s0 =	sand.u32 $0x1, s1  }
0x8c: {  	s16 =	sshll.u32 s0, $0xA;
	s2 =	sadd.s32 s3, s2  }
0x8d: {  	s2 =	sadd.s32 s2, s16  }
0x8e: {  	[smem:$0x3FC3] =	sst s2  }
0x8f: {  	_ = 	snop  }
0x90: {  	(tm) =	ssettm $0x1  }
0x91: {  	s17 =	sld [smem:$0x3FFB];
	_ =	sdelay $0x3  }
0x92: {  	_ =	strace s17  }
0x93: {  	s2 =	sld [smem:$0x3FFC];
	_ =	sdelay $0x3  }
0x94: {  	_ =	strace s2  }
0x95: {  	s2 =	sld [smem:$0x3FFD];
	_ =	sdelay $0x3  }
0x96: {  	_ =	strace s2  }
0x97: {  	_ =	strace $0x8FFFFFFF  }
0x98: {  	s18 =	sld [smem:$0x3FDB];
	_ =	sdelay $0x1  }
0x99: {  	s19 =	simm.s32 $_scs_section_size  }
0x9a: {  	s4 =	simm.s32 $_size__tile_overlayer_lowered;
	s5 =	simm.s32 $_tile_overlayer_lowered  }
0x9b: {  	s22 =	simm.s32 $0x1BFF;
	s21 =	sshll.u32 s5, $0x1;
	s2 =	sadd.s32 s19, s18  }
0x9c: {  	s6 =	simm.s32 $0x0;
	s20 =	sshll.u32 s4, $0x1;
	s4 =	sadd.s32 s21, s2  }
0x9d: {  	[timem:s6], [sflag:s22] =	dma.local [hbm:s4], s20  }
0x9e: {  	_ =	swait.ge [sflag:s22], s20  }
0x9f: {  	s3 =	ssub.s32 $0x0, s20;
	[sflag:s22] =	ssyncset.done $0x0  }
0xa0: {  	[sflag:s22] =	ssyncadd.s32 s3;
	_ =	sdelay $0x1  }
0xa1: {  	s23 =	simm.s32 $0x1B8B  }
0xa2: {  	_ =	swait.ge [sflag:s23], $0x1  }
0xa3: {  	[sflag:s23] =	ssyncset.done $0x0  }
0xa4: {  	s25 =	simm.s32 $0x1B8E;
	s24 =	sld [smem:$0x3FFE];
	[sflag:s23] =	ssyncadd.s32 $0xFFFFFFFF  }
0xa5: {  	s26 =	simm.s32 $execute0_lowered;
	[smem:$0x3FD2] =	sst s25  }
0xa6: {  	s4 =	sshll.u32 s26, $0x1;
	_ =	strace $0x80000049;
	[dreg:$0x1] =	wrdreg $0xFFFFFFFF  }
0xa7: {  	s28 =	simm.s32 $_size_execute0_lowered;
	s2 =	sadd.s32 s2, s4;
	[dreg:$0x0] =	wrdreg $0x0  }
0xa8: {  	s4 =	sshll.u32 s28, $0x1;
	[dreg:$0x2] =	wrdreg s2  }
0xa9: {  	[dreg:$0x3] =	wrdreg s4  }
0xaa: {  	[dreg:$0x4] =	wrdreg $0xC0  }
0xab: {  	_ =	task [dreg:s6], $0x5FFFF  }
0xac: {  	[dreg:$0x1] =	wrdreg $0xFFFFFFFF  }
0xad: {  	[dreg:$0x0] =	wrdreg $0x60  }
0xae: {  	[dreg:$0x2] =	wrdreg s24  }
0xaf: {  	[dreg:$0x3] =	wrdreg $0x94000  }
0xb0: {  	[dreg:$0x4] =	wrdreg $0x9  }
0xb1: {  	_ =	task.clear_ibuf [dreg:s6], $0x5FFFF;
	_ =	strace $0x90000049  }
0xb2: {  	s29 =	simm.s32 $0x9;
	_ =	strace $0x8000004B  }
0xb3: {  	_ =	swait.ge [sflag:s29], $0x1  }
0xb4: {  	[sflag:s29] =	ssyncadd.s32 $0xFFFFFFFF  }
0xb5: {  	_ =	strace $0x9000004B  }
0xb6: {  	_ =	sfence  }
0xb7: {  	s30 =	sld [smem:$0x0];
	_ =	sdelay $0x2  }
0xb8: {  	s31 =	sshll.u32 s1, $0xD;
	s1 =	sshrl.u32 s1, $0x2  }
0xb9: {  	s3 =	sand.u32 $0x4000, s31;
	s1 =	sadd.s32 s1, s30  }
0xba: {  	s0 =	sor.u32 s3, s0;
	s1 =	sshll.u32 s1, $0x11  }
0xbb: {  	s0 =	sor.u32 s1, s0  }
0xbc: {  	s0 =	sadd.s32 $0x8F2B, s0  }
0xbd: {  	[sflag:s0] =	ssyncadd.remote.s32 $0x1  }
0xbe: {  	_ =	sfence.sel $0xFFFF  }
0xbf: {  	[dreg:$0x0] =	wrdreg $0xFFFFFFFF;
	(pc) =	sbr.abs _section_cstart, $3  }
0xc0: {  	[dreg:$0x1] =	wrdreg $0xFFFFFFFF  }
0xc1: {  	_ =	task.clear_ibuf [dreg:s6], $0x2FFFF;
	_ =	strace $0x9FFFFFFF  }
0xc2: {  	(tm) =	ssettm $0x7FFFFFFF  }
0xc3: {  	_ =	shalt  }
tec
execute0_lowered:
.L_overlay_start_1:
0x0: {  	(tag) =	ssettag $0x1  }
0x1: {  	s0 =	rddreg [dreg:$0x0]  }
0x2: {  	s2 =	rddreg [dreg:$0x1];
	s3 =	simm.s32 $0x0  }
0x3: {  	s14 =	stileid.u32;
	s4 =	srdreg.scid;
	s29 =	simm.s32 $0x80  }
0x4: {  	s31 =	simm.s32 $0xC0;
	s28 =	simm.s32 $0x400;
	s30 =	simm.s32 $0x3  }
0x5: {  	[smem:$0x7FF] =	sst s3;
	s1 =	smul.u32 $0x16380, s14;
	s5 =	sadd.s32 $0xC000, s0  }
0x6: {  	s7 =	sadd.s32 $0x2200, s0;
	s8 =	sand.u32 $0x1, s4;
	s25 =	sadd.s32 $0x14D480, s2  }
0x7: {  	s4 =	sadd.s32 $0x64000, s0;
	s21 =	smul.u32 $0x9C, s14;
	_ =	strace $0x8000004A  }
0x8: {  	s6 =	sshll.u32 s8, $0x4;
	s9 =	smul.u32 $0x2BF20, s8;
	s10 =	ssub.s32 $0x2, s8  }
0x9: {  	[dreg:$0x7] =	wrdreg s25;
	s18 =	smul.u32 $0x9C0, s8;
	s11 =	sshrl.u32 s1, $0x3  }
0xa: {  	s6 =	sor.u32 s14, s6;
	s12 =	sshrl.u32 s10, $0x1;
	s1 =	sadd.s32 s1, s2  }
0xb: {  	[dreg:$0x4] =	wrdreg s11;
	s11 =	sadd.s32 s11, s0;
	s13 =	smul.u32 $0x9C, s6  }
0xc: {  	s9 =	sadd.s32 s9, s0;
	s10 =	ssub.s32 s10, s12;
	s12 =	smin.u32 s6, $0x8  }
0xd: {  	p0 =	slt.u32 s6, $0x8;
	s6 =	simm.s32 $0x9D;
	[dreg:$0x5] =	wrdreg s1  }
0xe: {  	s0 =	sadd.s32 $0xB9A90, s0;
	s1 =	sadd.s32 s21, s18;
	s6 =	simm.s32 @!p0 $0x9C  }
0xf: {  	s24 =	sadd.s32 $0x90000, s11;
	[dreg:$0x8] =	wrdreg s0;
	s1 =	sadd.s32 s12, s1  }
0x10: {  	p0 =	seq.s32 s14, $0xF;
	s13 =	sadd.s32 s12, s13;
	s1 =	sshll.u32 s1, $0x3  }
0x11: {  	[dreg:$0x6] =	wrdreg s24;
	s26 =	sshll.u32 s13, $0x3;
	s1 =	sadd.s32 $0x28, s1  }
0x12: {  	s16 =	sadd.s32 s5, s26;
	s17 =	sadd.s32 s7, s26;
	s19 =	sadd.s32 $0x8, s26  }
0x13: {  	s20 =	sadd.s32 $0x10, s26;
	s24 =	sadd.s32 $0x18, s26;
	s0 =	sadd.s32 $0x20, s26  }
0x14: {  	s26 =	ssub.s32 $0x0, s6;
	s12 =	sadd.s32 s1, s5;
	[dreg:$0x9] =	wrdreg s16  }
0x15: {  	s11 =	sadd.s32 s1, s7;
	s1 =	simm.s32 $0x1;
	[dreg:$0xa] =	wrdreg s17  }
0x16: {  	s15 =	sadd.s32 s5, s19;
	s8 =	sadd.s32 s7, s19;
	[dreg:$0x3] =	wrdreg s26  }
0x17: {  	s22 =	sadd.s32 s5, s20;
	s23 =	sadd.s32 s7, s20;
	[dreg:$0xb] =	wrdreg s15  }
0x18: {  	s25 =	sadd.s32 s5, s24;
	s18 =	sadd.s32 s7, s24;
	[dreg:$0xc] =	wrdreg s8  }
0x19: {  	s19 =	sadd.s32 $0xBC000, s9;
	s20 =	smax.u32 s10, $0x1;
	[dreg:$0xd] =	wrdreg s22  }
0x1a: {  	s0 =	sand.u32 $0x1FFFFFF8, s0;
	s26 =	simm.s32 $0x40;
	[dreg:$0xe] =	wrdreg s23  }
0x1b: {  	[dreg:$0xf] =	wrdreg s25;
	s21 =	sadd.s32 s5, s0;
	s22 =	sadd.s32 s7, s0  }
0x1c: {  	s25 =	simm.s32 $0x200;
	s0 =	simm.s32 $0x2;
	s5 =	simm.s32 $0x0  }
.LBB2_1:
0x1d: {  	s7 =	rddreg [dreg:$0x7]  }
0x1e: {  	s8 =	simm.s32 @p0 $0x1FC4;
	s9 =	rddreg [dreg:$0x8];
	s7 =	sshrl.u32 @p0 s7, $0x3  }
0x1f: {  	[spmem:s7], [sflag:s8] =	dma.local @p0 [hbm:s9], $0x2490  }
0x20: {  	s8 =	simm.s32 @p0 $0x4  }
0x21: {  	s9 =	stileid.u32;
	_ =	swait.ge @p0 [sflag:s8], $0x2490  }
0x22: {  	s9 =	sshll.u32 @!p0 s9, $0x6;
	[sflag:s8] =	ssyncset.done @p0 $0x0  }
0x23: {  	[sflag:s8] =	ssyncadd.s32 @p0 $0xFFFFDB70;
	s8 =	sor.u32 @!p0 $0x1C04, s9;
	s9 =	rddreg [dreg:$0x5]  }
0x24: {  	s10 =	rddreg [dreg:$0x6];
	s9 =	sshrl.u32 @!p0 s9, $0x3  }
0x25: {  	[spmem:s9], [sflag:s8] =	dma.local @!p0 [hbm:s10], $0x2C70  }
0x26: {  	s10 =	simm.s32 @!p0 $0x4  }
0x27: {  	_ =	swait.ge @!p0 [sflag:s10], $0x2C70  }
0x28: {  	[sflag:s10] =	ssyncset.done @!p0 $0x0  }
0x29: {  	[sflag:s10] =	ssyncadd.s32 @!p0 $0xFFFFD390  }
0x2a: {  	[bflag:$0x0] =	sbarrier.arrive $0xFFFF  }
0x2b: {  	s13 =	rddreg [dreg:$0x9]  }
0x2c: {  	[tilespmem:s3], [sflag:$0x1] =	stream.linear.gather [hbm4b:s13+s3], $0x40, $0x38;
	[tilespmem:$0x1F390] =	vst v63  }
0x2d: {  	s14 =	rddreg [dreg:$0xa]  }
0x2e: {  	[tilespmem:s25], [sflag:$0x1] =	stream.linear.gather [hbm4b:s14+s3], $0x40, $0x38;
	[tilespmem:$0x1F390] =	vst v63  }
0x2f: {  	s15 =	rddreg [dreg:$0xb]  }
0x30: {  	[tilespmem:s26], [sflag:$0x1] =	stream.linear.gather [hbm4b:s15+s3], $0x40, $0x38;
	[tilespmem:$0x1F390] =	vst v63  }
0x31: {  	s16 =	rddreg [dreg:$0xc];
	s13 =	simm.s32 $0x240  }
0x32: {  	[tilespmem:s13], [sflag:$0x1] =	stream.linear.gather [hbm4b:s16+s3], $0x40, $0x38;
	[tilespmem:$0x1F390] =	vst v63  }
0x33: {  	s17 =	rddreg [dreg:$0xd]  }
0x34: {  	[tilespmem:s29], [sflag:$0x1] =	stream.linear.gather [hbm4b:s17+s3], $0x40, $0x38;
	[tilespmem:$0x1F390] =	vst v63  }
0x35: {  	s24 =	simm.s32 $0x280;
	s23 =	rddreg [dreg:$0xe]  }
0x36: {  	[tilespmem:s24], [sflag:$0x1] =	stream.linear.gather [hbm4b:s23+s3], $0x40, $0x38;
	[tilespmem:$0x1F390] =	vst v63  }
0x37: {  	s13 =	rddreg [dreg:$0xf]  }
0x38: {  	[tilespmem:s31], [sflag:$0x1] =	stream.linear.gather [hbm4b:s13+s3], $0x40, $0x38;
	[tilespmem:$0x1F390] =	vst v63  }
0x39: {  	s14 =	simm.s32 $0x2C0  }
0x3a: {  	[tilespmem:s14], [sflag:$0x1] =	stream.linear.gather [hbm4b:s18+s3], $0x40, $0x38;
	[tilespmem:$0x1F390] =	vst v63  }
0x3b: {  	_ =	swait.ge [sflag:s1], $0x40  }
0x3c: {  	[sflag:s1] =	ssyncset.done $0x0  }
0x3d: {  	[sflag:s1] =	ssyncadd.s32 $0xFFFFFFC0  }
0x3e: {  	_ =	swait.ge [sflag:s1], $0x40  }
0x3f: {  	[sflag:s1] =	ssyncset.done $0x0  }
0x40: {  	[sflag:s1] =	ssyncadd.s32 $0xFFFFFFC0  }
0x41: {  	[tilespmem:s28], [sflag:$0x2] =	stream.indirect.gather [hbm4b:s4+s26], $0x90, s3, s26, $0xb8;
	[tilespmem:$0x1F390] =	vst v63  }
0x42: {  	_ =	swait.ge [sflag:s1], $0x40  }
0x43: {  	[sflag:s1] =	ssyncset.done $0x0  }
0x44: {  	[sflag:s1] =	ssyncadd.s32 $0xFFFFFFC0  }
0x45: {  	_ =	swait.ge [sflag:s1], $0x40  }
0x46: {  	[sflag:s1] =	ssyncset.done $0x0  }
0x47: {  	s15 =	simm.s32 $0x2800;
	[sflag:s1] =	ssyncadd.s32 $0xFFFFFFC0  }
0x48: {  	[tilespmem:s15], [sflag:$0x2] =	stream.indirect.gather [hbm4b:s4+s26], $0x90, s26, s26, $0xb8;
	[tilespmem:$0x1F390] =	vst v63  }
0x49: {  	_ =	swait.ge [sflag:s1], $0x40  }
0x4a: {  	[sflag:s1] =	ssyncset.done $0x0  }
0x4b: {  	[sflag:s1] =	ssyncadd.s32 $0xFFFFFFC0  }
0x4c: {  	_ =	swait.ge [sflag:s1], $0x40  }
0x4d: {  	[sflag:s1] =	ssyncset.done $0x0  }
0x4e: {  	s16 =	simm.s32 $0x4C00;
	[sflag:s1] =	ssyncadd.s32 $0xFFFFFFC0  }
0x4f: {  	[tilespmem:s16], [sflag:$0x2] =	stream.indirect.gather [hbm4b:s4+s26], $0x90, s29, s26, $0xb8;
	[tilespmem:$0x1F390] =	vst v63  }
0x50: {  	s17 =	simm.s32 $0x100  }
0x51: {  	[tilespmem:s17], [sflag:$0x1] =	stream.linear.gather [hbm4b:s21+s3], $0x40, $0x38;
	[tilespmem:$0x1F390] =	vst v63  }
0x52: {  	s23 =	simm.s32 $0x300  }
0x53: {  	[tilespmem:s23], [sflag:$0x1] =	stream.linear.gather [hbm4b:s22+s3], $0x40, $0x38;
	[tilespmem:$0x1F390] =	vst v63  }
0x54: {  	_ =	swait.ge [sflag:s1], $0x40  }
0x55: {  	[sflag:s1] =	ssyncset.done $0x0  }
0x56: {  	[sflag:s1] =	ssyncadd.s32 $0xFFFFFFC0  }
0x57: {  	_ =	swait.ge [sflag:s1], $0x40  }
0x58: {  	[sflag:s1] =	ssyncset.done $0x0  }
0x59: {  	s24 =	simm.s32 $0x7000;
	[sflag:s1] =	ssyncadd.s32 $0xFFFFFFC0  }
0x5a: {  	[tilespmem:s24], [sflag:$0x2] =	stream.indirect.gather [hbm4b:s4+s26], $0x90, s31, s26, $0xb8;
	[tilespmem:$0x1F390] =	vst v63  }
0x5b: {  	_ =	swait.ge [sflag:s0], $0x2400  }
0x5c: {  	s10 =	simm.s32 $0x140;
	s13 =	simm.s32 $0x4;
	[sflag:s0] =	ssyncset.done $0x0  }
0x5d: {  	s23 =	smov.u32 s12;
	s24 =	smov.u32 s11;
	[sflag:s0] =	ssyncadd.s32 $0xFFFFDC00  }
0x5e: {  	[spmem:s2] =	stream.indirect.scatter.add.f32 [tilespmem:s28], [sflag:$0x3], $0x90, s25, s26, $0xb8;
	[tilespmem:$0x1F390] =	vst v63  }
.LBB2_2:
0x5f: {  	_ =	swait.ge [sflag:s30], $0x2400;
	s14 =	sadd.s32 $0x1, s13  }
0x60: {  	[sflag:s30] =	ssyncset.done $0x0;
	p1 =	sge.u32 s14, s6  }
0x61: {  	[sflag:s30] =	ssyncadd.s32 $0xFFFFDC00;
	s15 =	sand.u32 @!p1 $0x1C0, s10;
	s16 =	simm.s32 @!p1 $0x0  }
0x62: {  	[tilespmem:s15], [sflag:$0x1] =	stream.linear.gather @!p1 [hbm4b:s23+s16], $0x40, $0x38;
	[tilespmem:$0x1F390] =	vst v63  }
0x63: {  	s15 =	sor.u32 @!p1 $0x200, s15  }
0x64: {  	[tilespmem:s15], [sflag:$0x1] =	stream.linear.gather @!p1 [hbm4b:s24+s16], $0x40, $0x38;
	[tilespmem:$0x1F390] =	vst v63  }
0x65: {  	p1 =	sge.u32 s13, s6  }
0x66: {  	s15 =	simm.s32 @!p1 $0x1  }
0x67: {  	_ =	swait.ge @!p1 [sflag:s15], $0x40  }
0x68: {  	[sflag:s15] =	ssyncset.done @!p1 $0x0  }
0x69: {  	s16 =	sand.u32 @!p1 $0x3, s13;
	[sflag:s15] =	ssyncadd.s32 @!p1 $0xFFFFFFC0  }
0x6a: {  	s16 =	smul.u32 @!p1 $0x9000, s16;
	_ =	swait.ge @!p1 [sflag:s15], $0x40  }
0x6b: {  	[sflag:s15] =	ssyncset.done @!p1 $0x0  }
0x6c: {  	[sflag:s15] =	ssyncadd.s32 @!p1 $0xFFFFFFC0;
	s15 =	sshrl.u32 @!p1 s16, $0x2;
	s16 =	sadd.s32 @!p1 $0xFFFFFFC0, s10  }
0x6d: {  	s17 =	simm.s32 @!p1 $0x40;
	s15 =	sadd.s32 @!p1 $0x400, s15;
	s16 =	sand.u32 @!p1 $0x1C0, s16  }
0x6e: {  	[tilespmem:s15], [sflag:$0x2] =	stream.indirect.gather @!p1 [hbm4b:s4+s17], $0x90, s16, s17, $0xb8;
	[tilespmem:$0x1F390] =	vst v63  }
0x6f: {  	_ =	swait.ge [sflag:s0], $0x2400  }
0x70: {  	s13 =	sadd.s32 $0xFFFFFFFD, s13;
	s17 =	rddreg [dreg:$0x3]  }
0x71: {  	s13 =	sand.u32 $0x3, s13;
	s17 =	sadd.s32 s14, s17  }
0x72: {  	s13 =	smul.u32 $0x9000, s13;
	p1 =	sne.s32 s17, $0x3  }
.Ltmp0:
0x73: {  	s23 =	sadd.s32 $0x8, s23;
	s16 =	sadd.s32 $0xFFFFFF00, s10;
	(pc) =	sbr.rel @p1 .LBB2_2-.Ltmp0, $4  }
0x74: {  	s13 =	sshrl.u32 s13, $0x2;
	s15 =	sand.u32 $0x1C0, s16;
	[sflag:s0] =	ssyncset.done $0x0  }
0x75: {  	s13 =	sadd.s32 $0x400, s13;
	s15 =	sor.u32 $0x200, s15;
	[sflag:s0] =	ssyncadd.s32 $0xFFFFDC00  }
0x76: {  	[spmem:s2] =	stream.indirect.scatter.add.f32 [tilespmem:s13], [sflag:$0x3], $0x90, s15, s26, $0xb8;
	[tilespmem:$0x1F390] =	vst v63  }
0x77: {  	s24 =	sadd.s32 $0x8, s24;
	s10 =	sadd.s32 $0x40, s10;
	s13 =	smov.u32 s14  }
0x78: {  	_ =	swait.ge [sflag:s30], $0x2400  }
0x79: {  	[sflag:s30] =	ssyncset.done $0x0  }
0x7a: {  	[sflag:s30] =	ssyncadd.s32 $0xFFFFDC00  }
0x7b: {  	s10 =	sadd.s32 @p0 $0x29A90, s19;
	s13 =	simm.s32 @p0 $0x1FC4;
	[bflag:$0x0] =	sbarrier.arrive $0xFFFF  }
0x7c: {  	[hbm:s10], [sflag:s13] =	dma.local @p0 [spmem:s7], $0x2490  }
0x7d: {  	s7 =	simm.s32 @p0 $0x4  }
0x7e: {  	_ =	swait.ge @p0 [sflag:s7], $0x2490  }
0x7f: {  	[sflag:s7] =	ssyncset.done @p0 $0x0  }
0x80: {  	s5 =	sadd.s32 $0x1, s5;
	[sflag:s7] =	ssyncadd.s32 @p0 $0xFFFFDB70;
	s7 =	rddreg [dreg:$0x4]  }
0x81: {  	p1 =	sne.s32 s5, s20;
	s7 =	sadd.s32 @!p0 s7, s19  }
0x82: {  	[hbm:s7], [sflag:s8] =	dma.local @!p0 [spmem:s9], $0x2C70  }
.Ltmp1:
0x83: {  	_ = 	snop;
	(pc) =	sbr.rel @p1 .LBB2_1-.Ltmp1, $4  }
0x84: {  	s7 =	simm.s32 @!p0 $0x4  }
0x85: {  	_ =	swait.ge @!p0 [sflag:s7], $0x2C70  }
0x86: {  	[sflag:s7] =	ssyncset.done @!p0 $0x0  }
0x87: {  	[sflag:s7] =	ssyncadd.s32 @!p0 $0xFFFFD390  }
0x88: {  	_ =	sfence.sel $0x180000  }
0x89: {  	[bflag:$0x0] =	sbarrier.arrive $0xFFFF  }
0x8a: {  	_ =	strace $0x9000004A  }
0x8b: {  	s0 =	stileid.u32;
	[bflag:$0x2] =	sbarrier.arrive $0xFFFF  }
0x8c: {  	p0 =	sne.s32 s0, $0x0;
	s0 =	rddreg [dreg:$0x2]  }
0x8d: {  	s0 =	sadd.s32 @!p0 $0x100000, s0  }
0x8e: {  	[sflag:s0] =	ssyncadd.tile.s32 @!p0 $0x1;
	_ =	shalt  }
.Lfunc_end2:
_tile_overlayer_lowered:
.L_overlay_start_2:
0x8f: {  	(tag) =	ssettag $0x2  }
0x90: {  	s0 =	rddreg [dreg:$0x0];
	s2 =	stileid.u32  }
0x91: {  	s1 =	rddreg [dreg:$0x1];
	p0 =	sne.s32 s2, $0x0  }
0x92: {  	s3 =	rddreg [dreg:$0x2];
	[bflag:$0x3] =	sbarrier.arrive $0xFFFF;
	s2 =	simm.s32 @!p0 $0x1C04  }
0x93: {  	[timem:s3], [sflag:s2] =	dma.local @!p0 [hbm:s0], s1  }
0x94: {  	s0 =	simm.s32 @!p0 $0x4  }
0x95: {  	_ =	swait.ge @!p0 [sflag:s0], s1  }
0x96: {  	s1 =	ssub.s32 @!p0 $0x0, s1;
	[sflag:s0] =	ssyncset.done @!p0 $0x0  }
0x97: {  	[sflag:s0] =	ssyncadd.s32 @!p0 s1  }
0x98: {  	[bflag:$0x3] =	sbarrier.arrive $0xFFFF  }
0x99: {  	_ =	shalt  }

// kernel: kernel.15.cloned.1.call-start
scs
__scs_entry_jumppad:
0x0: {  	(pc) =	sbr.rel $0x88, $3  }
0x1: {  	(tag) =	ssettag $0x0;
	lr =	simm.s32 $0x1  }
0x2: {  	[smem:$0x3F9C] =	sst lr;
	_ =	strace $0xD0000000  }
0x3: {  	_ = 	snop  }
0x4: {  	_ = 	snop  }
0x5: {  	_ = 	snop  }
0x6: {  	_ = 	snop  }
0x7: {  	_ = 	snop  }
__scs_overlays_trampoline_lowered:
0x8: {  	[smem:$0x3FAB] =	sst s0  }
0x9: {  	[smem:$0x3FAC] =	sst s1  }
0xa: {  	[smem:$0x3FAD] =	sst s2  }
0xb: {  	[smem:$0x3FAE] =	sst s3  }
0xc: {  	[smem:$0x3FAF] =	sst s4  }
0xd: {  	[smem:$0x3FB0] =	sst s5  }
0xe: {  	[smem:$0x3FB1] =	sst s6  }
0xf: {  	[smem:$0x3FB2] =	sst s7  }
0x10: {  	[smem:$0x3FB3] =	sst s8  }
0x11: {  	[smem:$0x3FB4] =	sst s9;
	s0 =	simm.s32 @!p0 $0x0  }
0x12: {  	s1 =	sld [smem:$0x3F9A];
	s0 =	simm.s32 @p0 $0x1  }
0x13: {  	[smem:$0x3FB5] =	sst s0;
	s0 =	simm.s32 @!p1 $0x0  }
0x14: {  	s2 =	sld [smem:$0x3F99];
	s0 =	simm.s32 @p1 $0x1  }
0x15: {  	[smem:$0x3FB6] =	sst s0;
	s0 =	simm.s32 @!p2 $0x0  }
0x16: {  	s3 =	sld [smem:$0x3FDB];
	s0 =	simm.s32 @p2 $0x1  }
0x17: {  	s4 =	simm.s32 $0x1BF5;
	[smem:$0x3FB8] =	sst s0  }
0x18: {  	s0 =	sld [smem:$0x3F9B];
	_ =	swait.ge [sflag:s4], $0x0  }
0x19: {  	s7 =	sld [smem:$0x3F9C]  }
0x1a: {  	s8 =	sadd.s32 $0xFFFFE003, lr  }
0x1b: {  	s9 =	sadd.s32 $0xFFFFFEF7, lr;
	s5 =	simm.s32 $0xFFFFFFFF;
	p2 =	slt.u32 s8, $0xFFFFF086  }
0x1c: {  	p1 =	slt.u32 s9, $0xF7A;
	s5 =	simm.s32 @!p2 $0x0  }
0x1d: {  	s5 =	simm.s32 @p1 $0x1;
	p0 =	seq.s32 s7, s2  }
0x1e: {  	s7 =	smul.u32 @!p0 $0xF7A, s2;
	p2 =	seq.s32 @!p0 s5, $0x0  }
0x1f: {  	s9 =	smul.u32 $0xF7A, s1;
	s8 =	simm.s32 @!p0 $0x1BF5;
	p2 =	por !p2, p0  }
0x20: {  	[sflag:s8] =	ssyncset.s32 @!p0 $0xFFFFF086;
	s6 =	sadd.s32 @!p0 s3, s7;
	s7 =	simm.s32 @!p0 $0x108  }
0x21: {  	s3 =	sadd.s32 s3, s9;
	s6 =	sadd.s32 @!p0 $0x88, s6;
	s7 =	simm.s32 @p2 $0x1082  }
0x22: {  	[simem:s7], [sflag:s8] =	dma.local @!p0 [hbm:s6], $0xF7A  }
0x23: {  	s9 =	sor.u32 $0xD0000000, s2;
	s6 =	simm.s32 $0x108;
	_ =	swait.ge @!p0 [sflag:s8], $0x0  }
0x24: {  	s3 =	sadd.s32 $0x88, s3;
	s6 =	simm.s32 @!p1 $0x1082;
	[sflag:s4] =	ssyncset.s32 $0xFFFFF086  }
0x25: {  	[simem:s6], [sflag:s4] =	dma.local [hbm:s3], $0xF7A  }
0x26: {  	[smem:$0x3F9C] =	sst s1;
	(tag) =	ssettag s2;
	_ =	strace s9  }
0x27: {  	s1 =	sld [smem:$0x3FAC]  }
0x28: {  	s2 =	sld [smem:$0x3FAD]  }
0x29: {  	s4 =	sld [smem:$0x3FAF]  }
0x2a: {  	p0 =	seq.s32 s5, $0x0;
	s5 =	sld [smem:$0x3FB0]  }
0x2b: {  	s6 =	sld [smem:$0x3FB1]  }
0x2c: {  	s7 =	sld [smem:$0x3FB2]  }
0x2d: {  	s3 =	simm.s32 $0x108;
	s8 =	sld [smem:$0x3FB3]  }
0x2e: {  	s3 =	simm.s32 @!p0 $0x1082;
	s9 =	sld [smem:$0x3FB4]  }
0x2f: {  	lr =	sadd.s32 s0, s3;
	s0 =	sld [smem:$0x3FAB]  }
0x30: {  	s3 =	sld [smem:$0x3FAE]  }
0x31: {  	[smem:$0x3FB7] =	sst s10  }
0x32: {  	s10 =	sld [smem:$0x3FB5];
	_ =	sdelay $0x3  }
0x33: {  	p0 =	seq.s32 s10, $0x1;
	s10 =	sld [smem:$0x3FB7];
	_ =	sdelay $0x3  }
0x34: {  	[smem:$0x3FB7] =	sst s10  }
0x35: {  	s10 =	sld [smem:$0x3FB6];
	_ =	sdelay $0x3  }
0x36: {  	p1 =	seq.s32 s10, $0x1;
	s10 =	sld [smem:$0x3FB7];
	_ =	sdelay $0x3  }
0x37: {  	[smem:$0x3FB7] =	sst s10  }
0x38: {  	s10 =	sld [smem:$0x3FB8]  }
0x39: {  	_ = 	snop;
	(pc) =	sbr.ind lr, $3  }
0x3a: {  	_ = 	snop  }
0x3b: {  	_ = 	snop  }
0x3c: {  	p2 =	seq.s32 s10, $0x1;
	s10 =	sld [smem:$0x3FB7]  }
0x3d: {  	_ =	shalt  }
0x3e: {  	_ =	shalt  }
0x3f: {  	_ =	shalt  }
0x40: {  	_ =	shalt  }
0x41: {  	_ =	shalt  }
0x42: {  	_ =	shalt  }
0x43: {  	_ =	shalt  }
0x44: {  	_ =	shalt  }
0x45: {  	_ =	shalt  }
0x46: {  	_ =	shalt  }
0x47: {  	_ =	shalt  }
0x48: {  	_ =	shalt  }
0x49: {  	_ =	shalt  }
0x4a: {  	_ =	shalt  }
0x4b: {  	_ =	shalt  }
0x4c: {  	_ =	shalt  }
0x4d: {  	_ =	shalt  }
0x4e: {  	_ =	shalt  }
0x4f: {  	_ =	shalt  }
0x50: {  	_ =	shalt  }
0x51: {  	_ =	shalt  }
0x52: {  	_ =	shalt  }
0x53: {  	_ =	shalt  }
0x54: {  	_ =	shalt  }
0x55: {  	_ =	shalt  }
0x56: {  	_ =	shalt  }
0x57: {  	_ =	shalt  }
0x58: {  	_ =	shalt  }
0x59: {  	_ =	shalt  }
0x5a: {  	_ =	shalt  }
0x5b: {  	_ =	shalt  }
0x5c: {  	_ =	shalt  }
0x5d: {  	_ =	shalt  }
0x5e: {  	_ =	shalt  }
0x5f: {  	_ =	shalt  }
0x60: {  	_ =	shalt  }
0x61: {  	_ =	shalt  }
0x62: {  	_ =	shalt  }
0x63: {  	_ =	shalt  }
0x64: {  	_ =	shalt  }
0x65: {  	_ =	shalt  }
0x66: {  	_ =	shalt  }
0x67: {  	_ =	shalt  }
0x68: {  	_ =	shalt  }
0x69: {  	_ =	shalt  }
0x6a: {  	_ =	shalt  }
0x6b: {  	_ =	shalt  }
0x6c: {  	_ =	shalt  }
0x6d: {  	_ =	shalt  }
0x6e: {  	_ =	shalt  }
0x6f: {  	_ =	shalt  }
0x70: {  	_ =	shalt  }
0x71: {  	_ =	shalt  }
0x72: {  	_ =	shalt  }
0x73: {  	_ =	shalt  }
0x74: {  	_ =	shalt  }
0x75: {  	_ =	shalt  }
0x76: {  	_ =	shalt  }
0x77: {  	_ =	shalt  }
0x78: {  	_ =	shalt  }
0x79: {  	_ =	shalt  }
0x7a: {  	_ =	shalt  }
0x7b: {  	_ =	shalt  }
0x7c: {  	_ =	shalt  }
0x7d: {  	_ =	shalt  }
0x7e: {  	_ =	shalt  }
0x7f: {  	_ =	shalt  }
0x80: {  	_ =	shalt  }
0x81: {  	_ =	shalt  }
0x82: {  	_ =	shalt  }
0x83: {  	_ =	shalt  }
0x84: {  	_ =	shalt  }
0x85: {  	_ =	shalt  }
0x86: {  	_ =	shalt  }
0x87: {  	_ =	shalt  }
.Lfunc_end0:
.L_simem_size_0:
called_computation.2_lowered:
.L_overlay_start_0:
0x88: {  	s2 =	sld [smem:$0x3FD9]  }
0x89: {  	s3 =	sld [smem:$0x3FFE];
	_ =	sdelay $0x1  }
0x8a: {  	s1 =	srdreg.scid  }
0x8b: {  	s0 =	sand.u32 $0x1, s1  }
0x8c: {  	s17 =	sshll.u32 s0, $0xA;
	s2 =	sadd.s32 s3, s2  }
0x8d: {  	s2 =	sadd.s32 s2, s17  }
0x8e: {  	[smem:$0x3FC3] =	sst s2  }
0x8f: {  	_ = 	snop  }
0x90: {  	s2 =	sld [smem:$0x3FD0];
	(tm) =	ssettm $0x1  }
0x91: {  	s18 =	sld [smem:$0x3FFB];
	_ =	sdelay $0x3  }
0x92: {  	_ =	strace s18  }
0x93: {  	s3 =	sld [smem:$0x3FFC];
	_ =	sdelay $0x3  }
0x94: {  	_ =	strace s3  }
0x95: {  	s3 =	sld [smem:$0x3FFD];
	_ =	sdelay $0x3  }
0x96: {  	_ =	strace s3  }
0x97: {  	_ =	strace $0x8FFFFFFF  }
0x98: {  	s19 =	sld [smem:$0x3FDB];
	_ =	sdelay $0x1  }
0x99: {  	s4 =	simm.s32 $_scs_section_size  }
0x9a: {  	s5 =	simm.s32 $_size__tile_overlayer_lowered;
	s6 =	simm.s32 $_tile_overlayer_lowered  }
0x9b: {  	s22 =	simm.s32 $0x1BFF;
	s21 =	sshll.u32 s6, $0x1;
	s3 =	sadd.s32 s4, s19  }
0x9c: {  	s7 =	simm.s32 $0x0;
	s20 =	sshll.u32 s5, $0x1;
	s5 =	sadd.s32 s21, s3  }
0x9d: {  	[timem:s7], [sflag:s22] =	dma.local [hbm:s5], s20  }
0x9e: {  	_ =	swait.ge [sflag:s22], s20  }
0x9f: {  	s4 =	ssub.s32 $0x0, s20;
	[sflag:s22] =	ssyncset.done $0x0  }
0xa0: {  	[sflag:s22] =	ssyncadd.s32 s4;
	_ =	sdelay $0x1  }
0xa1: {  	s23 =	simm.s32 $0x1B8B  }
0xa2: {  	_ =	swait.ge [sflag:s23], $0x1  }
0xa3: {  	[sflag:s23] =	ssyncset.done $0x0  }
0xa4: {  	s25 =	simm.s32 $0x1B8E;
	s24 =	sld [smem:$0x3FFE];
	[sflag:s23] =	ssyncadd.s32 $0xFFFFFFFF  }
0xa5: {  	s26 =	simm.s32 $execute0_lowered;
	[smem:$0x3FD2] =	sst s25  }
0xa6: {  	s5 =	sshll.u32 s26, $0x1;
	_ =	strace $0x8000004C;
	[dreg:$0x1] =	wrdreg $0xFFFFFFFF  }
0xa7: {  	s28 =	simm.s32 $_size_execute0_lowered;
	s3 =	sadd.s32 s3, s5;
	[dreg:$0x0] =	wrdreg $0x0  }
0xa8: {  	s5 =	sshll.u32 s28, $0x1;
	[dreg:$0x2] =	wrdreg s3  }
0xa9: {  	[dreg:$0x3] =	wrdreg s5  }
0xaa: {  	[dreg:$0x4] =	wrdreg $0xC0  }
0xab: {  	_ =	task [dreg:s7], $0x5FFFF  }
0xac: {  	[dreg:$0x1] =	wrdreg $0xFFFFFFFF  }
0xad: {  	[dreg:$0x0] =	wrdreg $0x60  }
0xae: {  	[dreg:$0x2] =	wrdreg s24  }
0xaf: {  	[dreg:$0x3] =	wrdreg s2  }
0xb0: {  	[dreg:$0x4] =	wrdreg $0xC4000  }
0xb1: {  	[dreg:$0x5] =	wrdreg $0x9  }
0xb2: {  	_ =	task.clear_ibuf [dreg:s7], $0x6FFFF;
	_ =	strace $0x9000004C  }
0xb3: {  	s29 =	simm.s32 $0x9;
	_ =	strace $0x8000004E  }
0xb4: {  	_ =	swait.ge [sflag:s29], $0x1  }
0xb5: {  	[sflag:s29] =	ssyncadd.s32 $0xFFFFFFFF  }
0xb6: {  	_ =	strace $0x9000004E  }
0xb7: {  	_ =	sfence  }
0xb8: {  	s30 =	sld [smem:$0x0];
	_ =	sdelay $0x2  }
0xb9: {  	s31 =	sshll.u32 s1, $0xD;
	s1 =	sshrl.u32 s1, $0x2  }
0xba: {  	s3 =	sand.u32 $0x4000, s31;
	s1 =	sadd.s32 s1, s30  }
0xbb: {  	s0 =	sor.u32 s3, s0;
	s1 =	sshll.u32 s1, $0x11  }
0xbc: {  	s0 =	sor.u32 s1, s0  }
0xbd: {  	s0 =	sadd.s32 $0x8F2B, s0  }
0xbe: {  	[sflag:s0] =	ssyncadd.remote.s32 $0x1  }
0xbf: {  	_ =	sfence.sel $0xFFFF  }
0xc0: {  	[dreg:$0x0] =	wrdreg $0xFFFFFFFF;
	(pc) =	sbr.abs _section_cstart, $3  }
0xc1: {  	[dreg:$0x1] =	wrdreg $0xFFFFFFFF  }
0xc2: {  	_ =	task.clear_ibuf [dreg:s7], $0x2FFFF;
	_ =	strace $0x9FFFFFFF  }
0xc3: {  	(tm) =	ssettm $0x7FFFFFFF  }
tec
execute0_lowered:
.L_overlay_start_1:
0x0: {  	(tag) =	ssettag $0x1  }
0x1: {  	s0 =	rddreg [dreg:$0x0]  }
0x2: {  	s2 =	rddreg [dreg:$0x1]  }
0x3: {  	s3 =	rddreg [dreg:$0x2];
	s4 =	simm.s32 $0x0  }
0x4: {  	s14 =	stileid.u32;
	s6 =	srdreg.scid;
	s29 =	simm.s32 $0x2  }
0x5: {  	s31 =	simm.s32 $0x0;
	[smem:$0x7FF] =	sst s4;
	s1 =	smul.u32 $0x13C00, s14  }
0x6: {  	s5 =	sadd.s32 $0xC000, s0;
	s7 =	sadd.s32 $0x2200, s0;
	s18 =	smul.u32 $0x4E, s14  }
0x7: {  	s8 =	sand.u32 $0x1, s6;
	s19 =	sadd.s32 $0x128400, s3;
	_ =	strace $0x8000004D  }
0x8: {  	s6 =	smul.u32 $0x27100, s8;
	s9 =	ssub.s32 $0x2, s8;
	s10 =	sshll.u32 s8, $0x4  }
0x9: {  	s8 =	smul.u32 $0x4E0, s8;
	[dreg:$0x7] =	wrdreg s19;
	s11 =	sshrl.u32 s1, $0x3  }
0xa: {  	s12 =	sshrl.u32 s9, $0x1;
	s10 =	sor.u32 s14, s10;
	s1 =	sadd.s32 s1, s3  }
0xb: {  	[dreg:$0x4] =	wrdreg s11;
	s11 =	sadd.s32 s11, s0;
	s13 =	sadd.s32 s6, s0  }
0xc: {  	s9 =	ssub.s32 s9, s12;
	s16 =	smul.u32 $0x4E, s10;
	p0 =	slt.u32 s10, $0x4  }
0xd: {  	s10 =	smin.u32 s10, $0x4;
	s6 =	simm.s32 $0x4F;
	[dreg:$0x5] =	wrdreg s1  }
0xe: {  	s0 =	sadd.s32 $0x3AE80, s0;
	s1 =	sadd.s32 s18, s8;
	s6 =	simm.s32 @!p0 $0x4E  }
0xf: {  	s17 =	sadd.s32 $0x15E00, s11;
	[dreg:$0x8] =	wrdreg s0;
	s1 =	sadd.s32 s10, s1  }
0x10: {  	s30 =	smax.u32 s9, $0x1;
	p0 =	seq.s32 s14, $0xF;
	s12 =	sadd.s32 s10, s16  }
0x11: {  	[dreg:$0x6] =	wrdreg s17;
	s1 =	sshll.u32 s1, $0x4;
	s20 =	sshll.u32 s12, $0x4  }
0x12: {  	s17 =	sadd.s32 $0x3D000, s13;
	[dreg:$0xf] =	wrdreg s30;
	s21 =	sadd.s32 s5, s20  }
0x13: {  	s22 =	sadd.s32 $0x10, s20;
	s23 =	sadd.s32 s7, s20;
	[dreg:$0x9] =	wrdreg s21  }
0x14: {  	s28 =	sadd.s32 $0x30, s1;
	[dreg:$0xa] =	wrdreg s23;
	s24 =	sadd.s32 s5, s22  }
0x15: {  	s0 =	sadd.s32 $0x20, s20;
	s25 =	sadd.s32 s7, s22;
	[dreg:$0xb] =	wrdreg s24  }
0x16: {  	s19 =	sadd.s32 s28, s5;
	s26 =	sadd.s32 s5, s0;
	[dreg:$0xc] =	wrdreg s25  }
0x17: {  	s20 =	sadd.s32 s28, s7;
	s0 =	sadd.s32 s7, s0;
	[dreg:$0xd] =	wrdreg s26  }
0x18: {  	s22 =	simm.s32 $0x80;
	[dreg:$0xe] =	wrdreg s0;
	s26 =	simm.s32 $0x1  }
.LBB2_1:
0x19: {  	s0 =	rddreg [dreg:$0x7]  }
0x1a: {  	s23 =	simm.s32 @p0 $0x1FC4;
	s1 =	rddreg [dreg:$0x8];
	s0 =	sshrl.u32 @p0 s0, $0x3  }
0x1b: {  	[spmem:s0], [sflag:s23] =	dma.local @p0 [hbm:s1], $0x2080  }
0x1c: {  	s5 =	stileid.u32;
	s1 =	simm.s32 @p0 $0x4  }
0x1d: {  	s21 =	simm.s32 @!p0 $0x4;
	s5 =	sshll.u32 @!p0 s5, $0x6;
	_ =	swait.ge @p0 [sflag:s1], $0x2080  }
0x1e: {  	s24 =	sor.u32 @!p0 $0x1C04, s5;
	[sflag:s1] =	ssyncset.done @p0 $0x0;
	s5 =	rddreg [dreg:$0x5]  }
0x1f: {  	[sflag:s1] =	ssyncadd.s32 @p0 $0xFFFFDF80;
	s25 =	sshrl.u32 @!p0 s5, $0x3;
	s5 =	rddreg [dreg:$0x6]  }
0x20: {  	[spmem:s25], [sflag:s24] =	dma.local @!p0 [hbm:s5], $0x2780  }
0x21: {  	_ =	swait.ge @!p0 [sflag:s21], $0x2780  }
0x22: {  	[sflag:s21] =	ssyncset.done @!p0 $0x0  }
0x23: {  	[sflag:s21] =	ssyncadd.s32 @!p0 $0xFFFFD880  }
0x24: {  	[bflag:$0x0] =	sbarrier.arrive $0xFFFF  }
0x25: {  	s18 =	rddreg [dreg:$0x9]  }
0x26: {  	[tilespmem:s4], [sflag:$0x1] =	stream.linear.gather [hbm4b:s18+s4], $0x80, $0x38;
	[tilespmem:$0x1FC80] =	vst v63  }
0x27: {  	s7 =	simm.s32 $0x200;
	s30 =	rddreg [dreg:$0xa]  }
0x28: {  	[tilespmem:s7], [sflag:$0x1] =	stream.linear.gather [hbm4b:s30+s4], $0x80, $0x38;
	[tilespmem:$0x1FC80] =	vst v63  }
0x29: {  	s7 =	rddreg [dreg:$0xb]  }
0x2a: {  	[tilespmem:s22], [sflag:$0x1] =	stream.linear.gather [hbm4b:s7+s4], $0x80, $0x38;
	[tilespmem:$0x1FC80] =	vst v63  }
0x2b: {  	s9 =	simm.s32 $0x280;
	s8 =	rddreg [dreg:$0xc]  }
0x2c: {  	[tilespmem:s9], [sflag:$0x1] =	stream.linear.gather [hbm4b:s8+s4], $0x80, $0x38;
	[tilespmem:$0x1FC80] =	vst v63  }
0x2d: {  	s11 =	simm.s32 $0x100;
	s10 =	rddreg [dreg:$0xd]  }
0x2e: {  	[tilespmem:s11], [sflag:$0x1] =	stream.linear.gather [hbm4b:s10+s4], $0x80, $0x38;
	[tilespmem:$0x1FC80] =	vst v63  }
0x2f: {  	s13 =	simm.s32 $0x300;
	s12 =	rddreg [dreg:$0xe]  }
0x30: {  	[tilespmem:s13], [sflag:$0x1] =	stream.linear.gather [hbm4b:s12+s4], $0x80, $0x38;
	[tilespmem:$0x1FC80] =	vst v63  }
0x31: {  	_ =	swait.ge [sflag:s26], $0x80  }
0x32: {  	[sflag:s26] =	ssyncset.done $0x0  }
0x33: {  	[sflag:s26] =	ssyncadd.s32 $0xFFFFFF80  }
0x34: {  	_ =	swait.ge [sflag:s26], $0x80  }
0x35: {  	[sflag:s26] =	ssyncset.done $0x0  }
0x36: {  	s14 =	simm.s32 $0x400;
	[sflag:s26] =	ssyncadd.s32 $0xFFFFFF80  }
0x37: {  	[tilespmem:s14], [sflag:$0x2] =	stream.indirect.gather [hbm4b:s2+s22], $0x80, s4, s22, $0xb8;
	[tilespmem:$0x1FC80] =	vst v63  }
0x38: {  	_ =	swait.ge [sflag:s26], $0x80  }
0x39: {  	s15 =	simm.s32 $0x4400;
	[sflag:s26] =	ssyncset.done $0x0  }
0x3a: {  	p1 =	por $0x1, $0x1;
	p3 =	sle.u32 s6, $0x3;
	[sflag:s26] =	ssyncadd.s32 $0xFFFFFF80  }
0x3b: {  	s28 =	simm.s32 $0x1;
	p2 =	sle.u32 s6, $0x2;
	_ =	swait.ge [sflag:s26], $0x80  }
0x3c: {  	s5 =	simm.s32 @!p1 $0x3;
	s30 =	sand.u32 $0x180, s4;
	[sflag:s26] =	ssyncset.done $0x0  }
0x3d: {  	s7 =	simm.s32 @!p3 $0x180;
	s8 =	smulhi.u32 $0xAAAAAAAB, s29;
	[sflag:s26] =	ssyncadd.s32 $0xFFFFFF80  }
0x3e: {  	[tilespmem:s15], [sflag:$0x2] =	stream.indirect.gather [hbm4b:s2+s22], $0x80, s22, s22, $0xb8;
	[tilespmem:$0x1FC80] =	vst v63  }
0x3f: {  	s9 =	simm.s32 @!p2 $0x1;
	s16 =	sshrl.u32 s8, $0x1;
	_ =	swait.ge @!p1 [sflag:s5], $0x4000  }
0x40: {  	s8 =	simm.s32 @!p2 $0x100;
	s10 =	smul.u32 $0xFFFD0000, s16;
	[sflag:s5] =	ssyncset.done @!p1 $0x0  }
0x41: {  	[sflag:s5] =	ssyncadd.s32 @!p1 $0xFFFFC000;
	s5 =	sand.u32 @!p3 $0x180, s7;
	s7 =	simm.s32 @!p3 $0x0  }
0x42: {  	[tilespmem:s5], [sflag:$0x1] =	stream.linear.gather @!p3 [hbm4b:s19+s7], $0x80, $0x38;
	[tilespmem:$0x1FC80] =	vst v63  }
0x43: {  	s11 =	sand.u32 @!p2 $0x180, s8;
	s12 =	smulhi.u32 $0xAAAAAAAB, s4;
	s5 =	sor.u32 @!p3 $0x200, s5  }
0x44: {  	[tilespmem:s5], [sflag:$0x1] =	stream.linear.gather @!p3 [hbm4b:s20+s7], $0x80, $0x38;
	[tilespmem:$0x1FC80] =	vst v63  }
0x45: {  	s8 =	sadd.s32 $0x10, s20;
	s12 =	sshrl.u32 s12, $0x1;
	_ =	swait.ge @!p2 [sflag:s9], $0x80  }
0x46: {  	s10 =	sshra.s32 s10, $0x2;
	s12 =	smul.u32 $0xFFFD0000, s12;
	[sflag:s9] =	ssyncset.done @!p2 $0x0  }
0x47: {  	s13 =	simm.s32 @!p2 $0x80;
	s10 =	sadd.s32 $0x8400, s10;
	[sflag:s9] =	ssyncadd.s32 @!p2 $0xFFFFFF80  }
0x48: {  	s18 =	sshra.s32 s12, $0x2;
	p1 =	sne.s32 s6, $0x1;
	_ =	swait.ge @!p2 [sflag:s9], $0x80  }
.Ltmp0:
0x49: {  	s14 =	sor.u32 $0x200, s30;
	[sflag:s9] =	ssyncset.done @!p2 $0x0;
	(pc) =	sbr.rel @!p1 .LBB2_3-.Ltmp0, $4  }
0x4a: {  	s5 =	simm.s32 $0x4400;
	s7 =	sadd.s32 $0x10, s19;
	[sflag:s9] =	ssyncadd.s32 @!p2 $0xFFFFFF80  }
0x4b: {  	[tilespmem:s10], [sflag:$0x2] =	stream.indirect.gather @!p2 [hbm4b:s2+s13], $0x80, s11, s13, $0xb8;
	[tilespmem:$0x1FC80] =	vst v63  }
0x4c: {  	s9 =	simm.s32 $0xC400;
	s10 =	simm.s32 $0x3;
	_ =	swait.ge [sflag:s29], $0x4000  }
0x4d: {  	s13 =	sadd.s32 $0x400, s18;
	s11 =	simm.s32 $0x0;
	[sflag:s29] =	ssyncset.done $0x0  }
.LBB2_2:
0x4e: {  	[sflag:s29] =	ssyncadd.s32 $0xFFFFC000;
	s11 =	sadd.s32 $0x80, s11;
	s15 =	smov.u32 s28  }
0x4f: {  	s28 =	sadd.s32 $0x1, s28;
	s12 =	smov.u32 s5;
	s16 =	smov.u32 s9  }
0x50: {  	[spmem:s3] =	stream.indirect.scatter.add.f32 [tilespmem:s13], [sflag:$0x3], $0x80, s14, s22, $0xb8;
	[tilespmem:$0x1FC80] =	vst v63  }
0x51: {  	p1 =	sne.s32 s28, s6  }
0x52: {  	p2 =	seq.s32 s11, $0x0  }
0x53: {  	s5 =	sadd.s32 $0x4000, s5;
	s14 =	sadd.s32 $0x3, s15;
	s13 =	simm.s32 @!p2 $0x3  }
0x54: {  	s30 =	smulhi.u32 $0xAAAAAAAB, s10;
	p3 =	sge.u32 s14, s6;
	_ =	swait.ge @!p2 [sflag:s13], $0x4000  }
0x55: {  	s18 =	sadd.s32 $0x2, s15;
	s14 =	sadd.s32 @!p3 $0x180, s11;
	[sflag:s13] =	ssyncset.done @!p2 $0x0  }
0x56: {  	[sflag:s13] =	ssyncadd.s32 @!p2 $0xFFFFC000;
	s13 =	sand.u32 @!p3 $0x180, s14;
	s14 =	simm.s32 @!p3 $0x0  }
0x57: {  	[tilespmem:s13], [sflag:$0x1] =	stream.linear.gather @!p3 [hbm4b:s7+s14], $0x80, $0x38;
	[tilespmem:$0x1FC80] =	vst v63  }
0x58: {  	s15 =	smulhi.u32 $0xAAAAAAAB, s15;
	p2 =	sge.u32 s18, s6;
	s13 =	sor.u32 @!p3 $0x200, s13  }
0x59: {  	[tilespmem:s13], [sflag:$0x1] =	stream.linear.gather @!p3 [hbm4b:s8+s14], $0x80, $0x38;
	[tilespmem:$0x1FC80] =	vst v63  }
0x5a: {  	s18 =	sadd.s32 @!p2 $0x100, s11;
	s13 =	sshrl.u32 s30, $0x1;
	s14 =	simm.s32 @!p2 $0x1  }
0x5b: {  	s18 =	sand.u32 @!p2 $0x180, s18;
	s13 =	smul.u32 $0xFFFD0000, s13;
	_ =	swait.ge @!p2 [sflag:s14], $0x80  }
0x5c: {  	s7 =	sadd.s32 $0x10, s7;
	s8 =	sadd.s32 $0x10, s8;
	[sflag:s14] =	ssyncset.done @!p2 $0x0  }
0x5d: {  	s9 =	sadd.s32 $0x4000, s9;
	s13 =	sshra.s32 s13, $0x2;
	[sflag:s14] =	ssyncadd.s32 @!p2 $0xFFFFFF80  }
0x5e: {  	s10 =	sadd.s32 $0x1, s10;
	s15 =	sshrl.u32 s15, $0x1;
	_ =	swait.ge @!p2 [sflag:s14], $0x80  }
.Ltmp1:
0x5f: {  	s30 =	simm.s32 @!p2 $0x80;
	[sflag:s14] =	ssyncset.done @!p2 $0x0;
	(pc) =	sbr.rel @p1 .LBB2_2-.Ltmp1, $4  }
0x60: {  	s15 =	smul.u32 $0xFFFD0000, s15;
	s13 =	sadd.s32 s13, s16;
	[sflag:s14] =	ssyncadd.s32 @!p2 $0xFFFFFF80  }
0x61: {  	[tilespmem:s13], [sflag:$0x2] =	stream.indirect.gather @!p2 [hbm4b:s2+s30], $0x80, s18, s30, $0xb8;
	[tilespmem:$0x1FC80] =	vst v63  }
0x62: {  	s14 =	sand.u32 $0x180, s11;
	s13 =	sshra.s32 s15, $0x2;
	_ =	swait.ge [sflag:s29], $0x4000  }
0x63: {  	s14 =	sor.u32 $0x200, s14;
	s13 =	sadd.s32 s13, s12;
	[sflag:s29] =	ssyncset.done $0x0  }
.LBB2_3:
0x64: {  	[sflag:s29] =	ssyncadd.s32 $0xFFFFC000;
	s5 =	simm.s32 $0x3  }
0x65: {  	[spmem:s3] =	stream.indirect.scatter.add.f32 [tilespmem:s13], [sflag:$0x3], $0x80, s14, s22, $0xb8;
	[tilespmem:$0x1FC80] =	vst v63  }
0x66: {  	_ =	swait.ge [sflag:s5], $0x4000  }
0x67: {  	[sflag:s5] =	ssyncset.done $0x0  }
0x68: {  	[sflag:s5] =	ssyncadd.s32 $0xFFFFC000  }
0x69: {  	s5 =	sadd.s32 @p0 $0x25080, s17;
	[bflag:$0x0] =	sbarrier.arrive $0xFFFF  }
0x6a: {  	[hbm:s5], [sflag:s23] =	dma.local @p0 [spmem:s0], $0x2080  }
0x6b: {  	_ =	swait.ge @p0 [sflag:s1], $0x2080  }
0x6c: {  	[sflag:s1] =	ssyncset.done @p0 $0x0;
	s0 =	rddreg [dreg:$0x4]  }
0x6d: {  	[sflag:s1] =	ssyncadd.s32 @p0 $0xFFFFDF80;
	s0 =	sadd.s32 @!p0 s0, s17  }
0x6e: {  	[hbm:s0], [sflag:s24] =	dma.local @!p0 [spmem:s25], $0x2780  }
0x6f: {  	_ =	swait.ge @!p0 [sflag:s21], $0x2780  }
0x70: {  	s31 =	sadd.s32 $0x1, s31;
	s30 =	rddreg [dreg:$0xf]  }
0x71: {  	p1 =	sne.s32 s31, s30  }
.Ltmp2:
0x72: {  	_ = 	snop;
	(pc) =	sbr.rel @p1 .LBB2_1-.Ltmp2, $3  }
0x73: {  	_ =	sdelay $0x1  }
0x74: {  	[sflag:s21] =	ssyncset.done @!p0 $0x0  }
0x75: {  	[sflag:s21] =	ssyncadd.s32 @!p0 $0xFFFFD880  }
0x76: {  	_ =	sfence.sel $0x180000  }
0x77: {  	[bflag:$0x0] =	sbarrier.arrive $0xFFFF  }
0x78: {  	_ =	strace $0x9000004D  }
0x79: {  	s0 =	stileid.u32;
	[bflag:$0x2] =	sbarrier.arrive $0xFFFF  }
0x7a: {  	p0 =	sne.s32 s0, $0x0;
	s0 =	rddreg [dreg:$0x3]  }
0x7b: {  	s0 =	sadd.s32 @!p0 $0x100000, s0  }
0x7c: {  	[sflag:s0] =	ssyncadd.tile.s32 @!p0 $0x1;
	_ =	shalt  }
.Lfunc_end2:
_tile_overlayer_lowered:
.L_overlay_start_2:
0x7d: {  	(tag) =	ssettag $0x2  }
0x7e: {  	s0 =	rddreg [dreg:$0x0];
	s2 =	stileid.u32  }
0x7f: {  	s1 =	rddreg [dreg:$0x1];
	p0 =	sne.s32 s2, $0x0  }
0x80: {  	s3 =	rddreg [dreg:$0x2];
	[bflag:$0x3] =	sbarrier.arrive $0xFFFF;
	s2 =	simm.s32 @!p0 $0x1C04  }
0x81: {  	[timem:s3], [sflag:s2] =	dma.local @!p0 [hbm:s0], s1  }
0x82: {  	s0 =	simm.s32 @!p0 $0x4  }
0x83: {  	_ =	swait.ge @!p0 [sflag:s0], s1  }
0x84: {  	s1 =	ssub.s32 @!p0 $0x0, s1;
	[sflag:s0] =	ssyncset.done @!p0 $0x0  }
0x85: {  	[sflag:s0] =	ssyncadd.s32 @!p0 s1  }
0x86: {  	[bflag:$0x3] =	sbarrier.arrive $0xFFFF  }
0x87: {  	_ =	shalt  }

// kernel: kernel.9.cloned.1.call-start
scs
__scs_entry_jumppad:
0x0: {  	(pc) =	sbr.rel $0x88, $3  }
0x1: {  	(tag) =	ssettag $0x0;
	lr =	simm.s32 $0x1  }
0x2: {  	[smem:$0x3F9C] =	sst lr;
	_ =	strace $0xD0000000  }
0x3: {  	_ = 	snop  }
0x4: {  	_ = 	snop  }
0x5: {  	_ = 	snop  }
0x6: {  	_ = 	snop  }
0x7: {  	_ = 	snop  }
__scs_overlays_trampoline_lowered:
0x8: {  	[smem:$0x3FAB] =	sst s0  }
0x9: {  	[smem:$0x3FAC] =	sst s1  }
0xa: {  	[smem:$0x3FAD] =	sst s2  }
0xb: {  	[smem:$0x3FAE] =	sst s3  }
0xc: {  	[smem:$0x3FAF] =	sst s4  }
0xd: {  	[smem:$0x3FB0] =	sst s5  }
0xe: {  	[smem:$0x3FB1] =	sst s6  }
0xf: {  	[smem:$0x3FB2] =	sst s7  }
0x10: {  	[smem:$0x3FB3] =	sst s8  }
0x11: {  	[smem:$0x3FB4] =	sst s9;
	s0 =	simm.s32 @!p0 $0x0  }
0x12: {  	s1 =	sld [smem:$0x3F9A];
	s0 =	simm.s32 @p0 $0x1  }
0x13: {  	[smem:$0x3FB5] =	sst s0;
	s0 =	simm.s32 @!p1 $0x0  }
0x14: {  	s2 =	sld [smem:$0x3F99];
	s0 =	simm.s32 @p1 $0x1  }
0x15: {  	[smem:$0x3FB6] =	sst s0;
	s0 =	simm.s32 @!p2 $0x0  }
0x16: {  	s3 =	sld [smem:$0x3FDB];
	s0 =	simm.s32 @p2 $0x1  }
0x17: {  	s4 =	simm.s32 $0x1BF5;
	[smem:$0x3FB8] =	sst s0  }
0x18: {  	s0 =	sld [smem:$0x3F9B];
	_ =	swait.ge [sflag:s4], $0x0  }
0x19: {  	s7 =	sld [smem:$0x3F9C]  }
0x1a: {  	s8 =	sadd.s32 $0xFFFFE003, lr  }
0x1b: {  	s9 =	sadd.s32 $0xFFFFFEF7, lr;
	s5 =	simm.s32 $0xFFFFFFFF;
	p2 =	slt.u32 s8, $0xFFFFF086  }
0x1c: {  	p1 =	slt.u32 s9, $0xF7A;
	s5 =	simm.s32 @!p2 $0x0  }
0x1d: {  	s5 =	simm.s32 @p1 $0x1;
	p0 =	seq.s32 s7, s2  }
0x1e: {  	s7 =	smul.u32 @!p0 $0xF7A, s2;
	p2 =	seq.s32 @!p0 s5, $0x0  }
0x1f: {  	s9 =	smul.u32 $0xF7A, s1;
	s8 =	simm.s32 @!p0 $0x1BF5;
	p2 =	por !p2, p0  }
0x20: {  	[sflag:s8] =	ssyncset.s32 @!p0 $0xFFFFF086;
	s6 =	sadd.s32 @!p0 s3, s7;
	s7 =	simm.s32 @!p0 $0x108  }
0x21: {  	s3 =	sadd.s32 s3, s9;
	s6 =	sadd.s32 @!p0 $0x88, s6;
	s7 =	simm.s32 @p2 $0x1082  }
0x22: {  	[simem:s7], [sflag:s8] =	dma.local @!p0 [hbm:s6], $0xF7A  }
0x23: {  	s9 =	sor.u32 $0xD0000000, s2;
	s6 =	simm.s32 $0x108;
	_ =	swait.ge @!p0 [sflag:s8], $0x0  }
0x24: {  	s3 =	sadd.s32 $0x88, s3;
	s6 =	simm.s32 @!p1 $0x1082;
	[sflag:s4] =	ssyncset.s32 $0xFFFFF086  }
0x25: {  	[simem:s6], [sflag:s4] =	dma.local [hbm:s3], $0xF7A  }
0x26: {  	[smem:$0x3F9C] =	sst s1;
	(tag) =	ssettag s2;
	_ =	strace s9  }
0x27: {  	s1 =	sld [smem:$0x3FAC]  }
0x28: {  	s2 =	sld [smem:$0x3FAD]  }
0x29: {  	s4 =	sld [smem:$0x3FAF]  }
0x2a: {  	p0 =	seq.s32 s5, $0x0;
	s5 =	sld [smem:$0x3FB0]  }
0x2b: {  	s6 =	sld [smem:$0x3FB1]  }
0x2c: {  	s7 =	sld [smem:$0x3FB2]  }
0x2d: {  	s3 =	simm.s32 $0x108;
	s8 =	sld [smem:$0x3FB3]  }
0x2e: {  	s3 =	simm.s32 @!p0 $0x1082;
	s9 =	sld [smem:$0x3FB4]  }
0x2f: {  	lr =	sadd.s32 s0, s3;
	s0 =	sld [smem:$0x3FAB]  }
0x30: {  	s3 =	sld [smem:$0x3FAE]  }
0x31: {  	[smem:$0x3FB7] =	sst s10  }
0x32: {  	s10 =	sld [smem:$0x3FB5];
	_ =	sdelay $0x3  }
0x33: {  	p0 =	seq.s32 s10, $0x1;
	s10 =	sld [smem:$0x3FB7];
	_ =	sdelay $0x3  }
0x34: {  	[smem:$0x3FB7] =	sst s10  }
0x35: {  	s10 =	sld [smem:$0x3FB6];
	_ =	sdelay $0x3  }
0x36: {  	p1 =	seq.s32 s10, $0x1;
	s10 =	sld [smem:$0x3FB7];
	_ =	sdelay $0x3  }
0x37: {  	[smem:$0x3FB7] =	sst s10  }
0x38: {  	s10 =	sld [smem:$0x3FB8]  }
0x39: {  	_ = 	snop;
	(pc) =	sbr.ind lr, $3  }
0x3a: {  	_ = 	snop  }
0x3b: {  	_ = 	snop  }
0x3c: {  	p2 =	seq.s32 s10, $0x1;
	s10 =	sld [smem:$0x3FB7]  }
0x3d: {  	_ =	shalt  }
0x3e: {  	_ =	shalt  }
0x3f: {  	_ =	shalt  }
0x40: {  	_ =	shalt  }
0x41: {  	_ =	shalt  }
0x42: {  	_ =	shalt  }
0x43: {  	_ =	shalt  }
0x44: {  	_ =	shalt  }
0x45: {  	_ =	shalt  }
0x46: {  	_ =	shalt  }
0x47: {  	_ =	shalt  }
0x48: {  	_ =	shalt  }
0x49: {  	_ =	shalt  }
0x4a: {  	_ =	shalt  }
0x4b: {  	_ =	shalt  }
0x4c: {  	_ =	shalt  }
0x4d: {  	_ =	shalt  }
0x4e: {  	_ =	shalt  }
0x4f: {  	_ =	shalt  }
0x50: {  	_ =	shalt  }
0x51: {  	_ =	shalt  }
0x52: {  	_ =	shalt  }
0x53: {  	_ =	shalt  }
0x54: {  	_ =	shalt  }
0x55: {  	_ =	shalt  }
0x56: {  	_ =	shalt  }
0x57: {  	_ =	shalt  }
0x58: {  	_ =	shalt  }
0x59: {  	_ =	shalt  }
0x5a: {  	_ =	shalt  }
0x5b: {  	_ =	shalt  }
0x5c: {  	_ =	shalt  }
0x5d: {  	_ =	shalt  }
0x5e: {  	_ =	shalt  }
0x5f: {  	_ =	shalt  }
0x60: {  	_ =	shalt  }
0x61: {  	_ =	shalt  }
0x62: {  	_ =	shalt  }
0x63: {  	_ =	shalt  }
0x64: {  	_ =	shalt  }
0x65: {  	_ =	shalt  }
0x66: {  	_ =	shalt  }
0x67: {  	_ =	shalt  }
0x68: {  	_ =	shalt  }
0x69: {  	_ =	shalt  }
0x6a: {  	_ =	shalt  }
0x6b: {  	_ =	shalt  }
0x6c: {  	_ =	shalt  }
0x6d: {  	_ =	shalt  }
0x6e: {  	_ =	shalt  }
0x6f: {  	_ =	shalt  }
0x70: {  	_ =	shalt  }
0x71: {  	_ =	shalt  }
0x72: {  	_ =	shalt  }
0x73: {  	_ =	shalt  }
0x74: {  	_ =	shalt  }
0x75: {  	_ =	shalt  }
0x76: {  	_ =	shalt  }
0x77: {  	_ =	shalt  }
0x78: {  	_ =	shalt  }
0x79: {  	_ =	shalt  }
0x7a: {  	_ =	shalt  }
0x7b: {  	_ =	shalt  }
0x7c: {  	_ =	shalt  }
0x7d: {  	_ =	shalt  }
0x7e: {  	_ =	shalt  }
0x7f: {  	_ =	shalt  }
0x80: {  	_ =	shalt  }
0x81: {  	_ =	shalt  }
0x82: {  	_ =	shalt  }
0x83: {  	_ =	shalt  }
0x84: {  	_ =	shalt  }
0x85: {  	_ =	shalt  }
0x86: {  	_ =	shalt  }
0x87: {  	_ =	shalt  }
.Lfunc_end0:
.L_simem_size_0:
called_computation_lowered:
.L_overlay_start_0:
0x88: {  	s2 =	sld [smem:$0x3FD9]  }
0x89: {  	s3 =	sld [smem:$0x3FFE];
	_ =	sdelay $0x1  }
0x8a: {  	s1 =	srdreg.scid  }
0x8b: {  	s0 =	sand.u32 $0x1, s1  }
0x8c: {  	s17 =	sshll.u32 s0, $0xA;
	s2 =	sadd.s32 s3, s2  }
0x8d: {  	s2 =	sadd.s32 s2, s17  }
0x8e: {  	[smem:$0x3FC3] =	sst s2  }
0x8f: {  	_ = 	snop  }
0x90: {  	s2 =	sld [smem:$0x3FD0];
	(tm) =	ssettm $0x1  }
0x91: {  	s18 =	sld [smem:$0x3FFB];
	_ =	sdelay $0x3  }
0x92: {  	_ =	strace s18  }
0x93: {  	s3 =	sld [smem:$0x3FFC];
	_ =	sdelay $0x3  }
0x94: {  	_ =	strace s3  }
0x95: {  	s3 =	sld [smem:$0x3FFD];
	_ =	sdelay $0x3  }
0x96: {  	_ =	strace s3  }
0x97: {  	_ =	strace $0x8FFFFFFF  }
0x98: {  	s19 =	sld [smem:$0x3FDB];
	_ =	sdelay $0x1  }
0x99: {  	s4 =	simm.s32 $_scs_section_size  }
0x9a: {  	s5 =	simm.s32 $_size__tile_overlayer_lowered;
	s6 =	simm.s32 $_tile_overlayer_lowered  }
0x9b: {  	s22 =	simm.s32 $0x1BFF;
	s21 =	sshll.u32 s6, $0x1;
	s3 =	sadd.s32 s4, s19  }
0x9c: {  	s7 =	simm.s32 $0x0;
	s20 =	sshll.u32 s5, $0x1;
	s5 =	sadd.s32 s21, s3  }
0x9d: {  	[timem:s7], [sflag:s22] =	dma.local [hbm:s5], s20  }
0x9e: {  	_ =	swait.ge [sflag:s22], s20  }
0x9f: {  	s4 =	ssub.s32 $0x0, s20;
	[sflag:s22] =	ssyncset.done $0x0  }
0xa0: {  	[sflag:s22] =	ssyncadd.s32 s4;
	_ =	sdelay $0x1  }
0xa1: {  	s23 =	simm.s32 $0x1B8B  }
0xa2: {  	_ =	swait.ge [sflag:s23], $0x1  }
0xa3: {  	[sflag:s23] =	ssyncset.done $0x0  }
0xa4: {  	s25 =	simm.s32 $0x1B8E;
	s24 =	sld [smem:$0x3FFE];
	[sflag:s23] =	ssyncadd.s32 $0xFFFFFFFF  }
0xa5: {  	s26 =	simm.s32 $execute0_lowered;
	[smem:$0x3FD2] =	sst s25  }
0xa6: {  	s5 =	sshll.u32 s26, $0x1;
	_ =	strace $0x80000046;
	[dreg:$0x1] =	wrdreg $0xFFFFFFFF  }
0xa7: {  	s28 =	simm.s32 $_size_execute0_lowered;
	s3 =	sadd.s32 s3, s5;
	[dreg:$0x0] =	wrdreg $0x0  }
0xa8: {  	s5 =	sshll.u32 s28, $0x1;
	[dreg:$0x2] =	wrdreg s3  }
0xa9: {  	[dreg:$0x3] =	wrdreg s5  }
0xaa: {  	[dreg:$0x4] =	wrdreg $0xC0  }
0xab: {  	_ =	task [dreg:s7], $0x5FFFF  }
0xac: {  	[dreg:$0x1] =	wrdreg $0xFFFFFFFF  }
0xad: {  	[dreg:$0x0] =	wrdreg $0x60  }
0xae: {  	[dreg:$0x2] =	wrdreg s24  }
0xaf: {  	[dreg:$0x3] =	wrdreg s2  }
0xb0: {  	[dreg:$0x4] =	wrdreg $0x2B400  }
0xb1: {  	[dreg:$0x5] =	wrdreg $0x9  }
0xb2: {  	_ =	task.clear_ibuf [dreg:s7], $0x6FFFF;
	_ =	strace $0x90000046  }
0xb3: {  	s29 =	simm.s32 $0x9;
	_ =	strace $0x80000048  }
0xb4: {  	_ =	swait.ge [sflag:s29], $0x1  }
0xb5: {  	[sflag:s29] =	ssyncadd.s32 $0xFFFFFFFF  }
0xb6: {  	_ =	strace $0x90000048  }
0xb7: {  	_ =	sfence  }
0xb8: {  	s30 =	sld [smem:$0x0];
	_ =	sdelay $0x2  }
0xb9: {  	s31 =	sshll.u32 s1, $0xD;
	s1 =	sshrl.u32 s1, $0x2  }
0xba: {  	s3 =	sand.u32 $0x4000, s31;
	s1 =	sadd.s32 s1, s30  }
0xbb: {  	s0 =	sor.u32 s3, s0;
	s1 =	sshll.u32 s1, $0x11  }
0xbc: {  	s0 =	sor.u32 s1, s0  }
0xbd: {  	s0 =	sadd.s32 $0x8F2B, s0  }
0xbe: {  	[sflag:s0] =	ssyncadd.remote.s32 $0x1  }
0xbf: {  	_ =	sfence.sel $0xFFFF  }
0xc0: {  	[dreg:$0x0] =	wrdreg $0xFFFFFFFF;
	(pc) =	sbr.abs _section_cstart, $3  }
0xc1: {  	[dreg:$0x1] =	wrdreg $0xFFFFFFFF  }
0xc2: {  	_ =	task.clear_ibuf [dreg:s7], $0x2FFFF;
	_ =	strace $0x9FFFFFFF  }
0xc3: {  	(tm) =	ssettm $0x7FFFFFFF  }
tec
execute0_lowered:
.L_overlay_start_1:
0x0: {  	(tag) =	ssettag $0x1  }
0x1: {  	s9 =	rddreg [dreg:$0x0]  }
0x2: {  	s12 =	rddreg [dreg:$0x1]  }
0x3: {  	s0 =	srdreg.scid;
	s2 =	rddreg [dreg:$0x2];
	s3 =	simm.s32 $0x0  }
0x4: {  	s18 =	simm.s32 $0x40;
	s19 =	simm.s32 $0x2740;
	s20 =	simm.s32 $0x1  }
0x5: {  	s21 =	simm.s32 $0x1FC2;
	s8 =	sand.u32 $0x1, s0;
	s0 =	stileid.u32  }
0x6: {  	s22 =	simm.s32 $0x0;
	[smem:$0x7FF] =	sst s3;
	s10 =	smul.u32 $0x2780, s0  }
0x7: {  	s1 =	sshll.u32 s8, $0x4;
	s6 =	ssub.s32 $0x2, s8;
	s16 =	smul.u32 $0x4E20, s8  }
0x8: {  	s8 =	sadd.s32 $0x1A810, s9;
	s31 =	sshll.u32 s0, $0x6;
	p1 =	seq.s32 s0, $0xF  }
0x9: {  	s14 =	sor.u32 s0, s1;
	s1 =	rddreg [dreg:$0x3];
	_ =	strace $0x80000047  }
0xa: {  	s7 =	sshrl.u32 s6, $0x1;
	s4 =	smul.u32 $0x9C, s14;
	s5 =	smin.u32 s14, $0x8  }
0xb: {  	p0 =	slt.u32 s14, $0x8;
	s15 =	ssub.s32 s6, s7;
	s7 =	sadd.s32 $0x25080, s2  }
0xc: {  	s12 =	sadd.s32 s12, s16;
	s4 =	sadd.s32 s5, s4;
	s5 =	simm.s32 $0x9D  }
0xd: {  	s16 =	sor.u32 $0x1C02, s31;
	s4 =	sshll.u32 s4, $0x3;
	s5 =	simm.s32 @!p0 $0x9C  }
0xe: {  	p0 =	sgt.u32 s14, $0x7;
	s11 =	sadd.s32 s4, s9;
	s4 =	sshrl.u32 s10, $0x3  }
0xf: {  	s14 =	simm.s32 $0x2;
	s10 =	sadd.s32 s10, s2;
	s13 =	sadd.s32 s4, s9  }
0x10: {  	s6 =	sadd.s32 $0x2200, s11;
	s9 =	sadd.s32 $0x26E0, s11;
	s17 =	sshrl.u32 s10, $0x3  }
0x11: {  	v0 =	vimm.f32 $1.000000000e+00;
	s11 =	sadd.s32 $0x15E00, s13;
	s13 =	smax.u32 s15, $0x1;
	s15 =	simm.s32 $0x2700  }
.LBB2_1:
0x12: {  	s23 =	simm.s32 $0x40;
	s24 =	simm.s32 $0x0  }
.LBB2_2:
0x13: {  	p2 =	sne.s32 s23, $0xFC0;
	[tilespmem:s24+$0x2740] =	vst v0;
	s24 =	smov.u32 s23;
	s23 =	sadd.s32 $0x40, s23  }
.Ltmp0:
0x14: {  	(pc) =	sbr.rel @p2 .LBB2_2-.Ltmp0, $2  }
0x15: {  	_ =	sdelay $0x2  }
0x16: {  	s24 =	sshra.s32 s24, $0x2  }
.Ltmp1:
0x17: {  	[tilespmem:s24+$0x2740] =	vst v0;
	(pc) =	sbr.rel @p0 .LBB2_5-.Ltmp1, $4  }
0x18: {  	[tilespmem:s3], [sflag:$0x2] =	stream.linear.gather [hbm4b:s6+s3], $0x2700, $0x38;
	[tilespmem:$0x5250] =	vst v63  }
0x19: {  	_ =	swait.ge [sflag:s14], $0x2700  }
0x1a: {  	[sflag:s14] =	ssyncset.done $0x0  }
0x1b: {  	[sflag:s14] =	ssyncadd.s32 $0xFFFFD900  }
.Ltmp2:
0x1c: {  	(pc) =	sbr.rel .LBB2_6-.Ltmp2, $4  }
0x1d: {  	[tilespmem:s15], [sflag:$0x2] =	stream.linear.gather [hbm4b:s9+s3], $0x40, $0x38;
	[tilespmem:$0x5250] =	vst v63  }
0x1e: {  	_ =	swait.ge [sflag:s14], $0x40  }
0x1f: {  	[sflag:s14] =	ssyncset.done $0x0  }
0x20: {  	[sflag:s14] =	ssyncadd.s32 $0xFFFFFFC0  }
.LBB2_5:
.Ltmp3:
0x21: {  	(pc) =	sbr.rel @!p1 .LBB2_6-.Ltmp3, $1  }
0x22: {  	_ =	sdelay $0x3  }
.Ltmp4:
0x23: {  	s23 =	sshrl.u32 s7, $0x3;
	(pc) =	sbr.rel .LBB2_8-.Ltmp4, $4  }
0x24: {  	[spmem:s23], [sflag:s21] =	dma.local [hbm:s8], $0x410  }
0x25: {  	_ =	swait.ge [sflag:s14], $0x410  }
0x26: {  	[sflag:s14] =	ssyncset.done $0x0  }
0x27: {  	p2 =	por $0x1, $0x1;
	[sflag:s14] =	ssyncadd.s32 $0xFFFFFBF0  }
.LBB2_6:
0x28: {  	[spmem:s17], [sflag:s16] =	dma.local [hbm:s11], $0x4F0  }
0x29: {  	_ =	swait.ge [sflag:s14], $0x4F0  }
0x2a: {  	[sflag:s14] =	ssyncset.done $0x0  }
0x2b: {  	p2 =	por $0x0, $0x0;
	[sflag:s14] =	ssyncadd.s32 $0xFFFFFB10  }
.LBB2_8:
0x2c: {  	p3 =	sne.s32 s5, $0x1  }
.Ltmp5:
0x2d: {  	_ = 	snop;
	(pc) =	sbr.rel @!p3 .LBB2_10-.Ltmp5, $3  }
0x2e: {  	_ =	sdelay $0x1  }
0x2f: {  	[bflag:$0x0] =	sbarrier.arrive $0xFFFF;
	s23 =	simm.s32 $0x0;
	s24 =	sadd.s32 $0xFFFFFFFF, s5  }
0x30: {  	[spmem:s2] =	stream.indirect.scatter.add.f32 [tilespmem:s19], [sflag:$0x1], $0x10, s23, s18, $0xb8;
	[tilespmem:$0x5250] =	vst v63  }
.LBB2_9:
0x31: {  	p4 =	sne.s32 s24, $0x1  }
.Ltmp6:
0x32: {  	_ = 	snop;
	(pc) =	sbr.rel @p4 .LBB2_9-.Ltmp6, $3  }
0x33: {  	_ = 	snop  }
0x34: {  	s24 =	sadd.s32 $0xFFFFFFFF, s24;
	s23 =	sadd.s32 $0x40, s23;
	_ =	sdelay $0x1  }
0x35: {  	[spmem:s2] =	stream.indirect.scatter.add.f32 [tilespmem:s19], [sflag:$0x1], $0x10, s23, s18, $0xb8;
	[tilespmem:$0x5250] =	vst v63  }
.LBB2_10:
.Ltmp7:
0x36: {  	(pc) =	sbr.rel @!p3 .LBB2_12-.Ltmp7, $3  }
0x37: {  	_ =	sdelay $0x1  }
0x38: {  	_ =	swait.ge [sflag:s20], $0x400  }
0x39: {  	s23 =	sadd.s32 $0xFFFFFFFF, s5;
	[sflag:s20] =	ssyncset.done $0x0  }
.LBB2_11:
0x3a: {  	p3 =	sne.s32 s23, $0x1;
	s23 =	sadd.s32 $0xFFFFFFFF, s23;
	[sflag:s20] =	ssyncadd.s32 $0xFFFFFC00  }
.Ltmp8:
0x3b: {  	(pc) =	sbr.rel @p3 .LBB2_11-.Ltmp8, $3  }
0x3c: {  	_ =	sdelay $0x1  }
0x3d: {  	_ =	swait.ge [sflag:s20], $0x400  }
0x3e: {  	[sflag:s20] =	ssyncset.done $0x0  }
.LBB2_12:
0x3f: {  	[sflag:s20] =	ssyncadd.s32 $0xFFFFFC00;
	s23 =	sshll.u32 @p2 s0, $0x6;
	s24 =	sadd.s32 @p2 $0x4A10, s12  }
0x40: {  	s25 =	sshrl.u32 @p2 s7, $0x3;
	[bflag:$0x0] =	sbarrier.arrive $0xFFFF;
	s23 =	sor.u32 @p2 $0x1C02, s23  }
0x41: {  	[hbm:s24], [sflag:s23] =	dma.local @p2 [spmem:s25], $0x410  }
0x42: {  	s23 =	simm.s32 @p2 $0x2  }
0x43: {  	_ =	swait.ge @p2 [sflag:s23], $0x410  }
0x44: {  	s22 =	sadd.s32 $0x1, s22;
	[sflag:s23] =	ssyncset.done @p2 $0x0  }
0x45: {  	p3 =	sne.s32 s22, s13;
	[sflag:s23] =	ssyncadd.s32 @p2 $0xFFFFFBF0;
	s23 =	sshll.u32 @!p2 s0, $0x6  }
0x46: {  	s24 =	sadd.s32 @!p2 s4, s12;
	s25 =	sshrl.u32 @!p2 s10, $0x3;
	s23 =	sor.u32 @!p2 $0x1C02, s23  }
0x47: {  	[hbm:s24], [sflag:s23] =	dma.local @!p2 [spmem:s25], $0x4F0  }
.Ltmp9:
0x48: {  	_ = 	snop;
	(pc) =	sbr.rel @p3 .LBB2_1-.Ltmp9, $4  }
0x49: {  	s23 =	simm.s32 @!p2 $0x2  }
0x4a: {  	_ =	swait.ge @!p2 [sflag:s23], $0x4F0  }
0x4b: {  	[sflag:s23] =	ssyncset.done @!p2 $0x0  }
0x4c: {  	[sflag:s23] =	ssyncadd.s32 @!p2 $0xFFFFFB10  }
0x4d: {  	_ =	sfence.sel $0x180000  }
0x4e: {  	[bflag:$0x0] =	sbarrier.arrive $0xFFFF  }
0x4f: {  	p0 =	sne.s32 s0, $0x0;
	_ =	strace $0x90000047  }
0x50: {  	s0 =	sadd.s32 @!p0 $0x100000, s1;
	[bflag:$0x2] =	sbarrier.arrive $0xFFFF  }
0x51: {  	[sflag:s0] =	ssyncadd.tile.s32 @!p0 $0x1;
	_ =	shalt  }
.Lfunc_end2:
_tile_overlayer_lowered:
.L_overlay_start_2:
0x52: {  	(tag) =	ssettag $0x2  }
0x53: {  	s0 =	rddreg [dreg:$0x0];
	s2 =	stileid.u32  }
0x54: {  	s1 =	rddreg [dreg:$0x1];
	p0 =	sne.s32 s2, $0x0  }
0x55: {  	s3 =	rddreg [dreg:$0x2];
	[bflag:$0x3] =	sbarrier.arrive $0xFFFF;
	s2 =	simm.s32 @!p0 $0x1C02  }
0x56: {  	[timem:s3], [sflag:s2] =	dma.local @!p0 [hbm:s0], s1  }
0x57: {  	s0 =	simm.s32 @!p0 $0x2  }
0x58: {  	_ =	swait.ge @!p0 [sflag:s0], s1  }
0x59: {  	s1 =	ssub.s32 @!p0 $0x0, s1;
	[sflag:s0] =	ssyncset.done @!p0 $0x0  }
0x5a: {  	[sflag:s0] =	ssyncadd.s32 @!p0 s1  }
0x5b: {  	[bflag:$0x3] =	sbarrier.arrive $0xFFFF  }
0x5c: {  	_ =	shalt  }

</sc_bundles>
